<compile_context>
chip_gen: v7x
topology: tpu7x:2x2x1
jax: 0.10.2.dev20260603
libtpu: 0.0.44.dev20260713+nightly
codegen_flags: <defaults>
</compile_context>

<pallas_src>
import functools
import jax
import jax.numpy as jnp
from jax import lax
from jax.experimental import pallas as pl
from jax.experimental.pallas import tpu as pltpu
from jax.experimental.pallas import tpu_sc as plsc

N_NODES = 10000
N_EDGES = 320000
DX = 128
DY = 64
DT = 16

NC = 2
NS = 16
EPT = N_EDGES // NS
CHUNK = 80
NBUF = 4
NCHUNK = EPT // CHUNK
STEADY = NCHUNK - NCHUNK % NBUF
N_PAD = 10240
ROWS_PT = N_PAD // NS
ZROWS = 32
assert EPT == NCHUNK * CHUNK


def _zero_vmem(ref, rows, width):
    def body(r, c):
        for j in range(width // 16):
            ref[r, pl.ds(j * 16, 16)] = jnp.zeros((16,), jnp.float32)
        return c
    lax.fori_loop(0, rows, body, 0)


def _aggregate_half(table_hbm, out_hbm, src_hbm, dst_hbm,
                    sidx, didx, buf, zbuf, acc, semi, semg, sid):
    my_rows = sid * ROWS_PT
    ebase = sid * EPT

    def idx_load(i, b):
        base = pl.multiple_of(ebase + i * CHUNK, 8)
        pltpu.async_copy(src_hbm.at[pl.ds(base, CHUNK)], sidx[b], semi[b])
        pltpu.async_copy(dst_hbm.at[pl.ds(base, CHUNK)], didx[b], semi[b])

    def idx_wait(i, b):
        base = pl.multiple_of(ebase + i * CHUNK, 8)
        pltpu.make_async_copy(src_hbm.at[pl.ds(base, CHUNK)], sidx[b],
                              semi[b]).wait()
        pltpu.make_async_copy(dst_hbm.at[pl.ds(base, CHUNK)], didx[b],
                              semi[b]).wait()

    def gather_start(b):
        pltpu.async_copy(table_hbm.at[sidx[b]], buf[b], semg[b])

    def gather_wait(b):
        pltpu.make_async_copy(table_hbm.at[sidx[b]], buf[b], semg[b]).wait()

    for j in range(NBUF):
        idx_load(j, j)
    for j in range(NBUF - 1):
        idx_wait(j, j)
        gather_start(j)

    for k in range(ROWS_PT // ZROWS):
        pltpu.sync_copy(zbuf, acc.at[pl.ds(my_rows + k * ZROWS, ZROWS)])
    plsc.subcore_barrier()

    @pl.loop(0, STEADY, step=NBUF)
    def _(g):
        for b in range(NBUF):
            i = g + b
            nb = (b + NBUF - 1) % NBUF
            gather_wait(b)
            pltpu.sync_copy(buf[b], acc.at[didx[b]], add=True)

            @pl.when(i + NBUF - 1 < NCHUNK)
            def _():
                idx_wait(i + NBUF - 1, nb)
                gather_start(nb)

            @pl.when(i + NBUF < NCHUNK)
            def _():
                idx_load(i + NBUF, b)

    for r in range(STEADY, NCHUNK):
        b = r % NBUF
        gather_wait(b)
        pltpu.sync_copy(buf[b], acc.at[didx[b]], add=True)

    plsc.subcore_barrier()

    pltpu.sync_copy(acc.at[pl.ds(my_rows, ROWS_PT)],
                    out_hbm.at[pl.ds(my_rows, ROWS_PT)])


def _sc_aggregate_body(src_hbm, dst_hbm, hX_hbm, hYp_hbm, pX_hbm, pY_hbm,
                       *scratch):
    cid = lax.axis_index("c")
    sid = lax.axis_index("s")
    sidx = list(scratch[0:NBUF])
    didx = list(scratch[NBUF:2 * NBUF])
    buf = list(scratch[2 * NBUF:3 * NBUF])
    zbuf = scratch[3 * NBUF]
    acc = scratch[3 * NBUF + 1]
    semi = list(scratch[3 * NBUF + 2:3 * NBUF + 2 + NBUF])
    semg = list(scratch[3 * NBUF + 2 + NBUF:3 * NBUF + 2 + 2 * NBUF])

    _zero_vmem(zbuf, ZROWS, DX)

    @pl.when(cid == 0)
    def _():
        _aggregate_half(hX_hbm, pX_hbm, src_hbm, dst_hbm,
                        sidx, didx, buf, zbuf, acc, semi, semg, sid)

    @pl.when(cid == 1)
    def _():
        _aggregate_half(hYp_hbm, pY_hbm, src_hbm, dst_hbm,
                        sidx, didx, buf, zbuf, acc, semi, semg, sid)


def _sc_aggregate(src, dst, h_X, h_Yp):
    mesh = plsc.VectorSubcoreMesh(core_axis_name="c", subcore_axis_name="s")
    fn = pl.kernel(
        _sc_aggregate_body,
        out_type=(
            jax.ShapeDtypeStruct((N_PAD, DX), jnp.float32),
            jax.ShapeDtypeStruct((N_PAD, DX), jnp.float32),
        ),
        mesh=mesh,
        scratch_types=(
            [pltpu.VMEM((CHUNK,), jnp.int32)] * (2 * NBUF)
            + [pltpu.VMEM((CHUNK, DX), jnp.float32)] * NBUF
            + [
                pltpu.VMEM((ZROWS, DX), jnp.float32),
                pltpu.VMEM_SHARED((N_PAD, DX), jnp.float32),
            ]
            + [pltpu.SemaphoreType.DMA] * (2 * NBUF)
        ),
    )
    return fn(src, dst, h_X, h_Yp)


def _ln(v, g, b):
    mu = jnp.mean(v, axis=-1, keepdims=True)
    var = jnp.mean((v - mu) * (v - mu), axis=-1, keepdims=True)
    return (v - mu) * lax.rsqrt(var + 1e-5) * g + b


def _tc_update_body(pX, pY, ht, wxt, bx, gx, bex, wyt, by, gy, bey, ox, oy):
    aX = pX[...]
    aY = pY[:, :DY]
    dot = functools.partial(jnp.dot, preferred_element_type=jnp.float32,
                            precision=lax.Precision.HIGHEST)
    t = dot(ht[...], wxt[DX + DY:])
    xb = dot(aX, wxt[:DX]) + dot(aY, wxt[DX:DX + DY]) + t + bx[...]
    xb = jnp.maximum(xb, 0.0)
    ox[...] = _ln(xb, gx[...], bex[...])
    yb = dot(aY, wyt[...]) + by[...]
    yb = jnp.maximum(yb, 0.0)
    oy[...] = _ln(yb, gy[...], bey[...])


def _tc_update(pX, pY, h_t, WXT, bX, gX, betX, WYT, bY, gY, betY):
    R = 2000
    grid = (N_NODES // R,)
    full = lambda shape: pl.BlockSpec(shape, lambda i: (0,) * len(shape))
    return pl.pallas_call(
        _tc_update_body,
        grid=grid,
        in_specs=[
            pl.BlockSpec((R, DX), lambda i: (i, 0)),
            pl.BlockSpec((R, DX), lambda i: (i, 0)),
            full((1, DT)),
            full((DX + DY + DT, DX)),
            full((1, DX)),
            full((1, DX)),
            full((1, DX)),
            full((DY, DY)),
            full((1, DY)),
            full((1, DY)),
            full((1, DY)),
        ],
        out_specs=[
            pl.BlockSpec((R, DX), lambda i: (i, 0)),
            pl.BlockSpec((R, DY), lambda i: (i, 0)),
        ],
        out_shape=[
            jax.ShapeDtypeStruct((N_NODES, DX), jnp.float32),
            jax.ShapeDtypeStruct((N_NODES, DY), jnp.float32),
        ],
    )(pX, pY, h_t, WXT, bX, gX, betX, WYT, bY, gY, betY)


def kernel(edge_index, h_X, h_Y, h_t, WX, bX, gX, betX, WY, bY, gY, betY):
    src = edge_index[0].astype(jnp.int32)
    dst = edge_index[1].astype(jnp.int32)
    h_Yp = jnp.pad(h_Y, ((0, 0), (0, DX - DY)))
    pX, pY = _sc_aggregate(src, dst, h_X, h_Yp)
    x, y = _tc_update(
        pX, pY, h_t, WX.T, bX.reshape(1, DX), gX.reshape(1, DX),
        betX.reshape(1, DX), WY.T, bY.reshape(1, DY), gY.reshape(1, DY),
        betY.reshape(1, DY))
    return (x, y)

# --- scband reference (transcript-rebuilt; emitter-appended) ---
"""Pipeline reference for scband-gnnlayer-70746701299878 (READ-ONLY COPY).

The authoritative reference and input builder live on the scoring server;
editing this copy changes nothing except your own understanding.
"""

import jax, jax.numpy as jnp
import numpy as np

HIDDEN_X = 128
HIDDEN_Y = 64
HIDDEN_T = 16
N_NODES = 10000
N_EDGES = 320000


def _layer_norm(x, gamma, beta, eps=1e-5):
    mu = jnp.mean(x, axis=-1, keepdims=True)
    var = jnp.var(x, axis=-1, keepdims=True)
    return (x - mu) / jnp.sqrt(var + eps) * gamma + beta


def setup_inputs(seed: int = 0) -> dict:
    key = jax.random.key(seed)
    ks = jax.random.split(key, 12)
    edge_index = jax.random.randint(ks[0], (2, N_EDGES), 0, N_NODES, dtype=jnp.int64)
    h_X = jax.random.normal(ks[1], (N_NODES, HIDDEN_X), dtype=jnp.float32)
    h_Y = jax.random.normal(ks[2], (N_NODES, HIDDEN_Y), dtype=jnp.float32)
    h_t = jax.random.normal(ks[3], (1, HIDDEN_T), dtype=jnp.float32)
    d_in_X = HIDDEN_X + HIDDEN_Y + HIDDEN_T
    WX = jax.random.normal(ks[4], (HIDDEN_X, d_in_X), dtype=jnp.float32) / np.sqrt(d_in_X)
    bX = jnp.zeros((HIDDEN_X,), dtype=jnp.float32)
    gX = jnp.ones((HIDDEN_X,), dtype=jnp.float32)
    betX = jnp.zeros((HIDDEN_X,), dtype=jnp.float32)
    WY = jax.random.normal(ks[5], (HIDDEN_Y, HIDDEN_Y), dtype=jnp.float32) / np.sqrt(HIDDEN_Y)
    bY = jnp.zeros((HIDDEN_Y,), dtype=jnp.float32)
    gY = jnp.ones((HIDDEN_Y,), dtype=jnp.float32)
    betY = jnp.zeros((HIDDEN_Y,), dtype=jnp.float32)
    return {"edge_index": edge_index, "h_X": h_X, "h_Y": h_Y, "h_t": h_t,
            "WX": WX, "bX": bX, "gX": gX, "betX": betX,
            "WY": WY, "bY": bY, "gY": gY, "betY": betY}


def reference(edge_index, h_X, h_Y, h_t, WX, bX, gX, betX, WY, bY, gY, betY):
    # A @ X implemented as scatter-add over edges: A[dst, src] = 1
    src = edge_index[0]
    dst = edge_index[1]
    N = h_X.shape[0]
    hXY = jnp.concatenate([h_X, h_Y], axis=1)
    h_aggr_X = jax.ops.segment_sum(jnp.take(hXY, src, axis=0), dst, num_segments=N)
    h_aggr_Y = jax.ops.segment_sum(jnp.take(h_Y, src, axis=0), dst, num_segments=N)
    h_t_expand = jnp.broadcast_to(h_t, (N, h_t.shape[1]))
    h_in = jnp.concatenate([h_aggr_X, h_t_expand], axis=1)
    # update_X: Linear -> ReLU -> LayerNorm -> Dropout(eval = identity)
    x = h_in @ WX.T + bX
    x = jax.nn.relu(x)
    x = _layer_norm(x, gX, betX)
    # update_Y: Linear -> ReLU -> LayerNorm -> Dropout(eval = identity)
    y = h_aggr_Y @ WY.T + bY
    y = jax.nn.relu(y)
    y = _layer_norm(y, gY, betY)
    return (x, y)

if __name__ == "__main__":
    import jax
    _d = setup_inputs()
    print(jax.jit(kernel)(*tuple(_d.values())))

</pallas_src>

<mosaic_0001>
#map = affine_map<(d0, d1) -> (0)>
#map1 = affine_map<(d0, d1) -> (0, 0)>
module attributes {stable_mosaic.version = 14 : i64} {
  func.func @_sc_aggregate_body(%arg0: i32, %arg1: i32, %arg2: memref<320000xi32, #tpu.memory_space<hbm>>, %arg3: memref<320000xi32, #tpu.memory_space<hbm>>, %arg4: memref<10000x128xf32, #tpu.memory_space<hbm>>, %arg5: memref<10000x128xf32, #tpu.memory_space<hbm>>, %arg6: memref<10240x128xf32, #tpu.memory_space<hbm>>, %arg7: memref<10240x128xf32, #tpu.memory_space<hbm>>, %arg8: memref<80xi32, #tpu.memory_space<vmem>>, %arg9: memref<80xi32, #tpu.memory_space<vmem>>, %arg10: memref<80xi32, #tpu.memory_space<vmem>>, %arg11: memref<80xi32, #tpu.memory_space<vmem>>, %arg12: memref<80xi32, #tpu.memory_space<vmem>>, %arg13: memref<80xi32, #tpu.memory_space<vmem>>, %arg14: memref<80xi32, #tpu.memory_space<vmem>>, %arg15: memref<80xi32, #tpu.memory_space<vmem>>, %arg16: memref<80x128xf32, #tpu.memory_space<vmem>>, %arg17: memref<80x128xf32, #tpu.memory_space<vmem>>, %arg18: memref<80x128xf32, #tpu.memory_space<vmem>>, %arg19: memref<80x128xf32, #tpu.memory_space<vmem>>, %arg20: memref<32x128xf32, #tpu.memory_space<vmem>>, %arg21: memref<10240x128xf32, #tpu.memory_space<vmem_shared>>, %arg22: memref<!tpu.dma_semaphore, #tpu.memory_space<semaphore_mem>>, %arg23: memref<!tpu.dma_semaphore, #tpu.memory_space<semaphore_mem>>, %arg24: memref<!tpu.dma_semaphore, #tpu.memory_space<semaphore_mem>>, %arg25: memref<!tpu.dma_semaphore, #tpu.memory_space<semaphore_mem>>, %arg26: memref<!tpu.dma_semaphore, #tpu.memory_space<semaphore_mem>>, %arg27: memref<!tpu.dma_semaphore, #tpu.memory_space<semaphore_mem>>, %arg28: memref<!tpu.dma_semaphore, #tpu.memory_space<semaphore_mem>>, %arg29: memref<!tpu.dma_semaphore, #tpu.memory_space<semaphore_mem>>) attributes {dimension_semantics = [#tpu.dimension_semantics<core_parallel>, #tpu.dimension_semantics<subcore_parallel>], iteration_bounds = array<i64: 2, 16>, scalar_prefetch = 0 : i64, scratch_operands = 22 : i64, tpu.core_type = #tpu.core_type<sc_vector_subcore>, window_params = [{transform_indices = #map}, {transform_indices = #map}, {transform_indices = #map1}, {transform_indices = #map1}, {transform_indices = #map1}, {transform_indices = #map1}]} {
    %scan3A = arith.constant 0 : i32
    %scan3A_0 = arith.constant 0 : i32
    %scan3A_1 = arith.constant 32 : i32
    %scan3A_2 = arith.addi %scan3A_0, %scan3A_1 : i32
    %scan3A_3 = arith.constant 1 : i32
    scf.for %scan3A_12 = %scan3A_0 to %scan3A_2 step %scan3A_3  : i32 {
      %broadcast_in_dim3A = arith.constant 0.000000e+00 : f32
      %broadcast_in_dim3A_13 = vector.broadcast %broadcast_in_dim3A : f32 to vector<16xf32>
      %swap3A = arith.index_cast %scan3A_12 : i32 to index
      %swap3A_14 = arith.constant 0 : index
      %swap3A_15 = tpu.vector_load %arg20[%swap3A, %swap3A_14] {strides = array<i32>} : memref<32x128xf32, #tpu.memory_space<vmem>>, vector<1x16xf32>,
      %swap3A_16 = vector.shape_cast %swap3A_15 : vector<1x16xf32> to vector<16xf32>
      %swap3A_17 = vector.shape_cast %broadcast_in_dim3A_13 : vector<16xf32> to vector<1x16xf32>
      tpu.vector_store %arg20[%swap3A, %swap3A_14], %swap3A_17 {strides = array<i32>} : memref<32x128xf32, #tpu.memory_space<vmem>>, vector<1x16xf32>,
      %broadcast_in_dim3A_18 = arith.constant 0.000000e+00 : f32
      %broadcast_in_dim3A_19 = vector.broadcast %broadcast_in_dim3A_18 : f32 to vector<16xf32>
      %swap3A_20 = arith.index_cast %scan3A_12 : i32 to index
      %swap3A_21 = arith.constant 16 : index
      %swap3A_22 = tpu.vector_load %arg20[%swap3A_20, %swap3A_21] {strides = array<i32>} : memref<32x128xf32, #tpu.memory_space<vmem>>, vector<1x16xf32>,
      %swap3A_23 = vector.shape_cast %swap3A_22 : vector<1x16xf32> to vector<16xf32>
      %swap3A_24 = vector.shape_cast %broadcast_in_dim3A_19 : vector<16xf32> to vector<1x16xf32>
      tpu.vector_store %arg20[%swap3A_20, %swap3A_21], %swap3A_24 {strides = array<i32>} : memref<32x128xf32, #tpu.memory_space<vmem>>, vector<1x16xf32>,
      %broadcast_in_dim3A_25 = arith.constant 0.000000e+00 : f32
      %broadcast_in_dim3A_26 = vector.broadcast %broadcast_in_dim3A_25 : f32 to vector<16xf32>
      %swap3A_27 = arith.index_cast %scan3A_12 : i32 to index
      %swap3A_28 = arith.constant 32 : index
      %swap3A_29 = tpu.vector_load %arg20[%swap3A_27, %swap3A_28] {strides = array<i32>} : memref<32x128xf32, #tpu.memory_space<vmem>>, vector<1x16xf32>,
      %swap3A_30 = vector.shape_cast %swap3A_29 : vector<1x16xf32> to vector<16xf32>
      %swap3A_31 = vector.shape_cast %broadcast_in_dim3A_26 : vector<16xf32> to vector<1x16xf32>
      tpu.vector_store %arg20[%swap3A_27, %swap3A_28], %swap3A_31 {strides = array<i32>} : memref<32x128xf32, #tpu.memory_space<vmem>>, vector<1x16xf32>,
      %broadcast_in_dim3A_32 = arith.constant 0.000000e+00 : f32
      %broadcast_in_dim3A_33 = vector.broadcast %broadcast_in_dim3A_32 : f32 to vector<16xf32>
      %swap3A_34 = arith.index_cast %scan3A_12 : i32 to index
      %swap3A_35 = arith.constant 48 : index
      %swap3A_36 = tpu.vector_load %arg20[%swap3A_34, %swap3A_35] {strides = array<i32>} : memref<32x128xf32, #tpu.memory_space<vmem>>, vector<1x16xf32>,
      %swap3A_37 = vector.shape_cast %swap3A_36 : vector<1x16xf32> to vector<16xf32>
      %swap3A_38 = vector.shape_cast %broadcast_in_dim3A_33 : vector<16xf32> to vector<1x16xf32>
      tpu.vector_store %arg20[%swap3A_34, %swap3A_35], %swap3A_38 {strides = array<i32>} : memref<32x128xf32, #tpu.memory_space<vmem>>, vector<1x16xf32>,
      %broadcast_in_dim3A_39 = arith.constant 0.000000e+00 : f32
      %broadcast_in_dim3A_40 = vector.broadcast %broadcast_in_dim3A_39 : f32 to vector<16xf32>
      %swap3A_41 = arith.index_cast %scan3A_12 : i32 to index
      %swap3A_42 = arith.constant 64 : index
      %swap3A_43 = tpu.vector_load %arg20[%swap3A_41, %swap3A_42] {strides = array<i32>} : memref<32x128xf32, #tpu.memory_space<vmem>>, vector<1x16xf32>,
      %swap3A_44 = vector.shape_cast %swap3A_43 : vector<1x16xf32> to vector<16xf32>
      %swap3A_45 = vector.shape_cast %broadcast_in_dim3A_40 : vector<16xf32> to vector<1x16xf32>
      tpu.vector_store %arg20[%swap3A_41, %swap3A_42], %swap3A_45 {strides = array<i32>} : memref<32x128xf32, #tpu.memory_space<vmem>>, vector<1x16xf32>,
      %broadcast_in_dim3A_46 = arith.constant 0.000000e+00 : f32
      %broadcast_in_dim3A_47 = vector.broadcast %broadcast_in_dim3A_46 : f32 to vector<16xf32>
      %swap3A_48 = arith.index_cast %scan3A_12 : i32 to index
      %swap3A_49 = arith.constant 80 : index
      %swap3A_50 = tpu.vector_load %arg20[%swap3A_48, %swap3A_49] {strides = array<i32>} : memref<32x128xf32, #tpu.memory_space<vmem>>, vector<1x16xf32>,
      %swap3A_51 = vector.shape_cast %swap3A_50 : vector<1x16xf32> to vector<16xf32>
      %swap3A_52 = vector.shape_cast %broadcast_in_dim3A_47 : vector<16xf32> to vector<1x16xf32>
      tpu.vector_store %arg20[%swap3A_48, %swap3A_49], %swap3A_52 {strides = array<i32>} : memref<32x128xf32, #tpu.memory_space<vmem>>, vector<1x16xf32>,
      %broadcast_in_dim3A_53 = arith.constant 0.000000e+00 : f32
      %broadcast_in_dim3A_54 = vector.broadcast %broadcast_in_dim3A_53 : f32 to vector<16xf32>
      %swap3A_55 = arith.index_cast %scan3A_12 : i32 to index
      %swap3A_56 = arith.constant 96 : index
      %swap3A_57 = tpu.vector_load %arg20[%swap3A_55, %swap3A_56] {strides = array<i32>} : memref<32x128xf32, #tpu.memory_space<vmem>>, vector<1x16xf32>,
      %swap3A_58 = vector.shape_cast %swap3A_57 : vector<1x16xf32> to vector<16xf32>
      %swap3A_59 = vector.shape_cast %broadcast_in_dim3A_54 : vector<16xf32> to vector<1x16xf32>
      tpu.vector_store %arg20[%swap3A_55, %swap3A_56], %swap3A_59 {strides = array<i32>} : memref<32x128xf32, #tpu.memory_space<vmem>>, vector<1x16xf32>,
      %broadcast_in_dim3A_60 = arith.constant 0.000000e+00 : f32
      %broadcast_in_dim3A_61 = vector.broadcast %broadcast_in_dim3A_60 : f32 to vector<16xf32>
      %swap3A_62 = arith.index_cast %scan3A_12 : i32 to index
      %swap3A_63 = arith.constant 112 : index
      %swap3A_64 = tpu.vector_load %arg20[%swap3A_62, %swap3A_63] {strides = array<i32>} : memref<32x128xf32, #tpu.memory_space<vmem>>, vector<1x16xf32>,
      %swap3A_65 = vector.shape_cast %swap3A_64 : vector<1x16xf32> to vector<16xf32>
      %swap3A_66 = vector.shape_cast %broadcast_in_dim3A_61 : vector<16xf32> to vector<1x16xf32>
      tpu.vector_store %arg20[%swap3A_62, %swap3A_63], %swap3A_66 {strides = array<i32>} : memref<32x128xf32, #tpu.memory_space<vmem>>, vector<1x16xf32>,
    }
    %scan3A_4 = arith.constant 32 : i32
    %eq3A = arith.constant 0 : i32
    %eq3A_5 = arith.cmpi eq, %arg0, %eq3A : i32
    %convert_element_type3A = arith.extui %eq3A_5 : i1 to i32
    %cond3A = arith.constant 0 : i32
    %cond3A_6 = arith.cmpi ne, %convert_element_type3A, %cond3A : i32
    scf.if %cond3A_6 {
      %mul3A = arith.constant 640 : i32
      %mul3A_12 = arith.muli %arg1, %mul3A : i32
      %mul3A_13 = arith.constant 20000 : i32
      %mul3A_14 = arith.muli %arg1, %mul3A_13 : i32
      %add3A = arith.constant 0 : i32
      %add3A_15 = arith.addi %mul3A_14, %add3A : i32
      %multiple_of3A = tpu.assume_multiple %add3A_15, 8 : i32
      %dma_start3A = tpu.memref_slice %arg2[%multiple_of3A] : memref<320000xi32, #tpu.memory_space<hbm>> -> memref<80xi32, #tpu.memory_space<hbm>>
      %dma_start3A_16 = tpu.memref_slice %arg2[%multiple_of3A] : memref<320000xi32, #tpu.memory_space<hbm>> -> memref<80xi32, #tpu.memory_space<hbm>>
      tpu.enqueue_dma source(%dma_start3A_16 : memref<80xi32, #tpu.memory_space<hbm>>) target(%arg8 : memref<80xi32, #tpu.memory_space<vmem>>) target_semaphore(%arg22 : memref<!tpu.dma_semaphore, #tpu.memory_space<semaphore_mem>>)
      %dma_start3A_17 = tpu.memref_slice %arg3[%multiple_of3A] : memref<320000xi32, #tpu.memory_space<hbm>> -> memref<80xi32, #tpu.memory_space<hbm>>
      %dma_start3A_18 = tpu.memref_slice %arg3[%multiple_of3A] : memref<320000xi32, #tpu.memory_space<hbm>> -> memref<80xi32, #tpu.memory_space<hbm>>
      tpu.enqueue_dma source(%dma_start3A_18 : memref<80xi32, #tpu.memory_space<hbm>>) target(%arg12 : memref<80xi32, #tpu.memory_space<vmem>>) target_semaphore(%arg22 : memref<!tpu.dma_semaphore, #tpu.memory_space<semaphore_mem>>)
      %add3A_19 = arith.constant 80 : i32
      %add3A_20 = arith.addi %mul3A_14, %add3A_19 : i32
      %multiple_of3A_21 = tpu.assume_multiple %add3A_20, 8 : i32
      %dma_start3A_22 = tpu.memref_slice %arg2[%multiple_of3A_21] : memref<320000xi32, #tpu.memory_space<hbm>> -> memref<80xi32, #tpu.memory_space<hbm>>
      %dma_start3A_23 = tpu.memref_slice %arg2[%multiple_of3A_21] : memref<320000xi32, #tpu.memory_space<hbm>> -> memref<80xi32, #tpu.memory_space<hbm>>
      tpu.enqueue_dma source(%dma_start3A_23 : memref<80xi32, #tpu.memory_space<hbm>>) target(%arg9 : memref<80xi32, #tpu.memory_space<vmem>>) target_semaphore(%arg23 : memref<!tpu.dma_semaphore, #tpu.memory_space<semaphore_mem>>)
      %dma_start3A_24 = tpu.memref_slice %arg3[%multiple_of3A_21] : memref<320000xi32, #tpu.memory_space<hbm>> -> memref<80xi32, #tpu.memory_space<hbm>>
      %dma_start3A_25 = tpu.memref_slice %arg3[%multiple_of3A_21] : memref<320000xi32, #tpu.memory_space<hbm>> -> memref<80xi32, #tpu.memory_space<hbm>>
      tpu.enqueue_dma source(%dma_start3A_25 : memref<80xi32, #tpu.memory_space<hbm>>) target(%arg13 : memref<80xi32, #tpu.memory_space<vmem>>) target_semaphore(%arg23 : memref<!tpu.dma_semaphore, #tpu.memory_space<semaphore_mem>>)
      %add3A_26 = arith.constant 160 : i32
      %add3A_27 = arith.addi %mul3A_14, %add3A_26 : i32
      %multiple_of3A_28 = tpu.assume_multiple %add3A_27, 8 : i32
      %dma_start3A_29 = tpu.memref_slice %arg2[%multiple_of3A_28] : memref<320000xi32, #tpu.memory_space<hbm>> -> memref<80xi32, #tpu.memory_space<hbm>>
      %dma_start3A_30 = tpu.memref_slice %arg2[%multiple_of3A_28] : memref<320000xi32, #tpu.memory_space<hbm>> -> memref<80xi32, #tpu.memory_space<hbm>>
      tpu.enqueue_dma source(%dma_start3A_30 : memref<80xi32, #tpu.memory_space<hbm>>) target(%arg10 : memref<80xi32, #tpu.memory_space<vmem>>) target_semaphore(%arg24 : memref<!tpu.dma_semaphore, #tpu.memory_space<semaphore_mem>>)
      %dma_start3A_31 = tpu.memref_slice %arg3[%multiple_of3A_28] : memref<320000xi32, #tpu.memory_space<hbm>> -> memref<80xi32, #tpu.memory_space<hbm>>
      %dma_start3A_32 = tpu.memref_slice %arg3[%multiple_of3A_28] : memref<320000xi32, #tpu.memory_space<hbm>> -> memref<80xi32, #tpu.memory_space<hbm>>
      tpu.enqueue_dma source(%dma_start3A_32 : memref<80xi32, #tpu.memory_space<hbm>>) target(%arg14 : memref<80xi32, #tpu.memory_space<vmem>>) target_semaphore(%arg24 : memref<!tpu.dma_semaphore, #tpu.memory_space<semaphore_mem>>)
      %add3A_33 = arith.constant 240 : i32
      %add3A_34 = arith.addi %mul3A_14, %add3A_33 : i32
      %multiple_of3A_35 = tpu.assume_multiple %add3A_34, 8 : i32
      %dma_start3A_36 = tpu.memref_slice %arg2[%multiple_of3A_35] : memref<320000xi32, #tpu.memory_space<hbm>> -> memref<80xi32, #tpu.memory_space<hbm>>
      %dma_start3A_37 = tpu.memref_slice %arg2[%multiple_of3A_35] : memref<320000xi32, #tpu.memory_space<hbm>> -> memref<80xi32, #tpu.memory_space<hbm>>
      tpu.enqueue_dma source(%dma_start3A_37 : memref<80xi32, #tpu.memory_space<hbm>>) target(%arg11 : memref<80xi32, #tpu.memory_space<vmem>>) target_semaphore(%arg25 : memref<!tpu.dma_semaphore, #tpu.memory_space<semaphore_mem>>)
      %dma_start3A_38 = tpu.memref_slice %arg3[%multiple_of3A_35] : memref<320000xi32, #tpu.memory_space<hbm>> -> memref<80xi32, #tpu.memory_space<hbm>>
      %dma_start3A_39 = tpu.memref_slice %arg3[%multiple_of3A_35] : memref<320000xi32, #tpu.memory_space<hbm>> -> memref<80xi32, #tpu.memory_space<hbm>>
      tpu.enqueue_dma source(%dma_start3A_39 : memref<80xi32, #tpu.memory_space<hbm>>) target(%arg15 : memref<80xi32, #tpu.memory_space<vmem>>) target_semaphore(%arg25 : memref<!tpu.dma_semaphore, #tpu.memory_space<semaphore_mem>>)
      %add3A_40 = arith.constant 0 : i32
      %add3A_41 = arith.addi %mul3A_14, %add3A_40 : i32
      %multiple_of3A_42 = tpu.assume_multiple %add3A_41, 8 : i32
      %dma_wait3A = tpu.memref_slice %arg2[%multiple_of3A_42] : memref<320000xi32, #tpu.memory_space<hbm>> -> memref<80xi32, #tpu.memory_space<hbm>>
      %dma_wait3A_43 = tpu.memref_slice %arg2[%multiple_of3A_42] : memref<320000xi32, #tpu.memory_space<hbm>> -> memref<80xi32, #tpu.memory_space<hbm>>
      tpu.wait_dma2 semaphore(%arg22 : memref<!tpu.dma_semaphore, #tpu.memory_space<semaphore_mem>>) src(%dma_wait3A_43 : memref<80xi32, #tpu.memory_space<hbm>>) dst(%arg8 : memref<80xi32, #tpu.memory_space<vmem>>)
      %dma_wait3A_44 = tpu.memref_slice %arg3[%multiple_of3A_42] : memref<320000xi32, #tpu.memory_space<hbm>> -> memref<80xi32, #tpu.memory_space<hbm>>
      %dma_wait3A_45 = tpu.memref_slice %arg3[%multiple_of3A_42] : memref<320000xi32, #tpu.memory_space<hbm>> -> memref<80xi32, #tpu.memory_space<hbm>>
      tpu.wait_dma2 semaphore(%arg22 : memref<!tpu.dma_semaphore, #tpu.memory_space<semaphore_mem>>) src(%dma_wait3A_45 : memref<80xi32, #tpu.memory_space<hbm>>) dst(%arg12 : memref<80xi32, #tpu.memory_space<vmem>>)
      %dma_start3A_46 = arith.constant 0 : i32
      %dma_start3A_47 = arith.constant 0 : i32
      %dma_start3A_48 = tpu.memref_slice %arg4[%dma_start3A_46, %dma_start3A_47] : memref<10000x128xf32, #tpu.memory_space<hbm>> -> memref<10000x128xf32, #tpu.memory_space<hbm>>
      tpu.enqueue_indirect_dma source(%dma_start3A_48 : memref<10000x128xf32, #tpu.memory_space<hbm>>) target(%arg16 : memref<80x128xf32, #tpu.memory_space<vmem>>) offsets(%arg8 : memref<80xi32, #tpu.memory_space<vmem>>) semaphore(%arg26 : memref<!tpu.dma_semaphore, #tpu.memory_space<semaphore_mem>>)
      %add3A_49 = arith.constant 80 : i32
      %add3A_50 = arith.addi %mul3A_14, %add3A_49 : i32
      %multiple_of3A_51 = tpu.assume_multiple %add3A_50, 8 : i32
      %dma_wait3A_52 = tpu.memref_slice %arg2[%multiple_of3A_51] : memref<320000xi32, #tpu.memory_space<hbm>> -> memref<80xi32, #tpu.memory_space<hbm>>
      %dma_wait3A_53 = tpu.memref_slice %arg2[%multiple_of3A_51] : memref<320000xi32, #tpu.memory_space<hbm>> -> memref<80xi32, #tpu.memory_space<hbm>>
      tpu.wait_dma2 semaphore(%arg23 : memref<!tpu.dma_semaphore, #tpu.memory_space<semaphore_mem>>) src(%dma_wait3A_53 : memref<80xi32, #tpu.memory_space<hbm>>) dst(%arg9 : memref<80xi32, #tpu.memory_space<vmem>>)
      %dma_wait3A_54 = tpu.memref_slice %arg3[%multiple_of3A_51] : memref<320000xi32, #tpu.memory_space<hbm>> -> memref<80xi32, #tpu.memory_space<hbm>>
      %dma_wait3A_55 = tpu.memref_slice %arg3[%multiple_of3A_51] : memref<320000xi32, #tpu.memory_space<hbm>> -> memref<80xi32, #tpu.memory_space<hbm>>
      tpu.wait_dma2 semaphore(%arg23 : memref<!tpu.dma_semaphore, #tpu.memory_space<semaphore_mem>>) src(%dma_wait3A_55 : memref<80xi32, #tpu.memory_space<hbm>>) dst(%arg13 : memref<80xi32, #tpu.memory_space<vmem>>)
      %dma_start3A_56 = arith.constant 0 : i32
      %dma_start3A_57 = arith.constant 0 : i32
      %dma_start3A_58 = tpu.memref_slice %arg4[%dma_start3A_56, %dma_start3A_57] : memref<10000x128xf32, #tpu.memory_space<hbm>> -> memref<10000x128xf32, #tpu.memory_space<hbm>>
      tpu.enqueue_indirect_dma source(%dma_start3A_58 : memref<10000x128xf32, #tpu.memory_space<hbm>>) target(%arg17 : memref<80x128xf32, #tpu.memory_space<vmem>>) offsets(%arg9 : memref<80xi32, #tpu.memory_space<vmem>>) semaphore(%arg27 : memref<!tpu.dma_semaphore, #tpu.memory_space<semaphore_mem>>)
      %add3A_59 = arith.constant 160 : i32
      %add3A_60 = arith.addi %mul3A_14, %add3A_59 : i32
      %multiple_of3A_61 = tpu.assume_multiple %add3A_60, 8 : i32
      %dma_wait3A_62 = tpu.memref_slice %arg2[%multiple_of3A_61] : memref<320000xi32, #tpu.memory_space<hbm>> -> memref<80xi32, #tpu.memory_space<hbm>>
      %dma_wait3A_63 = tpu.memref_slice %arg2[%multiple_of3A_61] : memref<320000xi32, #tpu.memory_space<hbm>> -> memref<80xi32, #tpu.memory_space<hbm>>
      tpu.wait_dma2 semaphore(%arg24 : memref<!tpu.dma_semaphore, #tpu.memory_space<semaphore_mem>>) src(%dma_wait3A_63 : memref<80xi32, #tpu.memory_space<hbm>>) dst(%arg10 : memref<80xi32, #tpu.memory_space<vmem>>)
      %dma_wait3A_64 = tpu.memref_slice %arg3[%multiple_of3A_61] : memref<320000xi32, #tpu.memory_space<hbm>> -> memref<80xi32, #tpu.memory_space<hbm>>
      %dma_wait3A_65 = tpu.memref_slice %arg3[%multiple_of3A_61] : memref<320000xi32, #tpu.memory_space<hbm>> -> memref<80xi32, #tpu.memory_space<hbm>>
      tpu.wait_dma2 semaphore(%arg24 : memref<!tpu.dma_semaphore, #tpu.memory_space<semaphore_mem>>) src(%dma_wait3A_65 : memref<80xi32, #tpu.memory_space<hbm>>) dst(%arg14 : memref<80xi32, #tpu.memory_space<vmem>>)
      %dma_start3A_66 = arith.constant 0 : i32
      %dma_start3A_67 = arith.constant 0 : i32
      %dma_start3A_68 = tpu.memref_slice %arg4[%dma_start3A_66, %dma_start3A_67] : memref<10000x128xf32, #tpu.memory_space<hbm>> -> memref<10000x128xf32, #tpu.memory_space<hbm>>
      tpu.enqueue_indirect_dma source(%dma_start3A_68 : memref<10000x128xf32, #tpu.memory_space<hbm>>) target(%arg18 : memref<80x128xf32, #tpu.memory_space<vmem>>) offsets(%arg10 : memref<80xi32, #tpu.memory_space<vmem>>) semaphore(%arg28 : memref<!tpu.dma_semaphore, #tpu.memory_space<semaphore_mem>>)
      %add3A_69 = arith.constant 0 : i32
      %add3A_70 = arith.addi %mul3A_12, %add3A_69 : i32
      "tpu.region"() ({
        %run_scoped3A = tpu.sem_alloc : memref<!tpu.dma_semaphore, #tpu.memory_space<semaphore_mem>>
        %dma_start3A_121 = arith.constant 0 : i32
        %dma_start3A_122 = tpu.memref_slice %arg21[%add3A_70, %dma_start3A_121] : memref<10240x128xf32, #tpu.memory_space<vmem_shared>> -> memref<32x128xf32, #tpu.memory_space<vmem_shared>>
        %dma_start3A_123 = arith.constant 0 : i32
        %dma_start3A_124 = tpu.memref_slice %arg21[%add3A_70, %dma_start3A_123] : memref<10240x128xf32, #tpu.memory_space<vmem_shared>> -> memref<32x128xf32, #tpu.memory_space<vmem_shared>>
        tpu.enqueue_dma source(%arg20 : memref<32x128xf32, #tpu.memory_space<vmem>>) target(%dma_start3A_124 : memref<32x128xf32, #tpu.memory_space<vmem_shared>>) target_semaphore(%run_scoped3A : memref<!tpu.dma_semaphore, #tpu.memory_space<semaphore_mem>>)
        %dma_wait3A_125 = arith.constant 0 : i32
        %dma_wait3A_126 = tpu.memref_slice %arg21[%add3A_70, %dma_wait3A_125] : memref<10240x128xf32, #tpu.memory_space<vmem_shared>> -> memref<32x128xf32, #tpu.memory_space<vmem_shared>>
        %dma_wait3A_127 = arith.constant 0 : i32
        %dma_wait3A_128 = tpu.memref_slice %arg21[%add3A_70, %dma_wait3A_127] : memref<10240x128xf32, #tpu.memory_space<vmem_shared>> -> memref<32x128xf32, #tpu.memory_space<vmem_shared>>
        tpu.wait_dma2 semaphore(%run_scoped3A : memref<!tpu.dma_semaphore, #tpu.memory_space<semaphore_mem>>) src(%arg20 : memref<32x128xf32, #tpu.memory_space<vmem>>) dst(%dma_wait3A_128 : memref<32x128xf32, #tpu.memory_space<vmem_shared>>)
        tpu.yield
      }) : () -> ()
      %add3A_71 = arith.constant 32 : i32
      %add3A_72 = arith.addi %mul3A_12, %add3A_71 : i32
      "tpu.region"() ({
        %run_scoped3A = tpu.sem_alloc : memref<!tpu.dma_semaphore, #tpu.memory_space<semaphore_mem>>
        %dma_start3A_121 = arith.constant 0 : i32
        %dma_start3A_122 = tpu.memref_slice %arg21[%add3A_72, %dma_start3A_121] : memref<10240x128xf32, #tpu.memory_space<vmem_shared>> -> memref<32x128xf32, #tpu.memory_space<vmem_shared>>
        %dma_start3A_123 = arith.constant 0 : i32
        %dma_start3A_124 = tpu.memref_slice %arg21[%add3A_72, %dma_start3A_123] : memref<10240x128xf32, #tpu.memory_space<vmem_shared>> -> memref<32x128xf32, #tpu.memory_space<vmem_shared>>
        tpu.enqueue_dma source(%arg20 : memref<32x128xf32, #tpu.memory_space<vmem>>) target(%dma_start3A_124 : memref<32x128xf32, #tpu.memory_space<vmem_shared>>) target_semaphore(%run_scoped3A : memref<!tpu.dma_semaphore, #tpu.memory_space<semaphore_mem>>)
        %dma_wait3A_125 = arith.constant 0 : i32
        %dma_wait3A_126 = tpu.memref_slice %arg21[%add3A_72, %dma_wait3A_125] : memref<10240x128xf32, #tpu.memory_space<vmem_shared>> -> memref<32x128xf32, #tpu.memory_space<vmem_shared>>
        %dma_wait3A_127 = arith.constant 0 : i32
        %dma_wait3A_128 = tpu.memref_slice %arg21[%add3A_72, %dma_wait3A_127] : memref<10240x128xf32, #tpu.memory_space<vmem_shared>> -> memref<32x128xf32, #tpu.memory_space<vmem_shared>>
        tpu.wait_dma2 semaphore(%run_scoped3A : memref<!tpu.dma_semaphore, #tpu.memory_space<semaphore_mem>>) src(%arg20 : memref<32x128xf32, #tpu.memory_space<vmem>>) dst(%dma_wait3A_128 : memref<32x128xf32, #tpu.memory_space<vmem_shared>>)
        tpu.yield
      }) : () -> ()
      %add3A_73 = arith.constant 64 : i32
      %add3A_74 = arith.addi %mul3A_12, %add3A_73 : i32
      "tpu.region"() ({
        %run_scoped3A = tpu.sem_alloc : memref<!tpu.dma_semaphore, #tpu.memory_space<semaphore_mem>>
        %dma_start3A_121 = arith.constant 0 : i32
        %dma_start3A_122 = tpu.memref_slice %arg21[%add3A_74, %dma_start3A_121] : memref<10240x128xf32, #tpu.memory_space<vmem_shared>> -> memref<32x128xf32, #tpu.memory_space<vmem_shared>>
        %dma_start3A_123 = arith.constant 0 : i32
        %dma_start3A_124 = tpu.memref_slice %arg21[%add3A_74, %dma_start3A_123] : memref<10240x128xf32, #tpu.memory_space<vmem_shared>> -> memref<32x128xf32, #tpu.memory_space<vmem_shared>>
        tpu.enqueue_dma source(%arg20 : memref<32x128xf32, #tpu.memory_space<vmem>>) target(%dma_start3A_124 : memref<32x128xf32, #tpu.memory_space<vmem_shared>>) target_semaphore(%run_scoped3A : memref<!tpu.dma_semaphore, #tpu.memory_space<semaphore_mem>>)
        %dma_wait3A_125 = arith.constant 0 : i32
        %dma_wait3A_126 = tpu.memref_slice %arg21[%add3A_74, %dma_wait3A_125] : memref<10240x128xf32, #tpu.memory_space<vmem_shared>> -> memref<32x128xf32, #tpu.memory_space<vmem_shared>>
        %dma_wait3A_127 = arith.constant 0 : i32
        %dma_wait3A_128 = tpu.memref_slice %arg21[%add3A_74, %dma_wait3A_127] : memref<10240x128xf32, #tpu.memory_space<vmem_shared>> -> memref<32x128xf32, #tpu.memory_space<vmem_shared>>
        tpu.wait_dma2 semaphore(%run_scoped3A : memref<!tpu.dma_semaphore, #tpu.memory_space<semaphore_mem>>) src(%arg20 : memref<32x128xf32, #tpu.memory_space<vmem>>) dst(%dma_wait3A_128 : memref<32x128xf32, #tpu.memory_space<vmem_shared>>)
        tpu.yield
      }) : () -> ()
      %add3A_75 = arith.constant 96 : i32
      %add3A_76 = arith.addi %mul3A_12, %add3A_75 : i32
      "tpu.region"() ({
        %run_scoped3A = tpu.sem_alloc : memref<!tpu.dma_semaphore, #tpu.memory_space<semaphore_mem>>
        %dma_start3A_121 = arith.constant 0 : i32
        %dma_start3A_122 = tpu.memref_slice %arg21[%add3A_76, %dma_start3A_121] : memref<10240x128xf32, #tpu.memory_space<vmem_shared>> -> memref<32x128xf32, #tpu.memory_space<vmem_shared>>
        %dma_start3A_123 = arith.constant 0 : i32
        %dma_start3A_124 = tpu.memref_slice %arg21[%add3A_76, %dma_start3A_123] : memref<10240x128xf32, #tpu.memory_space<vmem_shared>> -> memref<32x128xf32, #tpu.memory_space<vmem_shared>>
        tpu.enqueue_dma source(%arg20 : memref<32x128xf32, #tpu.memory_space<vmem>>) target(%dma_start3A_124 : memref<32x128xf32, #tpu.memory_space<vmem_shared>>) target_semaphore(%run_scoped3A : memref<!tpu.dma_semaphore, #tpu.memory_space<semaphore_mem>>)
        %dma_wait3A_125 = arith.constant 0 : i32
        %dma_wait3A_126 = tpu.memref_slice %arg21[%add3A_76, %dma_wait3A_125] : memref<10240x128xf32, #tpu.memory_space<vmem_shared>> -> memref<32x128xf32, #tpu.memory_space<vmem_shared>>
        %dma_wait3A_127 = arith.constant 0 : i32
        %dma_wait3A_128 = tpu.memref_slice %arg21[%add3A_76, %dma_wait3A_127] : memref<10240x128xf32, #tpu.memory_space<vmem_shared>> -> memref<32x128xf32, #tpu.memory_space<vmem_shared>>
        tpu.wait_dma2 semaphore(%run_scoped3A : memref<!tpu.dma_semaphore, #tpu.memory_space<semaphore_mem>>) src(%arg20 : memref<32x128xf32, #tpu.memory_space<vmem>>) dst(%dma_wait3A_128 : memref<32x128xf32, #tpu.memory_space<vmem_shared>>)
        tpu.yield
      }) : () -> ()
      %add3A_77 = arith.constant 128 : i32
      %add3A_78 = arith.addi %mul3A_12, %add3A_77 : i32
      "tpu.region"() ({
        %run_scoped3A = tpu.sem_alloc : memref<!tpu.dma_semaphore, #tpu.memory_space<semaphore_mem>>
        %dma_start3A_121 = arith.constant 0 : i32
        %dma_start3A_122 = tpu.memref_slice %arg21[%add3A_78, %dma_start3A_121] : memref<10240x128xf32, #tpu.memory_space<vmem_shared>> -> memref<32x128xf32, #tpu.memory_space<vmem_shared>>
        %dma_start3A_123 = arith.constant 0 : i32
        %dma_start3A_124 = tpu.memref_slice %arg21[%add3A_78, %dma_start3A_123] : memref<10240x128xf32, #tpu.memory_space<vmem_shared>> -> memref<32x128xf32, #tpu.memory_space<vmem_shared>>
        tpu.enqueue_dma source(%arg20 : memref<32x128xf32, #tpu.memory_space<vmem>>) target(%dma_start3A_124 : memref<32x128xf32, #tpu.memory_space<vmem_shared>>) target_semaphore(%run_scoped3A : memref<!tpu.dma_semaphore, #tpu.memory_space<semaphore_mem>>)
        %dma_wait3A_125 = arith.constant 0 : i32
        %dma_wait3A_126 = tpu.memref_slice %arg21[%add3A_78, %dma_wait3A_125] : memref<10240x128xf32, #tpu.memory_space<vmem_shared>> -> memref<32x128xf32, #tpu.memory_space<vmem_shared>>
        %dma_wait3A_127 = arith.constant 0 : i32
        %dma_wait3A_128 = tpu.memref_slice %arg21[%add3A_78, %dma_wait3A_127] : memref<10240x128xf32, #tpu.memory_space<vmem_shared>> -> memref<32x128xf32, #tpu.memory_space<vmem_shared>>
        tpu.wait_dma2 semaphore(%run_scoped3A : memref<!tpu.dma_semaphore, #tpu.memory_space<semaphore_mem>>) src(%arg20 : memref<32x128xf32, #tpu.memory_space<vmem>>) dst(%dma_wait3A_128 : memref<32x128xf32, #tpu.memory_space<vmem_shared>>)
        tpu.yield
      }) : () -> ()
      %add3A_79 = arith.constant 160 : i32
      %add3A_80 = arith.addi %mul3A_12, %add3A_79 : i32
      "tpu.region"() ({
        %run_scoped3A = tpu.sem_alloc : memref<!tpu.dma_semaphore, #tpu.memory_space<semaphore_mem>>
        %dma_start3A_121 = arith.constant 0 : i32
        %dma_start3A_122 = tpu.memref_slice %arg21[%add3A_80, %dma_start3A_121] : memref<10240x128xf32, #tpu.memory_space<vmem_shared>> -> memref<32x128xf32, #tpu.memory_space<vmem_shared>>
        %dma_start3A_123 = arith.constant 0 : i32
        %dma_start3A_124 = tpu.memref_slice %arg21[%add3A_80, %dma_start3A_123] : memref<10240x128xf32, #tpu.memory_space<vmem_shared>> -> memref<32x128xf32, #tpu.memory_space<vmem_shared>>
        tpu.enqueue_dma source(%arg20 : memref<32x128xf32, #tpu.memory_space<vmem>>) target(%dma_start3A_124 : memref<32x128xf32, #tpu.memory_space<vmem_shared>>) target_semaphore(%run_scoped3A : memref<!tpu.dma_semaphore, #tpu.memory_space<semaphore_mem>>)
        %dma_wait3A_125 = arith.constant 0 : i32
        %dma_wait3A_126 = tpu.memref_slice %arg21[%add3A_80, %dma_wait3A_125] : memref<10240x128xf32, #tpu.memory_space<vmem_shared>> -> memref<32x128xf32, #tpu.memory_space<vmem_shared>>
        %dma_wait3A_127 = arith.constant 0 : i32
        %dma_wait3A_128 = tpu.memref_slice %arg21[%add3A_80, %dma_wait3A_127] : memref<10240x128xf32, #tpu.memory_space<vmem_shared>> -> memref<32x128xf32, #tpu.memory_space<vmem_shared>>
        tpu.wait_dma2 semaphore(%run_scoped3A : memref<!tpu.dma_semaphore, #tpu.memory_space<semaphore_mem>>) src(%arg20 : memref<32x128xf32, #tpu.memory_space<vmem>>) dst(%dma_wait3A_128 : memref<32x128xf32, #tpu.memory_space<vmem_shared>>)
        tpu.yield
      }) : () -> ()
      %add3A_81 = arith.constant 192 : i32
      %add3A_82 = arith.addi %mul3A_12, %add3A_81 : i32
      "tpu.region"() ({
        %run_scoped3A = tpu.sem_alloc : memref<!tpu.dma_semaphore, #tpu.memory_space<semaphore_mem>>
        %dma_start3A_121 = arith.constant 0 : i32
        %dma_start3A_122 = tpu.memref_slice %arg21[%add3A_82, %dma_start3A_121] : memref<10240x128xf32, #tpu.memory_space<vmem_shared>> -> memref<32x128xf32, #tpu.memory_space<vmem_shared>>
        %dma_start3A_123 = arith.constant 0 : i32
        %dma_start3A_124 = tpu.memref_slice %arg21[%add3A_82, %dma_start3A_123] : memref<10240x128xf32, #tpu.memory_space<vmem_shared>> -> memref<32x128xf32, #tpu.memory_space<vmem_shared>>
        tpu.enqueue_dma source(%arg20 : memref<32x128xf32, #tpu.memory_space<vmem>>) target(%dma_start3A_124 : memref<32x128xf32, #tpu.memory_space<vmem_shared>>) target_semaphore(%run_scoped3A : memref<!tpu.dma_semaphore, #tpu.memory_space<semaphore_mem>>)
        %dma_wait3A_125 = arith.constant 0 : i32
        %dma_wait3A_126 = tpu.memref_slice %arg21[%add3A_82, %dma_wait3A_125] : memref<10240x128xf32, #tpu.memory_space<vmem_shared>> -> memref<32x128xf32, #tpu.memory_space<vmem_shared>>
        %dma_wait3A_127 = arith.constant 0 : i32
        %dma_wait3A_128 = tpu.memref_slice %arg21[%add3A_82, %dma_wait3A_127] : memref<10240x128xf32, #tpu.memory_space<vmem_shared>> -> memref<32x128xf32, #tpu.memory_space<vmem_shared>>
        tpu.wait_dma2 semaphore(%run_scoped3A : memref<!tpu.dma_semaphore, #tpu.memory_space<semaphore_mem>>) src(%arg20 : memref<32x128xf32, #tpu.memory_space<vmem>>) dst(%dma_wait3A_128 : memref<32x128xf32, #tpu.memory_space<vmem_shared>>)
        tpu.yield
      }) : () -> ()
      %add3A_83 = arith.constant 224 : i32
      %add3A_84 = arith.addi %mul3A_12, %add3A_83 : i32
      "tpu.region"() ({
        %run_scoped3A = tpu.sem_alloc : memref<!tpu.dma_semaphore, #tpu.memory_space<semaphore_mem>>
        %dma_start3A_121 = arith.constant 0 : i32
        %dma_start3A_122 = tpu.memref_slice %arg21[%add3A_84, %dma_start3A_121] : memref<10240x128xf32, #tpu.memory_space<vmem_shared>> -> memref<32x128xf32, #tpu.memory_space<vmem_shared>>
        %dma_start3A_123 = arith.constant 0 : i32
        %dma_start3A_124 = tpu.memref_slice %arg21[%add3A_84, %dma_start3A_123] : memref<10240x128xf32, #tpu.memory_space<vmem_shared>> -> memref<32x128xf32, #tpu.memory_space<vmem_shared>>
        tpu.enqueue_dma source(%arg20 : memref<32x128xf32, #tpu.memory_space<vmem>>) target(%dma_start3A_124 : memref<32x128xf32, #tpu.memory_space<vmem_shared>>) target_semaphore(%run_scoped3A : memref<!tpu.dma_semaphore, #tpu.memory_space<semaphore_mem>>)
        %dma_wait3A_125 = arith.constant 0 : i32
        %dma_wait3A_126 = tpu.memref_slice %arg21[%add3A_84, %dma_wait3A_125] : memref<10240x128xf32, #tpu.memory_space<vmem_shared>> -> memref<32x128xf32, #tpu.memory_space<vmem_shared>>
        %dma_wait3A_127 = arith.constant 0 : i32
        %dma_wait3A_128 = tpu.memref_slice %arg21[%add3A_84, %dma_wait3A_127] : memref<10240x128xf32, #tpu.memory_space<vmem_shared>> -> memref<32x128xf32, #tpu.memory_space<vmem_shared>>
        tpu.wait_dma2 semaphore(%run_scoped3A : memref<!tpu.dma_semaphore, #tpu.memory_space<semaphore_mem>>) src(%arg20 : memref<32x128xf32, #tpu.memory_space<vmem>>) dst(%dma_wait3A_128 : memref<32x128xf32, #tpu.memory_space<vmem_shared>>)
        tpu.yield
      }) : () -> ()
      %add3A_85 = arith.constant 256 : i32
      %add3A_86 = arith.addi %mul3A_12, %add3A_85 : i32
      "tpu.region"() ({
        %run_scoped3A = tpu.sem_alloc : memref<!tpu.dma_semaphore, #tpu.memory_space<semaphore_mem>>
        %dma_start3A_121 = arith.constant 0 : i32
        %dma_start3A_122 = tpu.memref_slice %arg21[%add3A_86, %dma_start3A_121] : memref<10240x128xf32, #tpu.memory_space<vmem_shared>> -> memref<32x128xf32, #tpu.memory_space<vmem_shared>>
        %dma_start3A_123 = arith.constant 0 : i32
        %dma_start3A_124 = tpu.memref_slice %arg21[%add3A_86, %dma_start3A_123] : memref<10240x128xf32, #tpu.memory_space<vmem_shared>> -> memref<32x128xf32, #tpu.memory_space<vmem_shared>>
        tpu.enqueue_dma source(%arg20 : memref<32x128xf32, #tpu.memory_space<vmem>>) target(%dma_start3A_124 : memref<32x128xf32, #tpu.memory_space<vmem_shared>>) target_semaphore(%run_scoped3A : memref<!tpu.dma_semaphore, #tpu.memory_space<semaphore_mem>>)
        %dma_wait3A_125 = arith.constant 0 : i32
        %dma_wait3A_126 = tpu.memref_slice %arg21[%add3A_86, %dma_wait3A_125] : memref<10240x128xf32, #tpu.memory_space<vmem_shared>> -> memref<32x128xf32, #tpu.memory_space<vmem_shared>>
        %dma_wait3A_127 = arith.constant 0 : i32
        %dma_wait3A_128 = tpu.memref_slice %arg21[%add3A_86, %dma_wait3A_127] : memref<10240x128xf32, #tpu.memory_space<vmem_shared>> -> memref<32x128xf32, #tpu.memory_space<vmem_shared>>
        tpu.wait_dma2 semaphore(%run_scoped3A : memref<!tpu.dma_semaphore, #tpu.memory_space<semaphore_mem>>) src(%arg20 : memref<32x128xf32, #tpu.memory_space<vmem>>) dst(%dma_wait3A_128 : memref<32x128xf32, #tpu.memory_space<vmem_shared>>)
        tpu.yield
      }) : () -> ()
      %add3A_87 = arith.constant 288 : i32
      %add3A_88 = arith.addi %mul3A_12, %add3A_87 : i32
      "tpu.region"() ({
        %run_scoped3A = tpu.sem_alloc : memref<!tpu.dma_semaphore, #tpu.memory_space<semaphore_mem>>
        %dma_start3A_121 = arith.constant 0 : i32
        %dma_start3A_122 = tpu.memref_slice %arg21[%add3A_88, %dma_start3A_121] : memref<10240x128xf32, #tpu.memory_space<vmem_shared>> -> memref<32x128xf32, #tpu.memory_space<vmem_shared>>
        %dma_start3A_123 = arith.constant 0 : i32
        %dma_start3A_124 = tpu.memref_slice %arg21[%add3A_88, %dma_start3A_123] : memref<10240x128xf32, #tpu.memory_space<vmem_shared>> -> memref<32x128xf32, #tpu.memory_space<vmem_shared>>
        tpu.enqueue_dma source(%arg20 : memref<32x128xf32, #tpu.memory_space<vmem>>) target(%dma_start3A_124 : memref<32x128xf32, #tpu.memory_space<vmem_shared>>) target_semaphore(%run_scoped3A : memref<!tpu.dma_semaphore, #tpu.memory_space<semaphore_mem>>)
        %dma_wait3A_125 = arith.constant 0 : i32
        %dma_wait3A_126 = tpu.memref_slice %arg21[%add3A_88, %dma_wait3A_125] : memref<10240x128xf32, #tpu.memory_space<vmem_shared>> -> memref<32x128xf32, #tpu.memory_space<vmem_shared>>
        %dma_wait3A_127 = arith.constant 0 : i32
        %dma_wait3A_128 = tpu.memref_slice %arg21[%add3A_88, %dma_wait3A_127] : memref<10240x128xf32, #tpu.memory_space<vmem_shared>> -> memref<32x128xf32, #tpu.memory_space<vmem_shared>>
        tpu.wait_dma2 semaphore(%run_scoped3A : memref<!tpu.dma_semaphore, #tpu.memory_space<semaphore_mem>>) src(%arg20 : memref<32x128xf32, #tpu.memory_space<vmem>>) dst(%dma_wait3A_128 : memref<32x128xf32, #tpu.memory_space<vmem_shared>>)
        tpu.yield
      }) : () -> ()
      %add3A_89 = arith.constant 320 : i32
      %add3A_90 = arith.addi %mul3A_12, %add3A_89 : i32
      "tpu.region"() ({
        %run_scoped3A = tpu.sem_alloc : memref<!tpu.dma_semaphore, #tpu.memory_space<semaphore_mem>>
        %dma_start3A_121 = arith.constant 0 : i32
        %dma_start3A_122 = tpu.memref_slice %arg21[%add3A_90, %dma_start3A_121] : memref<10240x128xf32, #tpu.memory_space<vmem_shared>> -> memref<32x128xf32, #tpu.memory_space<vmem_shared>>
        %dma_start3A_123 = arith.constant 0 : i32
        %dma_start3A_124 = tpu.memref_slice %arg21[%add3A_90, %dma_start3A_123] : memref<10240x128xf32, #tpu.memory_space<vmem_shared>> -> memref<32x128xf32, #tpu.memory_space<vmem_shared>>
        tpu.enqueue_dma source(%arg20 : memref<32x128xf32, #tpu.memory_space<vmem>>) target(%dma_start3A_124 : memref<32x128xf32, #tpu.memory_space<vmem_shared>>) target_semaphore(%run_scoped3A : memref<!tpu.dma_semaphore, #tpu.memory_space<semaphore_mem>>)
        %dma_wait3A_125 = arith.constant 0 : i32
        %dma_wait3A_126 = tpu.memref_slice %arg21[%add3A_90, %dma_wait3A_125] : memref<10240x128xf32, #tpu.memory_space<vmem_shared>> -> memref<32x128xf32, #tpu.memory_space<vmem_shared>>
        %dma_wait3A_127 = arith.constant 0 : i32
        %dma_wait3A_128 = tpu.memref_slice %arg21[%add3A_90, %dma_wait3A_127] : memref<10240x128xf32, #tpu.memory_space<vmem_shared>> -> memref<32x128xf32, #tpu.memory_space<vmem_shared>>
        tpu.wait_dma2 semaphore(%run_scoped3A : memref<!tpu.dma_semaphore, #tpu.memory_space<semaphore_mem>>) src(%arg20 : memref<32x128xf32, #tpu.memory_space<vmem>>) dst(%dma_wait3A_128 : memref<32x128xf32, #tpu.memory_space<vmem_shared>>)
        tpu.yield
      }) : () -> ()
      %add3A_91 = arith.constant 352 : i32
      %add3A_92 = arith.addi %mul3A_12, %add3A_91 : i32
      "tpu.region"() ({
        %run_scoped3A = tpu.sem_alloc : memref<!tpu.dma_semaphore, #tpu.memory_space<semaphore_mem>>
        %dma_start3A_121 = arith.constant 0 : i32
        %dma_start3A_122 = tpu.memref_slice %arg21[%add3A_92, %dma_start3A_121] : memref<10240x128xf32, #tpu.memory_space<vmem_shared>> -> memref<32x128xf32, #tpu.memory_space<vmem_shared>>
        %dma_start3A_123 = arith.constant 0 : i32
        %dma_start3A_124 = tpu.memref_slice %arg21[%add3A_92, %dma_start3A_123] : memref<10240x128xf32, #tpu.memory_space<vmem_shared>> -> memref<32x128xf32, #tpu.memory_space<vmem_shared>>
        tpu.enqueue_dma source(%arg20 : memref<32x128xf32, #tpu.memory_space<vmem>>) target(%dma_start3A_124 : memref<32x128xf32, #tpu.memory_space<vmem_shared>>) target_semaphore(%run_scoped3A : memref<!tpu.dma_semaphore, #tpu.memory_space<semaphore_mem>>)
        %dma_wait3A_125 = arith.constant 0 : i32
        %dma_wait3A_126 = tpu.memref_slice %arg21[%add3A_92, %dma_wait3A_125] : memref<10240x128xf32, #tpu.memory_space<vmem_shared>> -> memref<32x128xf32, #tpu.memory_space<vmem_shared>>
        %dma_wait3A_127 = arith.constant 0 : i32
        %dma_wait3A_128 = tpu.memref_slice %arg21[%add3A_92, %dma_wait3A_127] : memref<10240x128xf32, #tpu.memory_space<vmem_shared>> -> memref<32x128xf32, #tpu.memory_space<vmem_shared>>
        tpu.wait_dma2 semaphore(%run_scoped3A : memref<!tpu.dma_semaphore, #tpu.memory_space<semaphore_mem>>) src(%arg20 : memref<32x128xf32, #tpu.memory_space<vmem>>) dst(%dma_wait3A_128 : memref<32x128xf32, #tpu.memory_space<vmem_shared>>)
        tpu.yield
      }) : () -> ()
      %add3A_93 = arith.constant 384 : i32
      %add3A_94 = arith.addi %mul3A_12, %add3A_93 : i32
      "tpu.region"() ({
        %run_scoped3A = tpu.sem_alloc : memref<!tpu.dma_semaphore, #tpu.memory_space<semaphore_mem>>
        %dma_start3A_121 = arith.constant 0 : i32
        %dma_start3A_122 = tpu.memref_slice %arg21[%add3A_94, %dma_start3A_121] : memref<10240x128xf32, #tpu.memory_space<vmem_shared>> -> memref<32x128xf32, #tpu.memory_space<vmem_shared>>
        %dma_start3A_123 = arith.constant 0 : i32
        %dma_start3A_124 = tpu.memref_slice %arg21[%add3A_94, %dma_start3A_123] : memref<10240x128xf32, #tpu.memory_space<vmem_shared>> -> memref<32x128xf32, #tpu.memory_space<vmem_shared>>
        tpu.enqueue_dma source(%arg20 : memref<32x128xf32, #tpu.memory_space<vmem>>) target(%dma_start3A_124 : memref<32x128xf32, #tpu.memory_space<vmem_shared>>) target_semaphore(%run_scoped3A : memref<!tpu.dma_semaphore, #tpu.memory_space<semaphore_mem>>)
        %dma_wait3A_125 = arith.constant 0 : i32
        %dma_wait3A_126 = tpu.memref_slice %arg21[%add3A_94, %dma_wait3A_125] : memref<10240x128xf32, #tpu.memory_space<vmem_shared>> -> memref<32x128xf32, #tpu.memory_space<vmem_shared>>
        %dma_wait3A_127 = arith.constant 0 : i32
        %dma_wait3A_128 = tpu.memref_slice %arg21[%add3A_94, %dma_wait3A_127] : memref<10240x128xf32, #tpu.memory_space<vmem_shared>> -> memref<32x128xf32, #tpu.memory_space<vmem_shared>>
        tpu.wait_dma2 semaphore(%run_scoped3A : memref<!tpu.dma_semaphore, #tpu.memory_space<semaphore_mem>>) src(%arg20 : memref<32x128xf32, #tpu.memory_space<vmem>>) dst(%dma_wait3A_128 : memref<32x128xf32, #tpu.memory_space<vmem_shared>>)
        tpu.yield
      }) : () -> ()
      %add3A_95 = arith.constant 416 : i32
      %add3A_96 = arith.addi %mul3A_12, %add3A_95 : i32
      "tpu.region"() ({
        %run_scoped3A = tpu.sem_alloc : memref<!tpu.dma_semaphore, #tpu.memory_space<semaphore_mem>>
        %dma_start3A_121 = arith.constant 0 : i32
        %dma_start3A_122 = tpu.memref_slice %arg21[%add3A_96, %dma_start3A_121] : memref<10240x128xf32, #tpu.memory_space<vmem_shared>> -> memref<32x128xf32, #tpu.memory_space<vmem_shared>>
        %dma_start3A_123 = arith.constant 0 : i32
        %dma_start3A_124 = tpu.memref_slice %arg21[%add3A_96, %dma_start3A_123] : memref<10240x128xf32, #tpu.memory_space<vmem_shared>> -> memref<32x128xf32, #tpu.memory_space<vmem_shared>>
        tpu.enqueue_dma source(%arg20 : memref<32x128xf32, #tpu.memory_space<vmem>>) target(%dma_start3A_124 : memref<32x128xf32, #tpu.memory_space<vmem_shared>>) target_semaphore(%run_scoped3A : memref<!tpu.dma_semaphore, #tpu.memory_space<semaphore_mem>>)
        %dma_wait3A_125 = arith.constant 0 : i32
        %dma_wait3A_126 = tpu.memref_slice %arg21[%add3A_96, %dma_wait3A_125] : memref<10240x128xf32, #tpu.memory_space<vmem_shared>> -> memref<32x128xf32, #tpu.memory_space<vmem_shared>>
        %dma_wait3A_127 = arith.constant 0 : i32
        %dma_wait3A_128 = tpu.memref_slice %arg21[%add3A_96, %dma_wait3A_127] : memref<10240x128xf32, #tpu.memory_space<vmem_shared>> -> memref<32x128xf32, #tpu.memory_space<vmem_shared>>
        tpu.wait_dma2 semaphore(%run_scoped3A : memref<!tpu.dma_semaphore, #tpu.memory_space<semaphore_mem>>) src(%arg20 : memref<32x128xf32, #tpu.memory_space<vmem>>) dst(%dma_wait3A_128 : memref<32x128xf32, #tpu.memory_space<vmem_shared>>)
        tpu.yield
      }) : () -> ()
      %add3A_97 = arith.constant 448 : i32
      %add3A_98 = arith.addi %mul3A_12, %add3A_97 : i32
      "tpu.region"() ({
        %run_scoped3A = tpu.sem_alloc : memref<!tpu.dma_semaphore, #tpu.memory_space<semaphore_mem>>
        %dma_start3A_121 = arith.constant 0 : i32
        %dma_start3A_122 = tpu.memref_slice %arg21[%add3A_98, %dma_start3A_121] : memref<10240x128xf32, #tpu.memory_space<vmem_shared>> -> memref<32x128xf32, #tpu.memory_space<vmem_shared>>
        %dma_start3A_123 = arith.constant 0 : i32
        %dma_start3A_124 = tpu.memref_slice %arg21[%add3A_98, %dma_start3A_123] : memref<10240x128xf32, #tpu.memory_space<vmem_shared>> -> memref<32x128xf32, #tpu.memory_space<vmem_shared>>
        tpu.enqueue_dma source(%arg20 : memref<32x128xf32, #tpu.memory_space<vmem>>) target(%dma_start3A_124 : memref<32x128xf32, #tpu.memory_space<vmem_shared>>) target_semaphore(%run_scoped3A : memref<!tpu.dma_semaphore, #tpu.memory_space<semaphore_mem>>)
        %dma_wait3A_125 = arith.constant 0 : i32
        %dma_wait3A_126 = tpu.memref_slice %arg21[%add3A_98, %dma_wait3A_125] : memref<10240x128xf32, #tpu.memory_space<vmem_shared>> -> memref<32x128xf32, #tpu.memory_space<vmem_shared>>
        %dma_wait3A_127 = arith.constant 0 : i32
        %dma_wait3A_128 = tpu.memref_slice %arg21[%add3A_98, %dma_wait3A_127] : memref<10240x128xf32, #tpu.memory_space<vmem_shared>> -> memref<32x128xf32, #tpu.memory_space<vmem_shared>>
        tpu.wait_dma2 semaphore(%run_scoped3A : memref<!tpu.dma_semaphore, #tpu.memory_space<semaphore_mem>>) src(%arg20 : memref<32x128xf32, #tpu.memory_space<vmem>>) dst(%dma_wait3A_128 : memref<32x128xf32, #tpu.memory_space<vmem_shared>>)
        tpu.yield
      }) : () -> ()
      %add3A_99 = arith.constant 480 : i32
      %add3A_100 = arith.addi %mul3A_12, %add3A_99 : i32
      "tpu.region"() ({
        %run_scoped3A = tpu.sem_alloc : memref<!tpu.dma_semaphore, #tpu.memory_space<semaphore_mem>>
        %dma_start3A_121 = arith.constant 0 : i32
        %dma_start3A_122 = tpu.memref_slice %arg21[%add3A_100, %dma_start3A_121] : memref<10240x128xf32, #tpu.memory_space<vmem_shared>> -> memref<32x128xf32, #tpu.memory_space<vmem_shared>>
        %dma_start3A_123 = arith.constant 0 : i32
        %dma_start3A_124 = tpu.memref_slice %arg21[%add3A_100, %dma_start3A_123] : memref<10240x128xf32, #tpu.memory_space<vmem_shared>> -> memref<32x128xf32, #tpu.memory_space<vmem_shared>>
        tpu.enqueue_dma source(%arg20 : memref<32x128xf32, #tpu.memory_space<vmem>>) target(%dma_start3A_124 : memref<32x128xf32, #tpu.memory_space<vmem_shared>>) target_semaphore(%run_scoped3A : memref<!tpu.dma_semaphore, #tpu.memory_space<semaphore_mem>>)
        %dma_wait3A_125 = arith.constant 0 : i32
        %dma_wait3A_126 = tpu.memref_slice %arg21[%add3A_100, %dma_wait3A_125] : memref<10240x128xf32, #tpu.memory_space<vmem_shared>> -> memref<32x128xf32, #tpu.memory_space<vmem_shared>>
        %dma_wait3A_127 = arith.constant 0 : i32
        %dma_wait3A_128 = tpu.memref_slice %arg21[%add3A_100, %dma_wait3A_127] : memref<10240x128xf32, #tpu.memory_space<vmem_shared>> -> memref<32x128xf32, #tpu.memory_space<vmem_shared>>
        tpu.wait_dma2 semaphore(%run_scoped3A : memref<!tpu.dma_semaphore, #tpu.memory_space<semaphore_mem>>) src(%arg20 : memref<32x128xf32, #tpu.memory_space<vmem>>) dst(%dma_wait3A_128 : memref<32x128xf32, #tpu.memory_space<vmem_shared>>)
        tpu.yield
      }) : () -> ()
      %add3A_101 = arith.constant 512 : i32
      %add3A_102 = arith.addi %mul3A_12, %add3A_101 : i32
      "tpu.region"() ({
        %run_scoped3A = tpu.sem_alloc : memref<!tpu.dma_semaphore, #tpu.memory_space<semaphore_mem>>
        %dma_start3A_121 = arith.constant 0 : i32
        %dma_start3A_122 = tpu.memref_slice %arg21[%add3A_102, %dma_start3A_121] : memref<10240x128xf32, #tpu.memory_space<vmem_shared>> -> memref<32x128xf32, #tpu.memory_space<vmem_shared>>
        %dma_start3A_123 = arith.constant 0 : i32
        %dma_start3A_124 = tpu.memref_slice %arg21[%add3A_102, %dma_start3A_123] : memref<10240x128xf32, #tpu.memory_space<vmem_shared>> -> memref<32x128xf32, #tpu.memory_space<vmem_shared>>
        tpu.enqueue_dma source(%arg20 : memref<32x128xf32, #tpu.memory_space<vmem>>) target(%dma_start3A_124 : memref<32x128xf32, #tpu.memory_space<vmem_shared>>) target_semaphore(%run_scoped3A : memref<!tpu.dma_semaphore, #tpu.memory_space<semaphore_mem>>)
        %dma_wait3A_125 = arith.constant 0 : i32
        %dma_wait3A_126 = tpu.memref_slice %arg21[%add3A_102, %dma_wait3A_125] : memref<10240x128xf32, #tpu.memory_space<vmem_shared>> -> memref<32x128xf32, #tpu.memory_space<vmem_shared>>
        %dma_wait3A_127 = arith.constant 0 : i32
        %dma_wait3A_128 = tpu.memref_slice %arg21[%add3A_102, %dma_wait3A_127] : memref<10240x128xf32, #tpu.memory_space<vmem_shared>> -> memref<32x128xf32, #tpu.memory_space<vmem_shared>>
        tpu.wait_dma2 semaphore(%run_scoped3A : memref<!tpu.dma_semaphore, #tpu.memory_space<semaphore_mem>>) src(%arg20 : memref<32x128xf32, #tpu.memory_space<vmem>>) dst(%dma_wait3A_128 : memref<32x128xf32, #tpu.memory_space<vmem_shared>>)
        tpu.yield
      }) : () -> ()
      %add3A_103 = arith.constant 544 : i32
      %add3A_104 = arith.addi %mul3A_12, %add3A_103 : i32
      "tpu.region"() ({
        %run_scoped3A = tpu.sem_alloc : memref<!tpu.dma_semaphore, #tpu.memory_space<semaphore_mem>>
        %dma_start3A_121 = arith.constant 0 : i32
        %dma_start3A_122 = tpu.memref_slice %arg21[%add3A_104, %dma_start3A_121] : memref<10240x128xf32, #tpu.memory_space<vmem_shared>> -> memref<32x128xf32, #tpu.memory_space<vmem_shared>>
        %dma_start3A_123 = arith.constant 0 : i32
        %dma_start3A_124 = tpu.memref_slice %arg21[%add3A_104, %dma_start3A_123] : memref<10240x128xf32, #tpu.memory_space<vmem_shared>> -> memref<32x128xf32, #tpu.memory_space<vmem_shared>>
        tpu.enqueue_dma source(%arg20 : memref<32x128xf32, #tpu.memory_space<vmem>>) target(%dma_start3A_124 : memref<32x128xf32, #tpu.memory_space<vmem_shared>>) target_semaphore(%run_scoped3A : memref<!tpu.dma_semaphore, #tpu.memory_space<semaphore_mem>>)
        %dma_wait3A_125 = arith.constant 0 : i32
        %dma_wait3A_126 = tpu.memref_slice %arg21[%add3A_104, %dma_wait3A_125] : memref<10240x128xf32, #tpu.memory_space<vmem_shared>> -> memref<32x128xf32, #tpu.memory_space<vmem_shared>>
        %dma_wait3A_127 = arith.constant 0 : i32
        %dma_wait3A_128 = tpu.memref_slice %arg21[%add3A_104, %dma_wait3A_127] : memref<10240x128xf32, #tpu.memory_space<vmem_shared>> -> memref<32x128xf32, #tpu.memory_space<vmem_shared>>
        tpu.wait_dma2 semaphore(%run_scoped3A : memref<!tpu.dma_semaphore, #tpu.memory_space<semaphore_mem>>) src(%arg20 : memref<32x128xf32, #tpu.memory_space<vmem>>) dst(%dma_wait3A_128 : memref<32x128xf32, #tpu.memory_space<vmem_shared>>)
        tpu.yield
      }) : () -> ()
      %add3A_105 = arith.constant 576 : i32
      %add3A_106 = arith.addi %mul3A_12, %add3A_105 : i32
      "tpu.region"() ({
        %run_scoped3A = tpu.sem_alloc : memref<!tpu.dma_semaphore, #tpu.memory_space<semaphore_mem>>
        %dma_start3A_121 = arith.constant 0 : i32
        %dma_start3A_122 = tpu.memref_slice %arg21[%add3A_106, %dma_start3A_121] : memref<10240x128xf32, #tpu.memory_space<vmem_shared>> -> memref<32x128xf32, #tpu.memory_space<vmem_shared>>
        %dma_start3A_123 = arith.constant 0 : i32
        %dma_start3A_124 = tpu.memref_slice %arg21[%add3A_106, %dma_start3A_123] : memref<10240x128xf32, #tpu.memory_space<vmem_shared>> -> memref<32x128xf32, #tpu.memory_space<vmem_shared>>
        tpu.enqueue_dma source(%arg20 : memref<32x128xf32, #tpu.memory_space<vmem>>) target(%dma_start3A_124 : memref<32x128xf32, #tpu.memory_space<vmem_shared>>) target_semaphore(%run_scoped3A : memref<!tpu.dma_semaphore, #tpu.memory_space<semaphore_mem>>)
        %dma_wait3A_125 = arith.constant 0 : i32
        %dma_wait3A_126 = tpu.memref_slice %arg21[%add3A_106, %dma_wait3A_125] : memref<10240x128xf32, #tpu.memory_space<vmem_shared>> -> memref<32x128xf32, #tpu.memory_space<vmem_shared>>
        %dma_wait3A_127 = arith.constant 0 : i32
        %dma_wait3A_128 = tpu.memref_slice %arg21[%add3A_106, %dma_wait3A_127] : memref<10240x128xf32, #tpu.memory_space<vmem_shared>> -> memref<32x128xf32, #tpu.memory_space<vmem_shared>>
        tpu.wait_dma2 semaphore(%run_scoped3A : memref<!tpu.dma_semaphore, #tpu.memory_space<semaphore_mem>>) src(%arg20 : memref<32x128xf32, #tpu.memory_space<vmem>>) dst(%dma_wait3A_128 : memref<32x128xf32, #tpu.memory_space<vmem_shared>>)
        tpu.yield
      }) : () -> ()
      %add3A_107 = arith.constant 608 : i32
      %add3A_108 = arith.addi %mul3A_12, %add3A_107 : i32
      "tpu.region"() ({
        %run_scoped3A = tpu.sem_alloc : memref<!tpu.dma_semaphore, #tpu.memory_space<semaphore_mem>>
        %dma_start3A_121 = arith.constant 0 : i32
        %dma_start3A_122 = tpu.memref_slice %arg21[%add3A_108, %dma_start3A_121] : memref<10240x128xf32, #tpu.memory_space<vmem_shared>> -> memref<32x128xf32, #tpu.memory_space<vmem_shared>>
        %dma_start3A_123 = arith.constant 0 : i32
        %dma_start3A_124 = tpu.memref_slice %arg21[%add3A_108, %dma_start3A_123] : memref<10240x128xf32, #tpu.memory_space<vmem_shared>> -> memref<32x128xf32, #tpu.memory_space<vmem_shared>>
        tpu.enqueue_dma source(%arg20 : memref<32x128xf32, #tpu.memory_space<vmem>>) target(%dma_start3A_124 : memref<32x128xf32, #tpu.memory_space<vmem_shared>>) target_semaphore(%run_scoped3A : memref<!tpu.dma_semaphore, #tpu.memory_space<semaphore_mem>>)
        %dma_wait3A_125 = arith.constant 0 : i32
        %dma_wait3A_126 = tpu.memref_slice %arg21[%add3A_108, %dma_wait3A_125] : memref<10240x128xf32, #tpu.memory_space<vmem_shared>> -> memref<32x128xf32, #tpu.memory_space<vmem_shared>>
        %dma_wait3A_127 = arith.constant 0 : i32
        %dma_wait3A_128 = tpu.memref_slice %arg21[%add3A_108, %dma_wait3A_127] : memref<10240x128xf32, #tpu.memory_space<vmem_shared>> -> memref<32x128xf32, #tpu.memory_space<vmem_shared>>
        tpu.wait_dma2 semaphore(%run_scoped3A : memref<!tpu.dma_semaphore, #tpu.memory_space<semaphore_mem>>) src(%arg20 : memref<32x128xf32, #tpu.memory_space<vmem>>) dst(%dma_wait3A_128 : memref<32x128xf32, #tpu.memory_space<vmem_shared>>)
        tpu.yield
      }) : () -> ()
      %barrier3A = arith.constant 0 : index
      tpu.barrier barrier_id(%barrier3A)
      %scan3A_109 = arith.constant 0 : i32
      %scan3A_110 = arith.constant 62 : i32
      %scan3A_111 = arith.addi %scan3A_109, %scan3A_110 : i32
      %scan3A_112 = arith.constant 1 : i32
      scf.for %scan3A_121 = %scan3A_109 to %scan3A_111 step %scan3A_112  : i32 {
        %mul3A_122 = arith.constant 4 : i32
        %mul3A_123 = arith.muli %scan3A_121, %mul3A_122 : i32
        %add3A_124 = arith.constant 0 : i32
        %add3A_125 = arith.addi %add3A_124, %mul3A_123 : i32
        %add3A_126 = arith.constant 0 : i32
        %add3A_127 = arith.addi %add3A_125, %add3A_126 : i32
        %dma_wait3A_128 = arith.constant 0 : i32
        %dma_wait3A_129 = arith.constant 0 : i32
        %dma_wait3A_130 = tpu.memref_slice %arg4[%dma_wait3A_128, %dma_wait3A_129] : memref<10000x128xf32, #tpu.memory_space<hbm>> -> memref<10000x128xf32, #tpu.memory_space<hbm>>
        tpu.wait_indirect_dma semaphore(%arg26 : memref<!tpu.dma_semaphore, #tpu.memory_space<semaphore_mem>>) src(%dma_wait3A_130 : memref<10000x128xf32, #tpu.memory_space<hbm>>) dst(%arg16 : memref<80x128xf32, #tpu.memory_space<vmem>>)
        "tpu.region"() ({
          %run_scoped3A = tpu.sem_alloc : memref<!tpu.dma_semaphore, #tpu.memory_space<semaphore_mem>>
          %dma_start3A_208 = arith.constant 0 : i32
          %dma_start3A_209 = arith.constant 0 : i32
          %dma_start3A_210 = tpu.memref_slice %arg21[%dma_start3A_208, %dma_start3A_209] : memref<10240x128xf32, #tpu.memory_space<vmem_shared>> -> memref<10240x128xf32, #tpu.memory_space<vmem_shared>>
          tpu.enqueue_indirect_dma source(%arg16 : memref<80x128xf32, #tpu.memory_space<vmem>>) target(%dma_start3A_210 : memref<10240x128xf32, #tpu.memory_space<vmem_shared>>) offsets(%arg12 : memref<80xi32, #tpu.memory_space<vmem>>) semaphore(%run_scoped3A : memref<!tpu.dma_semaphore, #tpu.memory_space<semaphore_mem>>) {add = true}
          %dma_wait3A_211 = arith.constant 0 : i32
          %dma_wait3A_212 = arith.constant 0 : i32
          %dma_wait3A_213 = tpu.memref_slice %arg21[%dma_wait3A_211, %dma_wait3A_212] : memref<10240x128xf32, #tpu.memory_space<vmem_shared>> -> memref<10240x128xf32, #tpu.memory_space<vmem_shared>>
          tpu.wait_indirect_dma semaphore(%run_scoped3A : memref<!tpu.dma_semaphore, #tpu.memory_space<semaphore_mem>>) src(%arg16 : memref<80x128xf32, #tpu.memory_space<vmem>>) dst(%dma_wait3A_213 : memref<10240x128xf32, #tpu.memory_space<vmem_shared>>)
          tpu.yield
        }) : () -> ()
        %add3A_131 = arith.constant 4 : i32
        %add3A_132 = arith.addi %add3A_127, %add3A_131 : i32
        %sub3A = arith.constant 1 : i32
        %sub3A_133 = arith.subi %add3A_132, %sub3A : i32
        %lt3A = arith.constant 250 : i32
        %lt3A_134 = arith.cmpi slt, %sub3A_133, %lt3A : i32
        %convert_element_type3A_135 = arith.extui %lt3A_134 : i1 to i32
        %cond3A_136 = arith.constant 0 : i32
        %cond3A_137 = arith.cmpi ne, %convert_element_type3A_135, %cond3A_136 : i32
        scf.if %cond3A_137 {
          %add3A_208 = arith.constant 4 : i32
          %add3A_209 = arith.addi %add3A_127, %add3A_208 : i32
          %sub3A_210 = arith.constant 1 : i32
          %sub3A_211 = arith.subi %add3A_209, %sub3A_210 : i32
          %mul3A_212 = arith.constant 80 : i32
          %mul3A_213 = arith.muli %sub3A_211, %mul3A_212 : i32
          %add3A_214 = arith.addi %mul3A_14, %mul3A_213 : i32
          %multiple_of3A_215 = tpu.assume_multiple %add3A_214, 8 : i32
          %dma_wait3A_216 = tpu.memref_slice %arg2[%multiple_of3A_215] : memref<320000xi32, #tpu.memory_space<hbm>> -> memref<80xi32, #tpu.memory_space<hbm>>
          %dma_wait3A_217 = tpu.memref_slice %arg2[%multiple_of3A_215] : memref<320000xi32, #tpu.memory_space<hbm>> -> memref<80xi32, #tpu.memory_space<hbm>>
          tpu.wait_dma2 semaphore(%arg25 : memref<!tpu.dma_semaphore, #tpu.memory_space<semaphore_mem>>) src(%dma_wait3A_217 : memref<80xi32, #tpu.memory_space<hbm>>) dst(%arg11 : memref<80xi32, #tpu.memory_space<vmem>>)
          %dma_wait3A_218 = tpu.memref_slice %arg3[%multiple_of3A_215] : memref<320000xi32, #tpu.memory_space<hbm>> -> memref<80xi32, #tpu.memory_space<hbm>>
          %dma_wait3A_219 = tpu.memref_slice %arg3[%multiple_of3A_215] : memref<320000xi32, #tpu.memory_space<hbm>> -> memref<80xi32, #tpu.memory_space<hbm>>
          tpu.wait_dma2 semaphore(%arg25 : memref<!tpu.dma_semaphore, #tpu.memory_space<semaphore_mem>>) src(%dma_wait3A_219 : memref<80xi32, #tpu.memory_space<hbm>>) dst(%arg15 : memref<80xi32, #tpu.memory_space<vmem>>)
          %dma_start3A_220 = arith.constant 0 : i32
          %dma_start3A_221 = arith.constant 0 : i32
          %dma_start3A_222 = tpu.memref_slice %arg4[%dma_start3A_220, %dma_start3A_221] : memref<10000x128xf32, #tpu.memory_space<hbm>> -> memref<10000x128xf32, #tpu.memory_space<hbm>>
          tpu.enqueue_indirect_dma source(%dma_start3A_222 : memref<10000x128xf32, #tpu.memory_space<hbm>>) target(%arg19 : memref<80x128xf32, #tpu.memory_space<vmem>>) offsets(%arg11 : memref<80xi32, #tpu.memory_space<vmem>>) semaphore(%arg29 : memref<!tpu.dma_semaphore, #tpu.memory_space<semaphore_mem>>)
        } else {
        }
        %add3A_138 = arith.constant 4 : i32
        %add3A_139 = arith.addi %add3A_127, %add3A_138 : i32
        %lt3A_140 = arith.constant 250 : i32
        %lt3A_141 = arith.cmpi slt, %add3A_139, %lt3A_140 : i32
        %convert_element_type3A_142 = arith.extui %lt3A_141 : i1 to i32
        %cond3A_143 = arith.constant 0 : i32
        %cond3A_144 = arith.cmpi ne, %convert_element_type3A_142, %cond3A_143 : i32
        scf.if %cond3A_144 {
          %add3A_208 = arith.constant 4 : i32
          %add3A_209 = arith.addi %add3A_127, %add3A_208 : i32
          %mul3A_210 = arith.constant 80 : i32
          %mul3A_211 = arith.muli %add3A_209, %mul3A_210 : i32
          %add3A_212 = arith.addi %mul3A_14, %mul3A_211 : i32
          %multiple_of3A_213 = tpu.assume_multiple %add3A_212, 8 : i32
          %dma_start3A_214 = tpu.memref_slice %arg2[%multiple_of3A_213] : memref<320000xi32, #tpu.memory_space<hbm>> -> memref<80xi32, #tpu.memory_space<hbm>>
          %dma_start3A_215 = tpu.memref_slice %arg2[%multiple_of3A_213] : memref<320000xi32, #tpu.memory_space<hbm>> -> memref<80xi32, #tpu.memory_space<hbm>>
          tpu.enqueue_dma source(%dma_start3A_215 : memref<80xi32, #tpu.memory_space<hbm>>) target(%arg8 : memref<80xi32, #tpu.memory_space<vmem>>) target_semaphore(%arg22 : memref<!tpu.dma_semaphore, #tpu.memory_space<semaphore_mem>>)
          %dma_start3A_216 = tpu.memref_slice %arg3[%multiple_of3A_213] : memref<320000xi32, #tpu.memory_space<hbm>> -> memref<80xi32, #tpu.memory_space<hbm>>
          %dma_start3A_217 = tpu.memref_slice %arg3[%multiple_of3A_213] : memref<320000xi32, #tpu.memory_space<hbm>> -> memref<80xi32, #tpu.memory_space<hbm>>
          tpu.enqueue_dma source(%dma_start3A_217 : memref<80xi32, #tpu.memory_space<hbm>>) target(%arg12 : memref<80xi32, #tpu.memory_space<vmem>>) target_semaphore(%arg22 : memref<!tpu.dma_semaphore, #tpu.memory_space<semaphore_mem>>)
        } else {
        }
        %add3A_145 = arith.constant 1 : i32
        %add3A_146 = arith.addi %add3A_125, %add3A_145 : i32
        %dma_wait3A_147 = arith.constant 0 : i32
        %dma_wait3A_148 = arith.constant 0 : i32
        %dma_wait3A_149 = tpu.memref_slice %arg4[%dma_wait3A_147, %dma_wait3A_148] : memref<10000x128xf32, #tpu.memory_space<hbm>> -> memref<10000x128xf32, #tpu.memory_space<hbm>>
        tpu.wait_indirect_dma semaphore(%arg27 : memref<!tpu.dma_semaphore, #tpu.memory_space<semaphore_mem>>) src(%dma_wait3A_149 : memref<10000x128xf32, #tpu.memory_space<hbm>>) dst(%arg17 : memref<80x128xf32, #tpu.memory_space<vmem>>)
        "tpu.region"() ({
          %run_scoped3A = tpu.sem_alloc : memref<!tpu.dma_semaphore, #tpu.memory_space<semaphore_mem>>
          %dma_start3A_208 = arith.constant 0 : i32
          %dma_start3A_209 = arith.constant 0 : i32
          %dma_start3A_210 = tpu.memref_slice %arg21[%dma_start3A_208, %dma_start3A_209] : memref<10240x128xf32, #tpu.memory_space<vmem_shared>> -> memref<10240x128xf32, #tpu.memory_space<vmem_shared>>
          tpu.enqueue_indirect_dma source(%arg17 : memref<80x128xf32, #tpu.memory_space<vmem>>) target(%dma_start3A_210 : memref<10240x128xf32, #tpu.memory_space<vmem_shared>>) offsets(%arg13 : memref<80xi32, #tpu.memory_space<vmem>>) semaphore(%run_scoped3A : memref<!tpu.dma_semaphore, #tpu.memory_space<semaphore_mem>>) {add = true}
          %dma_wait3A_211 = arith.constant 0 : i32
          %dma_wait3A_212 = arith.constant 0 : i32
          %dma_wait3A_213 = tpu.memref_slice %arg21[%dma_wait3A_211, %dma_wait3A_212] : memref<10240x128xf32, #tpu.memory_space<vmem_shared>> -> memref<10240x128xf32, #tpu.memory_space<vmem_shared>>
          tpu.wait_indirect_dma semaphore(%run_scoped3A : memref<!tpu.dma_semaphore, #tpu.memory_space<semaphore_mem>>) src(%arg17 : memref<80x128xf32, #tpu.memory_space<vmem>>) dst(%dma_wait3A_213 : memref<10240x128xf32, #tpu.memory_space<vmem_shared>>)
          tpu.yield
        }) : () -> ()
        %add3A_150 = arith.constant 4 : i32
        %add3A_151 = arith.addi %add3A_146, %add3A_150 : i32
        %sub3A_152 = arith.constant 1 : i32
        %sub3A_153 = arith.subi %add3A_151, %sub3A_152 : i32
        %lt3A_154 = arith.constant 250 : i32
        %lt3A_155 = arith.cmpi slt, %sub3A_153, %lt3A_154 : i32
        %convert_element_type3A_156 = arith.extui %lt3A_155 : i1 to i32
        %cond3A_157 = arith.constant 0 : i32
        %cond3A_158 = arith.cmpi ne, %convert_element_type3A_156, %cond3A_157 : i32
        scf.if %cond3A_158 {
          %add3A_208 = arith.constant 4 : i32
          %add3A_209 = arith.addi %add3A_146, %add3A_208 : i32
          %sub3A_210 = arith.constant 1 : i32
          %sub3A_211 = arith.subi %add3A_209, %sub3A_210 : i32
          %mul3A_212 = arith.constant 80 : i32
          %mul3A_213 = arith.muli %sub3A_211, %mul3A_212 : i32
          %add3A_214 = arith.addi %mul3A_14, %mul3A_213 : i32
          %multiple_of3A_215 = tpu.assume_multiple %add3A_214, 8 : i32
          %dma_wait3A_216 = tpu.memref_slice %arg2[%multiple_of3A_215] : memref<320000xi32, #tpu.memory_space<hbm>> -> memref<80xi32, #tpu.memory_space<hbm>>
          %dma_wait3A_217 = tpu.memref_slice %arg2[%multiple_of3A_215] : memref<320000xi32, #tpu.memory_space<hbm>> -> memref<80xi32, #tpu.memory_space<hbm>>
          tpu.wait_dma2 semaphore(%arg22 : memref<!tpu.dma_semaphore, #tpu.memory_space<semaphore_mem>>) src(%dma_wait3A_217 : memref<80xi32, #tpu.memory_space<hbm>>) dst(%arg8 : memref<80xi32, #tpu.memory_space<vmem>>)
          %dma_wait3A_218 = tpu.memref_slice %arg3[%multiple_of3A_215] : memref<320000xi32, #tpu.memory_space<hbm>> -> memref<80xi32, #tpu.memory_space<hbm>>
          %dma_wait3A_219 = tpu.memref_slice %arg3[%multiple_of3A_215] : memref<320000xi32, #tpu.memory_space<hbm>> -> memref<80xi32, #tpu.memory_space<hbm>>
          tpu.wait_dma2 semaphore(%arg22 : memref<!tpu.dma_semaphore, #tpu.memory_space<semaphore_mem>>) src(%dma_wait3A_219 : memref<80xi32, #tpu.memory_space<hbm>>) dst(%arg12 : memref<80xi32, #tpu.memory_space<vmem>>)
          %dma_start3A_220 = arith.constant 0 : i32
          %dma_start3A_221 = arith.constant 0 : i32
          %dma_start3A_222 = tpu.memref_slice %arg4[%dma_start3A_220, %dma_start3A_221] : memref<10000x128xf32, #tpu.memory_space<hbm>> -> memref<10000x128xf32, #tpu.memory_space<hbm>>
          tpu.enqueue_indirect_dma source(%dma_start3A_222 : memref<10000x128xf32, #tpu.memory_space<hbm>>) target(%arg16 : memref<80x128xf32, #tpu.memory_space<vmem>>) offsets(%arg8 : memref<80xi32, #tpu.memory_space<vmem>>) semaphore(%arg26 : memref<!tpu.dma_semaphore, #tpu.memory_space<semaphore_mem>>)
        } else {
        }
        %add3A_159 = arith.constant 4 : i32
        %add3A_160 = arith.addi %add3A_146, %add3A_159 : i32
        %lt3A_161 = arith.constant 250 : i32
        %lt3A_162 = arith.cmpi slt, %add3A_160, %lt3A_161 : i32
        %convert_element_type3A_163 = arith.extui %lt3A_162 : i1 to i32
        %cond3A_164 = arith.constant 0 : i32
        %cond3A_165 = arith.cmpi ne, %convert_element_type3A_163, %cond3A_164 : i32
        scf.if %cond3A_165 {
          %add3A_208 = arith.constant 4 : i32
          %add3A_209 = arith.addi %add3A_146, %add3A_208 : i32
          %mul3A_210 = arith.constant 80 : i32
          %mul3A_211 = arith.muli %add3A_209, %mul3A_210 : i32
          %add3A_212 = arith.addi %mul3A_14, %mul3A_211 : i32
          %multiple_of3A_213 = tpu.assume_multiple %add3A_212, 8 : i32
          %dma_start3A_214 = tpu.memref_slice %arg2[%multiple_of3A_213] : memref<320000xi32, #tpu.memory_space<hbm>> -> memref<80xi32, #tpu.memory_space<hbm>>
          %dma_start3A_215 = tpu.memref_slice %arg2[%multiple_of3A_213] : memref<320000xi32, #tpu.memory_space<hbm>> -> memref<80xi32, #tpu.memory_space<hbm>>
          tpu.enqueue_dma source(%dma_start3A_215 : memref<80xi32, #tpu.memory_space<hbm>>) target(%arg9 : memref<80xi32, #tpu.memory_space<vmem>>) target_semaphore(%arg23 : memref<!tpu.dma_semaphore, #tpu.memory_space<semaphore_mem>>)
          %dma_start3A_216 = tpu.memref_slice %arg3[%multiple_of3A_213] : memref<320000xi32, #tpu.memory_space<hbm>> -> memref<80xi32, #tpu.memory_space<hbm>>
          %dma_start3A_217 = tpu.memref_slice %arg3[%multiple_of3A_213] : memref<320000xi32, #tpu.memory_space<hbm>> -> memref<80xi32, #tpu.memory_space<hbm>>
          tpu.enqueue_dma source(%dma_start3A_217 : memref<80xi32, #tpu.memory_space<hbm>>) target(%arg13 : memref<80xi32, #tpu.memory_space<vmem>>) target_semaphore(%arg23 : memref<!tpu.dma_semaphore, #tpu.memory_space<semaphore_mem>>)
        } else {
        }
        %add3A_166 = arith.constant 2 : i32
        %add3A_167 = arith.addi %add3A_125, %add3A_166 : i32
        %dma_wait3A_168 = arith.constant 0 : i32
        %dma_wait3A_169 = arith.constant 0 : i32
        %dma_wait3A_170 = tpu.memref_slice %arg4[%dma_wait3A_168, %dma_wait3A_169] : memref<10000x128xf32, #tpu.memory_space<hbm>> -> memref<10000x128xf32, #tpu.memory_space<hbm>>
        tpu.wait_indirect_dma semaphore(%arg28 : memref<!tpu.dma_semaphore, #tpu.memory_space<semaphore_mem>>) src(%dma_wait3A_170 : memref<10000x128xf32, #tpu.memory_space<hbm>>) dst(%arg18 : memref<80x128xf32, #tpu.memory_space<vmem>>)
        "tpu.region"() ({
          %run_scoped3A = tpu.sem_alloc : memref<!tpu.dma_semaphore, #tpu.memory_space<semaphore_mem>>
          %dma_start3A_208 = arith.constant 0 : i32
          %dma_start3A_209 = arith.constant 0 : i32
          %dma_start3A_210 = tpu.memref_slice %arg21[%dma_start3A_208, %dma_start3A_209] : memref<10240x128xf32, #tpu.memory_space<vmem_shared>> -> memref<10240x128xf32, #tpu.memory_space<vmem_shared>>
          tpu.enqueue_indirect_dma source(%arg18 : memref<80x128xf32, #tpu.memory_space<vmem>>) target(%dma_start3A_210 : memref<10240x128xf32, #tpu.memory_space<vmem_shared>>) offsets(%arg14 : memref<80xi32, #tpu.memory_space<vmem>>) semaphore(%run_scoped3A : memref<!tpu.dma_semaphore, #tpu.memory_space<semaphore_mem>>) {add = true}
          %dma_wait3A_211 = arith.constant 0 : i32
          %dma_wait3A_212 = arith.constant 0 : i32
          %dma_wait3A_213 = tpu.memref_slice %arg21[%dma_wait3A_211, %dma_wait3A_212] : memref<10240x128xf32, #tpu.memory_space<vmem_shared>> -> memref<10240x128xf32, #tpu.memory_space<vmem_shared>>
          tpu.wait_indirect_dma semaphore(%run_scoped3A : memref<!tpu.dma_semaphore, #tpu.memory_space<semaphore_mem>>) src(%arg18 : memref<80x128xf32, #tpu.memory_space<vmem>>) dst(%dma_wait3A_213 : memref<10240x128xf32, #tpu.memory_space<vmem_shared>>)
          tpu.yield
        }) : () -> ()
        %add3A_171 = arith.constant 4 : i32
        %add3A_172 = arith.addi %add3A_167, %add3A_171 : i32
        %sub3A_173 = arith.constant 1 : i32
        %sub3A_174 = arith.subi %add3A_172, %sub3A_173 : i32
        %lt3A_175 = arith.constant 250 : i32
        %lt3A_176 = arith.cmpi slt, %sub3A_174, %lt3A_175 : i32
        %convert_element_type3A_177 = arith.extui %lt3A_176 : i1 to i32
        %cond3A_178 = arith.constant 0 : i32
        %cond3A_179 = arith.cmpi ne, %convert_element_type3A_177, %cond3A_178 : i32
        scf.if %cond3A_179 {
          %add3A_208 = arith.constant 4 : i32
          %add3A_209 = arith.addi %add3A_167, %add3A_208 : i32
          %sub3A_210 = arith.constant 1 : i32
          %sub3A_211 = arith.subi %add3A_209, %sub3A_210 : i32
          %mul3A_212 = arith.constant 80 : i32
          %mul3A_213 = arith.muli %sub3A_211, %mul3A_212 : i32
          %add3A_214 = arith.addi %mul3A_14, %mul3A_213 : i32
          %multiple_of3A_215 = tpu.assume_multiple %add3A_214, 8 : i32
          %dma_wait3A_216 = tpu.memref_slice %arg2[%multiple_of3A_215] : memref<320000xi32, #tpu.memory_space<hbm>> -> memref<80xi32, #tpu.memory_space<hbm>>
          %dma_wait3A_217 = tpu.memref_slice %arg2[%multiple_of3A_215] : memref<320000xi32, #tpu.memory_space<hbm>> -> memref<80xi32, #tpu.memory_space<hbm>>
          tpu.wait_dma2 semaphore(%arg23 : memref<!tpu.dma_semaphore, #tpu.memory_space<semaphore_mem>>) src(%dma_wait3A_217 : memref<80xi32, #tpu.memory_space<hbm>>) dst(%arg9 : memref<80xi32, #tpu.memory_space<vmem>>)
          %dma_wait3A_218 = tpu.memref_slice %arg3[%multiple_of3A_215] : memref<320000xi32, #tpu.memory_space<hbm>> -> memref<80xi32, #tpu.memory_space<hbm>>
          %dma_wait3A_219 = tpu.memref_slice %arg3[%multiple_of3A_215] : memref<320000xi32, #tpu.memory_space<hbm>> -> memref<80xi32, #tpu.memory_space<hbm>>
          tpu.wait_dma2 semaphore(%arg23 : memref<!tpu.dma_semaphore, #tpu.memory_space<semaphore_mem>>) src(%dma_wait3A_219 : memref<80xi32, #tpu.memory_space<hbm>>) dst(%arg13 : memref<80xi32, #tpu.memory_space<vmem>>)
          %dma_start3A_220 = arith.constant 0 : i32
          %dma_start3A_221 = arith.constant 0 : i32
          %dma_start3A_222 = tpu.memref_slice %arg4[%dma_start3A_220, %dma_start3A_221] : memref<10000x128xf32, #tpu.memory_space<hbm>> -> memref<10000x128xf32, #tpu.memory_space<hbm>>
          tpu.enqueue_indirect_dma source(%dma_start3A_222 : memref<10000x128xf32, #tpu.memory_space<hbm>>) target(%arg17 : memref<80x128xf32, #tpu.memory_space<vmem>>) offsets(%arg9 : memref<80xi32, #tpu.memory_space<vmem>>) semaphore(%arg27 : memref<!tpu.dma_semaphore, #tpu.memory_space<semaphore_mem>>)
        } else {
        }
        %add3A_180 = arith.constant 4 : i32
        %add3A_181 = arith.addi %add3A_167, %add3A_180 : i32
        %lt3A_182 = arith.constant 250 : i32
        %lt3A_183 = arith.cmpi slt, %add3A_181, %lt3A_182 : i32
        %convert_element_type3A_184 = arith.extui %lt3A_183 : i1 to i32
        %cond3A_185 = arith.constant 0 : i32
        %cond3A_186 = arith.cmpi ne, %convert_element_type3A_184, %cond3A_185 : i32
        scf.if %cond3A_186 {
          %add3A_208 = arith.constant 4 : i32
          %add3A_209 = arith.addi %add3A_167, %add3A_208 : i32
          %mul3A_210 = arith.constant 80 : i32
          %mul3A_211 = arith.muli %add3A_209, %mul3A_210 : i32
          %add3A_212 = arith.addi %mul3A_14, %mul3A_211 : i32
          %multiple_of3A_213 = tpu.assume_multiple %add3A_212, 8 : i32
          %dma_start3A_214 = tpu.memref_slice %arg2[%multiple_of3A_213] : memref<320000xi32, #tpu.memory_space<hbm>> -> memref<80xi32, #tpu.memory_space<hbm>>
          %dma_start3A_215 = tpu.memref_slice %arg2[%multiple_of3A_213] : memref<320000xi32, #tpu.memory_space<hbm>> -> memref<80xi32, #tpu.memory_space<hbm>>
          tpu.enqueue_dma source(%dma_start3A_215 : memref<80xi32, #tpu.memory_space<hbm>>) target(%arg10 : memref<80xi32, #tpu.memory_space<vmem>>) target_semaphore(%arg24 : memref<!tpu.dma_semaphore, #tpu.memory_space<semaphore_mem>>)
          %dma_start3A_216 = tpu.memref_slice %arg3[%multiple_of3A_213] : memref<320000xi32, #tpu.memory_space<hbm>> -> memref<80xi32, #tpu.memory_space<hbm>>
          %dma_start3A_217 = tpu.memref_slice %arg3[%multiple_of3A_213] : memref<320000xi32, #tpu.memory_space<hbm>> -> memref<80xi32, #tpu.memory_space<hbm>>
          tpu.enqueue_dma source(%dma_start3A_217 : memref<80xi32, #tpu.memory_space<hbm>>) target(%arg14 : memref<80xi32, #tpu.memory_space<vmem>>) target_semaphore(%arg24 : memref<!tpu.dma_semaphore, #tpu.memory_space<semaphore_mem>>)
        } else {
        }
        %add3A_187 = arith.constant 3 : i32
        %add3A_188 = arith.addi %add3A_125, %add3A_187 : i32
        %dma_wait3A_189 = arith.constant 0 : i32
        %dma_wait3A_190 = arith.constant 0 : i32
        %dma_wait3A_191 = tpu.memref_slice %arg4[%dma_wait3A_189, %dma_wait3A_190] : memref<10000x128xf32, #tpu.memory_space<hbm>> -> memref<10000x128xf32, #tpu.memory_space<hbm>>
        tpu.wait_indirect_dma semaphore(%arg29 : memref<!tpu.dma_semaphore, #tpu.memory_space<semaphore_mem>>) src(%dma_wait3A_191 : memref<10000x128xf32, #tpu.memory_space<hbm>>) dst(%arg19 : memref<80x128xf32, #tpu.memory_space<vmem>>)
        "tpu.region"() ({
          %run_scoped3A = tpu.sem_alloc : memref<!tpu.dma_semaphore, #tpu.memory_space<semaphore_mem>>
          %dma_start3A_208 = arith.constant 0 : i32
          %dma_start3A_209 = arith.constant 0 : i32
          %dma_start3A_210 = tpu.memref_slice %arg21[%dma_start3A_208, %dma_start3A_209] : memref<10240x128xf32, #tpu.memory_space<vmem_shared>> -> memref<10240x128xf32, #tpu.memory_space<vmem_shared>>
          tpu.enqueue_indirect_dma source(%arg19 : memref<80x128xf32, #tpu.memory_space<vmem>>) target(%dma_start3A_210 : memref<10240x128xf32, #tpu.memory_space<vmem_shared>>) offsets(%arg15 : memref<80xi32, #tpu.memory_space<vmem>>) semaphore(%run_scoped3A : memref<!tpu.dma_semaphore, #tpu.memory_space<semaphore_mem>>) {add = true}
          %dma_wait3A_211 = arith.constant 0 : i32
          %dma_wait3A_212 = arith.constant 0 : i32
          %dma_wait3A_213 = tpu.memref_slice %arg21[%dma_wait3A_211, %dma_wait3A_212] : memref<10240x128xf32, #tpu.memory_space<vmem_shared>> -> memref<10240x128xf32, #tpu.memory_space<vmem_shared>>
          tpu.wait_indirect_dma semaphore(%run_scoped3A : memref<!tpu.dma_semaphore, #tpu.memory_space<semaphore_mem>>) src(%arg19 : memref<80x128xf32, #tpu.memory_space<vmem>>) dst(%dma_wait3A_213 : memref<10240x128xf32, #tpu.memory_space<vmem_shared>>)
          tpu.yield
        }) : () -> ()
        %add3A_192 = arith.constant 4 : i32
        %add3A_193 = arith.addi %add3A_188, %add3A_192 : i32
        %sub3A_194 = arith.constant 1 : i32
        %sub3A_195 = arith.subi %add3A_193, %sub3A_194 : i32
        %lt3A_196 = arith.constant 250 : i32
        %lt3A_197 = arith.cmpi slt, %sub3A_195, %lt3A_196 : i32
        %convert_element_type3A_198 = arith.extui %lt3A_197 : i1 to i32
        %cond3A_199 = arith.constant 0 : i32
        %cond3A_200 = arith.cmpi ne, %convert_element_type3A_198, %cond3A_199 : i32
        scf.if %cond3A_200 {
          %add3A_208 = arith.constant 4 : i32
          %add3A_209 = arith.addi %add3A_188, %add3A_208 : i32
          %sub3A_210 = arith.constant 1 : i32
          %sub3A_211 = arith.subi %add3A_209, %sub3A_210 : i32
          %mul3A_212 = arith.constant 80 : i32
          %mul3A_213 = arith.muli %sub3A_211, %mul3A_212 : i32
          %add3A_214 = arith.addi %mul3A_14, %mul3A_213 : i32
          %multiple_of3A_215 = tpu.assume_multiple %add3A_214, 8 : i32
          %dma_wait3A_216 = tpu.memref_slice %arg2[%multiple_of3A_215] : memref<320000xi32, #tpu.memory_space<hbm>> -> memref<80xi32, #tpu.memory_space<hbm>>
          %dma_wait3A_217 = tpu.memref_slice %arg2[%multiple_of3A_215] : memref<320000xi32, #tpu.memory_space<hbm>> -> memref<80xi32, #tpu.memory_space<hbm>>
          tpu.wait_dma2 semaphore(%arg24 : memref<!tpu.dma_semaphore, #tpu.memory_space<semaphore_mem>>) src(%dma_wait3A_217 : memref<80xi32, #tpu.memory_space<hbm>>) dst(%arg10 : memref<80xi32, #tpu.memory_space<vmem>>)
          %dma_wait3A_218 = tpu.memref_slice %arg3[%multiple_of3A_215] : memref<320000xi32, #tpu.memory_space<hbm>> -> memref<80xi32, #tpu.memory_space<hbm>>
          %dma_wait3A_219 = tpu.memref_slice %arg3[%multiple_of3A_215] : memref<320000xi32, #tpu.memory_space<hbm>> -> memref<80xi32, #tpu.memory_space<hbm>>
          tpu.wait_dma2 semaphore(%arg24 : memref<!tpu.dma_semaphore, #tpu.memory_space<semaphore_mem>>) src(%dma_wait3A_219 : memref<80xi32, #tpu.memory_space<hbm>>) dst(%arg14 : memref<80xi32, #tpu.memory_space<vmem>>)
          %dma_start3A_220 = arith.constant 0 : i32
          %dma_start3A_221 = arith.constant 0 : i32
          %dma_start3A_222 = tpu.memref_slice %arg4[%dma_start3A_220, %dma_start3A_221] : memref<10000x128xf32, #tpu.memory_space<hbm>> -> memref<10000x128xf32, #tpu.memory_space<hbm>>
          tpu.enqueue_indirect_dma source(%dma_start3A_222 : memref<10000x128xf32, #tpu.memory_space<hbm>>) target(%arg18 : memref<80x128xf32, #tpu.memory_space<vmem>>) offsets(%arg10 : memref<80xi32, #tpu.memory_space<vmem>>) semaphore(%arg28 : memref<!tpu.dma_semaphore, #tpu.memory_space<semaphore_mem>>)
        } else {
        }
        %add3A_201 = arith.constant 4 : i32
        %add3A_202 = arith.addi %add3A_188, %add3A_201 : i32
        %lt3A_203 = arith.constant 250 : i32
        %lt3A_204 = arith.cmpi slt, %add3A_202, %lt3A_203 : i32
        %convert_element_type3A_205 = arith.extui %lt3A_204 : i1 to i32
        %cond3A_206 = arith.constant 0 : i32
        %cond3A_207 = arith.cmpi ne, %convert_element_type3A_205, %cond3A_206 : i32
        scf.if %cond3A_207 {
          %add3A_208 = arith.constant 4 : i32
          %add3A_209 = arith.addi %add3A_188, %add3A_208 : i32
          %mul3A_210 = arith.constant 80 : i32
          %mul3A_211 = arith.muli %add3A_209, %mul3A_210 : i32
          %add3A_212 = arith.addi %mul3A_14, %mul3A_211 : i32
          %multiple_of3A_213 = tpu.assume_multiple %add3A_212, 8 : i32
          %dma_start3A_214 = tpu.memref_slice %arg2[%multiple_of3A_213] : memref<320000xi32, #tpu.memory_space<hbm>> -> memref<80xi32, #tpu.memory_space<hbm>>
          %dma_start3A_215 = tpu.memref_slice %arg2[%multiple_of3A_213] : memref<320000xi32, #tpu.memory_space<hbm>> -> memref<80xi32, #tpu.memory_space<hbm>>
          tpu.enqueue_dma source(%dma_start3A_215 : memref<80xi32, #tpu.memory_space<hbm>>) target(%arg11 : memref<80xi32, #tpu.memory_space<vmem>>) target_semaphore(%arg25 : memref<!tpu.dma_semaphore, #tpu.memory_space<semaphore_mem>>)
          %dma_start3A_216 = tpu.memref_slice %arg3[%multiple_of3A_213] : memref<320000xi32, #tpu.memory_space<hbm>> -> memref<80xi32, #tpu.memory_space<hbm>>
          %dma_start3A_217 = tpu.memref_slice %arg3[%multiple_of3A_213] : memref<320000xi32, #tpu.memory_space<hbm>> -> memref<80xi32, #tpu.memory_space<hbm>>
          tpu.enqueue_dma source(%dma_start3A_217 : memref<80xi32, #tpu.memory_space<hbm>>) target(%arg15 : memref<80xi32, #tpu.memory_space<vmem>>) target_semaphore(%arg25 : memref<!tpu.dma_semaphore, #tpu.memory_space<semaphore_mem>>)
        } else {
        }
      }
      %scan3A_113 = arith.constant 62 : i32
      %dma_wait3A_114 = arith.constant 0 : i32
      %dma_wait3A_115 = arith.constant 0 : i32
      %dma_wait3A_116 = tpu.memref_slice %arg4[%dma_wait3A_114, %dma_wait3A_115] : memref<10000x128xf32, #tpu.memory_space<hbm>> -> memref<10000x128xf32, #tpu.memory_space<hbm>>
      tpu.wait_indirect_dma semaphore(%arg26 : memref<!tpu.dma_semaphore, #tpu.memory_space<semaphore_mem>>) src(%dma_wait3A_116 : memref<10000x128xf32, #tpu.memory_space<hbm>>) dst(%arg16 : memref<80x128xf32, #tpu.memory_space<vmem>>)
      "tpu.region"() ({
        %run_scoped3A = tpu.sem_alloc : memref<!tpu.dma_semaphore, #tpu.memory_space<semaphore_mem>>
        %dma_start3A_121 = arith.constant 0 : i32
        %dma_start3A_122 = arith.constant 0 : i32
        %dma_start3A_123 = tpu.memref_slice %arg21[%dma_start3A_121, %dma_start3A_122] : memref<10240x128xf32, #tpu.memory_space<vmem_shared>> -> memref<10240x128xf32, #tpu.memory_space<vmem_shared>>
        tpu.enqueue_indirect_dma source(%arg16 : memref<80x128xf32, #tpu.memory_space<vmem>>) target(%dma_start3A_123 : memref<10240x128xf32, #tpu.memory_space<vmem_shared>>) offsets(%arg12 : memref<80xi32, #tpu.memory_space<vmem>>) semaphore(%run_scoped3A : memref<!tpu.dma_semaphore, #tpu.memory_space<semaphore_mem>>) {add = true}
        %dma_wait3A_124 = arith.constant 0 : i32
        %dma_wait3A_125 = arith.constant 0 : i32
        %dma_wait3A_126 = tpu.memref_slice %arg21[%dma_wait3A_124, %dma_wait3A_125] : memref<10240x128xf32, #tpu.memory_space<vmem_shared>> -> memref<10240x128xf32, #tpu.memory_space<vmem_shared>>
        tpu.wait_indirect_dma semaphore(%run_scoped3A : memref<!tpu.dma_semaphore, #tpu.memory_space<semaphore_mem>>) src(%arg16 : memref<80x128xf32, #tpu.memory_space<vmem>>) dst(%dma_wait3A_126 : memref<10240x128xf32, #tpu.memory_space<vmem_shared>>)
        tpu.yield
      }) : () -> ()
      %dma_wait3A_117 = arith.constant 0 : i32
      %dma_wait3A_118 = arith.constant 0 : i32
      %dma_wait3A_119 = tpu.memref_slice %arg4[%dma_wait3A_117, %dma_wait3A_118] : memref<10000x128xf32, #tpu.memory_space<hbm>> -> memref<10000x128xf32, #tpu.memory_space<hbm>>
      tpu.wait_indirect_dma semaphore(%arg27 : memref<!tpu.dma_semaphore, #tpu.memory_space<semaphore_mem>>) src(%dma_wait3A_119 : memref<10000x128xf32, #tpu.memory_space<hbm>>) dst(%arg17 : memref<80x128xf32, #tpu.memory_space<vmem>>)
      "tpu.region"() ({
        %run_scoped3A = tpu.sem_alloc : memref<!tpu.dma_semaphore, #tpu.memory_space<semaphore_mem>>
        %dma_start3A_121 = arith.constant 0 : i32
        %dma_start3A_122 = arith.constant 0 : i32
        %dma_start3A_123 = tpu.memref_slice %arg21[%dma_start3A_121, %dma_start3A_122] : memref<10240x128xf32, #tpu.memory_space<vmem_shared>> -> memref<10240x128xf32, #tpu.memory_space<vmem_shared>>
        tpu.enqueue_indirect_dma source(%arg17 : memref<80x128xf32, #tpu.memory_space<vmem>>) target(%dma_start3A_123 : memref<10240x128xf32, #tpu.memory_space<vmem_shared>>) offsets(%arg13 : memref<80xi32, #tpu.memory_space<vmem>>) semaphore(%run_scoped3A : memref<!tpu.dma_semaphore, #tpu.memory_space<semaphore_mem>>) {add = true}
        %dma_wait3A_124 = arith.constant 0 : i32
        %dma_wait3A_125 = arith.constant 0 : i32
        %dma_wait3A_126 = tpu.memref_slice %arg21[%dma_wait3A_124, %dma_wait3A_125] : memref<10240x128xf32, #tpu.memory_space<vmem_shared>> -> memref<10240x128xf32, #tpu.memory_space<vmem_shared>>
        tpu.wait_indirect_dma semaphore(%run_scoped3A : memref<!tpu.dma_semaphore, #tpu.memory_space<semaphore_mem>>) src(%arg17 : memref<80x128xf32, #tpu.memory_space<vmem>>) dst(%dma_wait3A_126 : memref<10240x128xf32, #tpu.memory_space<vmem_shared>>)
        tpu.yield
      }) : () -> ()
      %barrier3A_120 = arith.constant 0 : index
      tpu.barrier barrier_id(%barrier3A_120)
      "tpu.region"() ({
        %run_scoped3A = tpu.sem_alloc : memref<!tpu.dma_semaphore, #tpu.memory_space<semaphore_mem>>
        %dma_start3A_121 = arith.constant 0 : i32
        %dma_start3A_122 = tpu.memref_slice %arg6[%mul3A_12, %dma_start3A_121] : memref<10240x128xf32, #tpu.memory_space<hbm>> -> memref<640x128xf32, #tpu.memory_space<hbm>>
        %dma_start3A_123 = arith.constant 0 : i32
        %dma_start3A_124 = tpu.memref_slice %arg21[%mul3A_12, %dma_start3A_123] : memref<10240x128xf32, #tpu.memory_space<vmem_shared>> -> memref<640x128xf32, #tpu.memory_space<vmem_shared>>
        tpu.enqueue_dma source(%dma_start3A_124 : memref<640x128xf32, #tpu.memory_space<vmem_shared>>) target(%dma_start3A_122 : memref<640x128xf32, #tpu.memory_space<hbm>>) target_semaphore(%run_scoped3A : memref<!tpu.dma_semaphore, #tpu.memory_space<semaphore_mem>>)
        %dma_wait3A_125 = arith.constant 0 : i32
        %dma_wait3A_126 = tpu.memref_slice %arg6[%mul3A_12, %dma_wait3A_125] : memref<10240x128xf32, #tpu.memory_space<hbm>> -> memref<640x128xf32, #tpu.memory_space<hbm>>
        %dma_wait3A_127 = arith.constant 0 : i32
        %dma_wait3A_128 = tpu.memref_slice %arg21[%mul3A_12, %dma_wait3A_127] : memref<10240x128xf32, #tpu.memory_space<vmem_shared>> -> memref<640x128xf32, #tpu.memory_space<vmem_shared>>
        tpu.wait_dma2 semaphore(%run_scoped3A : memref<!tpu.dma_semaphore, #tpu.memory_space<semaphore_mem>>) src(%dma_wait3A_128 : memref<640x128xf32, #tpu.memory_space<vmem_shared>>) dst(%dma_wait3A_126 : memref<640x128xf32, #tpu.memory_space<hbm>>)
        tpu.yield
      }) : () -> ()
    } else {
    }
    %eq3A_7 = arith.constant 1 : i32
    %eq3A_8 = arith.cmpi eq, %arg0, %eq3A_7 : i32
    %convert_element_type3A_9 = arith.extui %eq3A_8 : i1 to i32
    %cond3A_10 = arith.constant 0 : i32
    %cond3A_11 = arith.cmpi ne, %convert_element_type3A_9, %cond3A_10 : i32
    scf.if %cond3A_11 {
      %mul3A = arith.constant 640 : i32
      %mul3A_12 = arith.muli %arg1, %mul3A : i32
      %mul3A_13 = arith.constant 20000 : i32
      %mul3A_14 = arith.muli %arg1, %mul3A_13 : i32
      %add3A = arith.constant 0 : i32
      %add3A_15 = arith.addi %mul3A_14, %add3A : i32
      %multiple_of3A = tpu.assume_multiple %add3A_15, 8 : i32
      %dma_start3A = tpu.memref_slice %arg2[%multiple_of3A] : memref<320000xi32, #tpu.memory_space<hbm>> -> memref<80xi32, #tpu.memory_space<hbm>>
      %dma_start3A_16 = tpu.memref_slice %arg2[%multiple_of3A] : memref<320000xi32, #tpu.memory_space<hbm>> -> memref<80xi32, #tpu.memory_space<hbm>>
      tpu.enqueue_dma source(%dma_start3A_16 : memref<80xi32, #tpu.memory_space<hbm>>) target(%arg8 : memref<80xi32, #tpu.memory_space<vmem>>) target_semaphore(%arg22 : memref<!tpu.dma_semaphore, #tpu.memory_space<semaphore_mem>>)
      %dma_start3A_17 = tpu.memref_slice %arg3[%multiple_of3A] : memref<320000xi32, #tpu.memory_space<hbm>> -> memref<80xi32, #tpu.memory_space<hbm>>
      %dma_start3A_18 = tpu.memref_slice %arg3[%multiple_of3A] : memref<320000xi32, #tpu.memory_space<hbm>> -> memref<80xi32, #tpu.memory_space<hbm>>
      tpu.enqueue_dma source(%dma_start3A_18 : memref<80xi32, #tpu.memory_space<hbm>>) target(%arg12 : memref<80xi32, #tpu.memory_space<vmem>>) target_semaphore(%arg22 : memref<!tpu.dma_semaphore, #tpu.memory_space<semaphore_mem>>)
      %add3A_19 = arith.constant 80 : i32
      %add3A_20 = arith.addi %mul3A_14, %add3A_19 : i32
      %multiple_of3A_21 = tpu.assume_multiple %add3A_20, 8 : i32
      %dma_start3A_22 = tpu.memref_slice %arg2[%multiple_of3A_21] : memref<320000xi32, #tpu.memory_space<hbm>> -> memref<80xi32, #tpu.memory_space<hbm>>
      %dma_start3A_23 = tpu.memref_slice %arg2[%multiple_of3A_21] : memref<320000xi32, #tpu.memory_space<hbm>> -> memref<80xi32, #tpu.memory_space<hbm>>
      tpu.enqueue_dma source(%dma_start3A_23 : memref<80xi32, #tpu.memory_space<hbm>>) target(%arg9 : memref<80xi32, #tpu.memory_space<vmem>>) target_semaphore(%arg23 : memref<!tpu.dma_semaphore, #tpu.memory_space<semaphore_mem>>)
      %dma_start3A_24 = tpu.memref_slice %arg3[%multiple_of3A_21] : memref<320000xi32, #tpu.memory_space<hbm>> -> memref<80xi32, #tpu.memory_space<hbm>>
      %dma_start3A_25 = tpu.memref_slice %arg3[%multiple_of3A_21] : memref<320000xi32, #tpu.memory_space<hbm>> -> memref<80xi32, #tpu.memory_space<hbm>>
      tpu.enqueue_dma source(%dma_start3A_25 : memref<80xi32, #tpu.memory_space<hbm>>) target(%arg13 : memref<80xi32, #tpu.memory_space<vmem>>) target_semaphore(%arg23 : memref<!tpu.dma_semaphore, #tpu.memory_space<semaphore_mem>>)
      %add3A_26 = arith.constant 160 : i32
      %add3A_27 = arith.addi %mul3A_14, %add3A_26 : i32
      %multiple_of3A_28 = tpu.assume_multiple %add3A_27, 8 : i32
      %dma_start3A_29 = tpu.memref_slice %arg2[%multiple_of3A_28] : memref<320000xi32, #tpu.memory_space<hbm>> -> memref<80xi32, #tpu.memory_space<hbm>>
      %dma_start3A_30 = tpu.memref_slice %arg2[%multiple_of3A_28] : memref<320000xi32, #tpu.memory_space<hbm>> -> memref<80xi32, #tpu.memory_space<hbm>>
      tpu.enqueue_dma source(%dma_start3A_30 : memref<80xi32, #tpu.memory_space<hbm>>) target(%arg10 : memref<80xi32, #tpu.memory_space<vmem>>) target_semaphore(%arg24 : memref<!tpu.dma_semaphore, #tpu.memory_space<semaphore_mem>>)
      %dma_start3A_31 = tpu.memref_slice %arg3[%multiple_of3A_28] : memref<320000xi32, #tpu.memory_space<hbm>> -> memref<80xi32, #tpu.memory_space<hbm>>
      %dma_start3A_32 = tpu.memref_slice %arg3[%multiple_of3A_28] : memref<320000xi32, #tpu.memory_space<hbm>> -> memref<80xi32, #tpu.memory_space<hbm>>
      tpu.enqueue_dma source(%dma_start3A_32 : memref<80xi32, #tpu.memory_space<hbm>>) target(%arg14 : memref<80xi32, #tpu.memory_space<vmem>>) target_semaphore(%arg24 : memref<!tpu.dma_semaphore, #tpu.memory_space<semaphore_mem>>)
      %add3A_33 = arith.constant 240 : i32
      %add3A_34 = arith.addi %mul3A_14, %add3A_33 : i32
      %multiple_of3A_35 = tpu.assume_multiple %add3A_34, 8 : i32
      %dma_start3A_36 = tpu.memref_slice %arg2[%multiple_of3A_35] : memref<320000xi32, #tpu.memory_space<hbm>> -> memref<80xi32, #tpu.memory_space<hbm>>
      %dma_start3A_37 = tpu.memref_slice %arg2[%multiple_of3A_35] : memref<320000xi32, #tpu.memory_space<hbm>> -> memref<80xi32, #tpu.memory_space<hbm>>
      tpu.enqueue_dma source(%dma_start3A_37 : memref<80xi32, #tpu.memory_space<hbm>>) target(%arg11 : memref<80xi32, #tpu.memory_space<vmem>>) target_semaphore(%arg25 : memref<!tpu.dma_semaphore, #tpu.memory_space<semaphore_mem>>)
      %dma_start3A_38 = tpu.memref_slice %arg3[%multiple_of3A_35] : memref<320000xi32, #tpu.memory_space<hbm>> -> memref<80xi32, #tpu.memory_space<hbm>>
      %dma_start3A_39 = tpu.memref_slice %arg3[%multiple_of3A_35] : memref<320000xi32, #tpu.memory_space<hbm>> -> memref<80xi32, #tpu.memory_space<hbm>>
      tpu.enqueue_dma source(%dma_start3A_39 : memref<80xi32, #tpu.memory_space<hbm>>) target(%arg15 : memref<80xi32, #tpu.memory_space<vmem>>) target_semaphore(%arg25 : memref<!tpu.dma_semaphore, #tpu.memory_space<semaphore_mem>>)
      %add3A_40 = arith.constant 0 : i32
      %add3A_41 = arith.addi %mul3A_14, %add3A_40 : i32
      %multiple_of3A_42 = tpu.assume_multiple %add3A_41, 8 : i32
      %dma_wait3A = tpu.memref_slice %arg2[%multiple_of3A_42] : memref<320000xi32, #tpu.memory_space<hbm>> -> memref<80xi32, #tpu.memory_space<hbm>>
      %dma_wait3A_43 = tpu.memref_slice %arg2[%multiple_of3A_42] : memref<320000xi32, #tpu.memory_space<hbm>> -> memref<80xi32, #tpu.memory_space<hbm>>
      tpu.wait_dma2 semaphore(%arg22 : memref<!tpu.dma_semaphore, #tpu.memory_space<semaphore_mem>>) src(%dma_wait3A_43 : memref<80xi32, #tpu.memory_space<hbm>>) dst(%arg8 : memref<80xi32, #tpu.memory_space<vmem>>)
      %dma_wait3A_44 = tpu.memref_slice %arg3[%multiple_of3A_42] : memref<320000xi32, #tpu.memory_space<hbm>> -> memref<80xi32, #tpu.memory_space<hbm>>
      %dma_wait3A_45 = tpu.memref_slice %arg3[%multiple_of3A_42] : memref<320000xi32, #tpu.memory_space<hbm>> -> memref<80xi32, #tpu.memory_space<hbm>>
      tpu.wait_dma2 semaphore(%arg22 : memref<!tpu.dma_semaphore, #tpu.memory_space<semaphore_mem>>) src(%dma_wait3A_45 : memref<80xi32, #tpu.memory_space<hbm>>) dst(%arg12 : memref<80xi32, #tpu.memory_space<vmem>>)
      %dma_start3A_46 = arith.constant 0 : i32
      %dma_start3A_47 = arith.constant 0 : i32
      %dma_start3A_48 = tpu.memref_slice %arg5[%dma_start3A_46, %dma_start3A_47] : memref<10000x128xf32, #tpu.memory_space<hbm>> -> memref<10000x128xf32, #tpu.memory_space<hbm>>
      tpu.enqueue_indirect_dma source(%dma_start3A_48 : memref<10000x128xf32, #tpu.memory_space<hbm>>) target(%arg16 : memref<80x128xf32, #tpu.memory_space<vmem>>) offsets(%arg8 : memref<80xi32, #tpu.memory_space<vmem>>) semaphore(%arg26 : memref<!tpu.dma_semaphore, #tpu.memory_space<semaphore_mem>>)
      %add3A_49 = arith.constant 80 : i32
      %add3A_50 = arith.addi %mul3A_14, %add3A_49 : i32
      %multiple_of3A_51 = tpu.assume_multiple %add3A_50, 8 : i32
      %dma_wait3A_52 = tpu.memref_slice %arg2[%multiple_of3A_51] : memref<320000xi32, #tpu.memory_space<hbm>> -> memref<80xi32, #tpu.memory_space<hbm>>
      %dma_wait3A_53 = tpu.memref_slice %arg2[%multiple_of3A_51] : memref<320000xi32, #tpu.memory_space<hbm>> -> memref<80xi32, #tpu.memory_space<hbm>>
      tpu.wait_dma2 semaphore(%arg23 : memref<!tpu.dma_semaphore, #tpu.memory_space<semaphore_mem>>) src(%dma_wait3A_53 : memref<80xi32, #tpu.memory_space<hbm>>) dst(%arg9 : memref<80xi32, #tpu.memory_space<vmem>>)
      %dma_wait3A_54 = tpu.memref_slice %arg3[%multiple_of3A_51] : memref<320000xi32, #tpu.memory_space<hbm>> -> memref<80xi32, #tpu.memory_space<hbm>>
      %dma_wait3A_55 = tpu.memref_slice %arg3[%multiple_of3A_51] : memref<320000xi32, #tpu.memory_space<hbm>> -> memref<80xi32, #tpu.memory_space<hbm>>
      tpu.wait_dma2 semaphore(%arg23 : memref<!tpu.dma_semaphore, #tpu.memory_space<semaphore_mem>>) src(%dma_wait3A_55 : memref<80xi32, #tpu.memory_space<hbm>>) dst(%arg13 : memref<80xi32, #tpu.memory_space<vmem>>)
      %dma_start3A_56 = arith.constant 0 : i32
      %dma_start3A_57 = arith.constant 0 : i32
      %dma_start3A_58 = tpu.memref_slice %arg5[%dma_start3A_56, %dma_start3A_57] : memref<10000x128xf32, #tpu.memory_space<hbm>> -> memref<10000x128xf32, #tpu.memory_space<hbm>>
      tpu.enqueue_indirect_dma source(%dma_start3A_58 : memref<10000x128xf32, #tpu.memory_space<hbm>>) target(%arg17 : memref<80x128xf32, #tpu.memory_space<vmem>>) offsets(%arg9 : memref<80xi32, #tpu.memory_space<vmem>>) semaphore(%arg27 : memref<!tpu.dma_semaphore, #tpu.memory_space<semaphore_mem>>)
      %add3A_59 = arith.constant 160 : i32
      %add3A_60 = arith.addi %mul3A_14, %add3A_59 : i32
      %multiple_of3A_61 = tpu.assume_multiple %add3A_60, 8 : i32
      %dma_wait3A_62 = tpu.memref_slice %arg2[%multiple_of3A_61] : memref<320000xi32, #tpu.memory_space<hbm>> -> memref<80xi32, #tpu.memory_space<hbm>>
      %dma_wait3A_63 = tpu.memref_slice %arg2[%multiple_of3A_61] : memref<320000xi32, #tpu.memory_space<hbm>> -> memref<80xi32, #tpu.memory_space<hbm>>
      tpu.wait_dma2 semaphore(%arg24 : memref<!tpu.dma_semaphore, #tpu.memory_space<semaphore_mem>>) src(%dma_wait3A_63 : memref<80xi32, #tpu.memory_space<hbm>>) dst(%arg10 : memref<80xi32, #tpu.memory_space<vmem>>)
      %dma_wait3A_64 = tpu.memref_slice %arg3[%multiple_of3A_61] : memref<320000xi32, #tpu.memory_space<hbm>> -> memref<80xi32, #tpu.memory_space<hbm>>
      %dma_wait3A_65 = tpu.memref_slice %arg3[%multiple_of3A_61] : memref<320000xi32, #tpu.memory_space<hbm>> -> memref<80xi32, #tpu.memory_space<hbm>>
      tpu.wait_dma2 semaphore(%arg24 : memref<!tpu.dma_semaphore, #tpu.memory_space<semaphore_mem>>) src(%dma_wait3A_65 : memref<80xi32, #tpu.memory_space<hbm>>) dst(%arg14 : memref<80xi32, #tpu.memory_space<vmem>>)
      %dma_start3A_66 = arith.constant 0 : i32
      %dma_start3A_67 = arith.constant 0 : i32
      %dma_start3A_68 = tpu.memref_slice %arg5[%dma_start3A_66, %dma_start3A_67] : memref<10000x128xf32, #tpu.memory_space<hbm>> -> memref<10000x128xf32, #tpu.memory_space<hbm>>
      tpu.enqueue_indirect_dma source(%dma_start3A_68 : memref<10000x128xf32, #tpu.memory_space<hbm>>) target(%arg18 : memref<80x128xf32, #tpu.memory_space<vmem>>) offsets(%arg10 : memref<80xi32, #tpu.memory_space<vmem>>) semaphore(%arg28 : memref<!tpu.dma_semaphore, #tpu.memory_space<semaphore_mem>>)
      %add3A_69 = arith.constant 0 : i32
      %add3A_70 = arith.addi %mul3A_12, %add3A_69 : i32
      "tpu.region"() ({
        %run_scoped3A = tpu.sem_alloc : memref<!tpu.dma_semaphore, #tpu.memory_space<semaphore_mem>>
        %dma_start3A_121 = arith.constant 0 : i32
        %dma_start3A_122 = tpu.memref_slice %arg21[%add3A_70, %dma_start3A_121] : memref<10240x128xf32, #tpu.memory_space<vmem_shared>> -> memref<32x128xf32, #tpu.memory_space<vmem_shared>>
        %dma_start3A_123 = arith.constant 0 : i32
        %dma_start3A_124 = tpu.memref_slice %arg21[%add3A_70, %dma_start3A_123] : memref<10240x128xf32, #tpu.memory_space<vmem_shared>> -> memref<32x128xf32, #tpu.memory_space<vmem_shared>>
        tpu.enqueue_dma source(%arg20 : memref<32x128xf32, #tpu.memory_space<vmem>>) target(%dma_start3A_124 : memref<32x128xf32, #tpu.memory_space<vmem_shared>>) target_semaphore(%run_scoped3A : memref<!tpu.dma_semaphore, #tpu.memory_space<semaphore_mem>>)
        %dma_wait3A_125 = arith.constant 0 : i32
        %dma_wait3A_126 = tpu.memref_slice %arg21[%add3A_70, %dma_wait3A_125] : memref<10240x128xf32, #tpu.memory_space<vmem_shared>> -> memref<32x128xf32, #tpu.memory_space<vmem_shared>>
        %dma_wait3A_127 = arith.constant 0 : i32
        %dma_wait3A_128 = tpu.memref_slice %arg21[%add3A_70, %dma_wait3A_127] : memref<10240x128xf32, #tpu.memory_space<vmem_shared>> -> memref<32x128xf32, #tpu.memory_space<vmem_shared>>
        tpu.wait_dma2 semaphore(%run_scoped3A : memref<!tpu.dma_semaphore, #tpu.memory_space<semaphore_mem>>) src(%arg20 : memref<32x128xf32, #tpu.memory_space<vmem>>) dst(%dma_wait3A_128 : memref<32x128xf32, #tpu.memory_space<vmem_shared>>)
        tpu.yield
      }) : () -> ()
      %add3A_71 = arith.constant 32 : i32
      %add3A_72 = arith.addi %mul3A_12, %add3A_71 : i32
      "tpu.region"() ({
        %run_scoped3A = tpu.sem_alloc : memref<!tpu.dma_semaphore, #tpu.memory_space<semaphore_mem>>
        %dma_start3A_121 = arith.constant 0 : i32
        %dma_start3A_122 = tpu.memref_slice %arg21[%add3A_72, %dma_start3A_121] : memref<10240x128xf32, #tpu.memory_space<vmem_shared>> -> memref<32x128xf32, #tpu.memory_space<vmem_shared>>
        %dma_start3A_123 = arith.constant 0 : i32
        %dma_start3A_124 = tpu.memref_slice %arg21[%add3A_72, %dma_start3A_123] : memref<10240x128xf32, #tpu.memory_space<vmem_shared>> -> memref<32x128xf32, #tpu.memory_space<vmem_shared>>
        tpu.enqueue_dma source(%arg20 : memref<32x128xf32, #tpu.memory_space<vmem>>) target(%dma_start3A_124 : memref<32x128xf32, #tpu.memory_space<vmem_shared>>) target_semaphore(%run_scoped3A : memref<!tpu.dma_semaphore, #tpu.memory_space<semaphore_mem>>)
        %dma_wait3A_125 = arith.constant 0 : i32
        %dma_wait3A_126 = tpu.memref_slice %arg21[%add3A_72, %dma_wait3A_125] : memref<10240x128xf32, #tpu.memory_space<vmem_shared>> -> memref<32x128xf32, #tpu.memory_space<vmem_shared>>
        %dma_wait3A_127 = arith.constant 0 : i32
        %dma_wait3A_128 = tpu.memref_slice %arg21[%add3A_72, %dma_wait3A_127] : memref<10240x128xf32, #tpu.memory_space<vmem_shared>> -> memref<32x128xf32, #tpu.memory_space<vmem_shared>>
        tpu.wait_dma2 semaphore(%run_scoped3A : memref<!tpu.dma_semaphore, #tpu.memory_space<semaphore_mem>>) src(%arg20 : memref<32x128xf32, #tpu.memory_space<vmem>>) dst(%dma_wait3A_128 : memref<32x128xf32, #tpu.memory_space<vmem_shared>>)
        tpu.yield
      }) : () -> ()
      %add3A_73 = arith.constant 64 : i32
      %add3A_74 = arith.addi %mul3A_12, %add3A_73 : i32
      "tpu.region"() ({
        %run_scoped3A = tpu.sem_alloc : memref<!tpu.dma_semaphore, #tpu.memory_space<semaphore_mem>>
        %dma_start3A_121 = arith.constant 0 : i32
        %dma_start3A_122 = tpu.memref_slice %arg21[%add3A_74, %dma_start3A_121] : memref<10240x128xf32, #tpu.memory_space<vmem_shared>> -> memref<32x128xf32, #tpu.memory_space<vmem_shared>>
        %dma_start3A_123 = arith.constant 0 : i32
        %dma_start3A_124 = tpu.memref_slice %arg21[%add3A_74, %dma_start3A_123] : memref<10240x128xf32, #tpu.memory_space<vmem_shared>> -> memref<32x128xf32, #tpu.memory_space<vmem_shared>>
        tpu.enqueue_dma source(%arg20 : memref<32x128xf32, #tpu.memory_space<vmem>>) target(%dma_start3A_124 : memref<32x128xf32, #tpu.memory_space<vmem_shared>>) target_semaphore(%run_scoped3A : memref<!tpu.dma_semaphore, #tpu.memory_space<semaphore_mem>>)
        %dma_wait3A_125 = arith.constant 0 : i32
        %dma_wait3A_126 = tpu.memref_slice %arg21[%add3A_74, %dma_wait3A_125] : memref<10240x128xf32, #tpu.memory_space<vmem_shared>> -> memref<32x128xf32, #tpu.memory_space<vmem_shared>>
        %dma_wait3A_127 = arith.constant 0 : i32
        %dma_wait3A_128 = tpu.memref_slice %arg21[%add3A_74, %dma_wait3A_127] : memref<10240x128xf32, #tpu.memory_space<vmem_shared>> -> memref<32x128xf32, #tpu.memory_space<vmem_shared>>
        tpu.wait_dma2 semaphore(%run_scoped3A : memref<!tpu.dma_semaphore, #tpu.memory_space<semaphore_mem>>) src(%arg20 : memref<32x128xf32, #tpu.memory_space<vmem>>) dst(%dma_wait3A_128 : memref<32x128xf32, #tpu.memory_space<vmem_shared>>)
        tpu.yield
      }) : () -> ()
      %add3A_75 = arith.constant 96 : i32
      %add3A_76 = arith.addi %mul3A_12, %add3A_75 : i32
      "tpu.region"() ({
        %run_scoped3A = tpu.sem_alloc : memref<!tpu.dma_semaphore, #tpu.memory_space<semaphore_mem>>
        %dma_start3A_121 = arith.constant 0 : i32
        %dma_start3A_122 = tpu.memref_slice %arg21[%add3A_76, %dma_start3A_121] : memref<10240x128xf32, #tpu.memory_space<vmem_shared>> -> memref<32x128xf32, #tpu.memory_space<vmem_shared>>
        %dma_start3A_123 = arith.constant 0 : i32
        %dma_start3A_124 = tpu.memref_slice %arg21[%add3A_76, %dma_start3A_123] : memref<10240x128xf32, #tpu.memory_space<vmem_shared>> -> memref<32x128xf32, #tpu.memory_space<vmem_shared>>
        tpu.enqueue_dma source(%arg20 : memref<32x128xf32, #tpu.memory_space<vmem>>) target(%dma_start3A_124 : memref<32x128xf32, #tpu.memory_space<vmem_shared>>) target_semaphore(%run_scoped3A : memref<!tpu.dma_semaphore, #tpu.memory_space<semaphore_mem>>)
        %dma_wait3A_125 = arith.constant 0 : i32
        %dma_wait3A_126 = tpu.memref_slice %arg21[%add3A_76, %dma_wait3A_125] : memref<10240x128xf32, #tpu.memory_space<vmem_shared>> -> memref<32x128xf32, #tpu.memory_space<vmem_shared>>
        %dma_wait3A_127 = arith.constant 0 : i32
        %dma_wait3A_128 = tpu.memref_slice %arg21[%add3A_76, %dma_wait3A_127] : memref<10240x128xf32, #tpu.memory_space<vmem_shared>> -> memref<32x128xf32, #tpu.memory_space<vmem_shared>>
        tpu.wait_dma2 semaphore(%run_scoped3A : memref<!tpu.dma_semaphore, #tpu.memory_space<semaphore_mem>>) src(%arg20 : memref<32x128xf32, #tpu.memory_space<vmem>>) dst(%dma_wait3A_128 : memref<32x128xf32, #tpu.memory_space<vmem_shared>>)
        tpu.yield
      }) : () -> ()
      %add3A_77 = arith.constant 128 : i32
      %add3A_78 = arith.addi %mul3A_12, %add3A_77 : i32
      "tpu.region"() ({
        %run_scoped3A = tpu.sem_alloc : memref<!tpu.dma_semaphore, #tpu.memory_space<semaphore_mem>>
        %dma_start3A_121 = arith.constant 0 : i32
        %dma_start3A_122 = tpu.memref_slice %arg21[%add3A_78, %dma_start3A_121] : memref<10240x128xf32, #tpu.memory_space<vmem_shared>> -> memref<32x128xf32, #tpu.memory_space<vmem_shared>>
        %dma_start3A_123 = arith.constant 0 : i32
        %dma_start3A_124 = tpu.memref_slice %arg21[%add3A_78, %dma_start3A_123] : memref<10240x128xf32, #tpu.memory_space<vmem_shared>> -> memref<32x128xf32, #tpu.memory_space<vmem_shared>>
        tpu.enqueue_dma source(%arg20 : memref<32x128xf32, #tpu.memory_space<vmem>>) target(%dma_start3A_124 : memref<32x128xf32, #tpu.memory_space<vmem_shared>>) target_semaphore(%run_scoped3A : memref<!tpu.dma_semaphore, #tpu.memory_space<semaphore_mem>>)
        %dma_wait3A_125 = arith.constant 0 : i32
        %dma_wait3A_126 = tpu.memref_slice %arg21[%add3A_78, %dma_wait3A_125] : memref<10240x128xf32, #tpu.memory_space<vmem_shared>> -> memref<32x128xf32, #tpu.memory_space<vmem_shared>>
        %dma_wait3A_127 = arith.constant 0 : i32
        %dma_wait3A_128 = tpu.memref_slice %arg21[%add3A_78, %dma_wait3A_127] : memref<10240x128xf32, #tpu.memory_space<vmem_shared>> -> memref<32x128xf32, #tpu.memory_space<vmem_shared>>
        tpu.wait_dma2 semaphore(%run_scoped3A : memref<!tpu.dma_semaphore, #tpu.memory_space<semaphore_mem>>) src(%arg20 : memref<32x128xf32, #tpu.memory_space<vmem>>) dst(%dma_wait3A_128 : memref<32x128xf32, #tpu.memory_space<vmem_shared>>)
        tpu.yield
      }) : () -> ()
      %add3A_79 = arith.constant 160 : i32
      %add3A_80 = arith.addi %mul3A_12, %add3A_79 : i32
      "tpu.region"() ({
        %run_scoped3A = tpu.sem_alloc : memref<!tpu.dma_semaphore, #tpu.memory_space<semaphore_mem>>
        %dma_start3A_121 = arith.constant 0 : i32
        %dma_start3A_122 = tpu.memref_slice %arg21[%add3A_80, %dma_start3A_121] : memref<10240x128xf32, #tpu.memory_space<vmem_shared>> -> memref<32x128xf32, #tpu.memory_space<vmem_shared>>
        %dma_start3A_123 = arith.constant 0 : i32
        %dma_start3A_124 = tpu.memref_slice %arg21[%add3A_80, %dma_start3A_123] : memref<10240x128xf32, #tpu.memory_space<vmem_shared>> -> memref<32x128xf32, #tpu.memory_space<vmem_shared>>
        tpu.enqueue_dma source(%arg20 : memref<32x128xf32, #tpu.memory_space<vmem>>) target(%dma_start3A_124 : memref<32x128xf32, #tpu.memory_space<vmem_shared>>) target_semaphore(%run_scoped3A : memref<!tpu.dma_semaphore, #tpu.memory_space<semaphore_mem>>)
        %dma_wait3A_125 = arith.constant 0 : i32
        %dma_wait3A_126 = tpu.memref_slice %arg21[%add3A_80, %dma_wait3A_125] : memref<10240x128xf32, #tpu.memory_space<vmem_shared>> -> memref<32x128xf32, #tpu.memory_space<vmem_shared>>
        %dma_wait3A_127 = arith.constant 0 : i32
        %dma_wait3A_128 = tpu.memref_slice %arg21[%add3A_80, %dma_wait3A_127] : memref<10240x128xf32, #tpu.memory_space<vmem_shared>> -> memref<32x128xf32, #tpu.memory_space<vmem_shared>>
        tpu.wait_dma2 semaphore(%run_scoped3A : memref<!tpu.dma_semaphore, #tpu.memory_space<semaphore_mem>>) src(%arg20 : memref<32x128xf32, #tpu.memory_space<vmem>>) dst(%dma_wait3A_128 : memref<32x128xf32, #tpu.memory_space<vmem_shared>>)
        tpu.yield
      }) : () -> ()
      %add3A_81 = arith.constant 192 : i32
      %add3A_82 = arith.addi %mul3A_12, %add3A_81 : i32
      "tpu.region"() ({
        %run_scoped3A = tpu.sem_alloc : memref<!tpu.dma_semaphore, #tpu.memory_space<semaphore_mem>>
        %dma_start3A_121 = arith.constant 0 : i32
        %dma_start3A_122 = tpu.memref_slice %arg21[%add3A_82, %dma_start3A_121] : memref<10240x128xf32, #tpu.memory_space<vmem_shared>> -> memref<32x128xf32, #tpu.memory_space<vmem_shared>>
        %dma_start3A_123 = arith.constant 0 : i32
        %dma_start3A_124 = tpu.memref_slice %arg21[%add3A_82, %dma_start3A_123] : memref<10240x128xf32, #tpu.memory_space<vmem_shared>> -> memref<32x128xf32, #tpu.memory_space<vmem_shared>>
        tpu.enqueue_dma source(%arg20 : memref<32x128xf32, #tpu.memory_space<vmem>>) target(%dma_start3A_124 : memref<32x128xf32, #tpu.memory_space<vmem_shared>>) target_semaphore(%run_scoped3A : memref<!tpu.dma_semaphore, #tpu.memory_space<semaphore_mem>>)
        %dma_wait3A_125 = arith.constant 0 : i32
        %dma_wait3A_126 = tpu.memref_slice %arg21[%add3A_82, %dma_wait3A_125] : memref<10240x128xf32, #tpu.memory_space<vmem_shared>> -> memref<32x128xf32, #tpu.memory_space<vmem_shared>>
        %dma_wait3A_127 = arith.constant 0 : i32
        %dma_wait3A_128 = tpu.memref_slice %arg21[%add3A_82, %dma_wait3A_127] : memref<10240x128xf32, #tpu.memory_space<vmem_shared>> -> memref<32x128xf32, #tpu.memory_space<vmem_shared>>
        tpu.wait_dma2 semaphore(%run_scoped3A : memref<!tpu.dma_semaphore, #tpu.memory_space<semaphore_mem>>) src(%arg20 : memref<32x128xf32, #tpu.memory_space<vmem>>) dst(%dma_wait3A_128 : memref<32x128xf32, #tpu.memory_space<vmem_shared>>)
        tpu.yield
      }) : () -> ()
      %add3A_83 = arith.constant 224 : i32
      %add3A_84 = arith.addi %mul3A_12, %add3A_83 : i32
      "tpu.region"() ({
        %run_scoped3A = tpu.sem_alloc : memref<!tpu.dma_semaphore, #tpu.memory_space<semaphore_mem>>
        %dma_start3A_121 = arith.constant 0 : i32
        %dma_start3A_122 = tpu.memref_slice %arg21[%add3A_84, %dma_start3A_121] : memref<10240x128xf32, #tpu.memory_space<vmem_shared>> -> memref<32x128xf32, #tpu.memory_space<vmem_shared>>
        %dma_start3A_123 = arith.constant 0 : i32
        %dma_start3A_124 = tpu.memref_slice %arg21[%add3A_84, %dma_start3A_123] : memref<10240x128xf32, #tpu.memory_space<vmem_shared>> -> memref<32x128xf32, #tpu.memory_space<vmem_shared>>
        tpu.enqueue_dma source(%arg20 : memref<32x128xf32, #tpu.memory_space<vmem>>) target(%dma_start3A_124 : memref<32x128xf32, #tpu.memory_space<vmem_shared>>) target_semaphore(%run_scoped3A : memref<!tpu.dma_semaphore, #tpu.memory_space<semaphore_mem>>)
        %dma_wait3A_125 = arith.constant 0 : i32
        %dma_wait3A_126 = tpu.memref_slice %arg21[%add3A_84, %dma_wait3A_125] : memref<10240x128xf32, #tpu.memory_space<vmem_shared>> -> memref<32x128xf32, #tpu.memory_space<vmem_shared>>
        %dma_wait3A_127 = arith.constant 0 : i32
        %dma_wait3A_128 = tpu.memref_slice %arg21[%add3A_84, %dma_wait3A_127] : memref<10240x128xf32, #tpu.memory_space<vmem_shared>> -> memref<32x128xf32, #tpu.memory_space<vmem_shared>>
        tpu.wait_dma2 semaphore(%run_scoped3A : memref<!tpu.dma_semaphore, #tpu.memory_space<semaphore_mem>>) src(%arg20 : memref<32x128xf32, #tpu.memory_space<vmem>>) dst(%dma_wait3A_128 : memref<32x128xf32, #tpu.memory_space<vmem_shared>>)
        tpu.yield
      }) : () -> ()
      %add3A_85 = arith.constant 256 : i32
      %add3A_86 = arith.addi %mul3A_12, %add3A_85 : i32
      "tpu.region"() ({
        %run_scoped3A = tpu.sem_alloc : memref<!tpu.dma_semaphore, #tpu.memory_space<semaphore_mem>>
        %dma_start3A_121 = arith.constant 0 : i32
        %dma_start3A_122 = tpu.memref_slice %arg21[%add3A_86, %dma_start3A_121] : memref<10240x128xf32, #tpu.memory_space<vmem_shared>> -> memref<32x128xf32, #tpu.memory_space<vmem_shared>>
        %dma_start3A_123 = arith.constant 0 : i32
        %dma_start3A_124 = tpu.memref_slice %arg21[%add3A_86, %dma_start3A_123] : memref<10240x128xf32, #tpu.memory_space<vmem_shared>> -> memref<32x128xf32, #tpu.memory_space<vmem_shared>>
        tpu.enqueue_dma source(%arg20 : memref<32x128xf32, #tpu.memory_space<vmem>>) target(%dma_start3A_124 : memref<32x128xf32, #tpu.memory_space<vmem_shared>>) target_semaphore(%run_scoped3A : memref<!tpu.dma_semaphore, #tpu.memory_space<semaphore_mem>>)
        %dma_wait3A_125 = arith.constant 0 : i32
        %dma_wait3A_126 = tpu.memref_slice %arg21[%add3A_86, %dma_wait3A_125] : memref<10240x128xf32, #tpu.memory_space<vmem_shared>> -> memref<32x128xf32, #tpu.memory_space<vmem_shared>>
        %dma_wait3A_127 = arith.constant 0 : i32
        %dma_wait3A_128 = tpu.memref_slice %arg21[%add3A_86, %dma_wait3A_127] : memref<10240x128xf32, #tpu.memory_space<vmem_shared>> -> memref<32x128xf32, #tpu.memory_space<vmem_shared>>
        tpu.wait_dma2 semaphore(%run_scoped3A : memref<!tpu.dma_semaphore, #tpu.memory_space<semaphore_mem>>) src(%arg20 : memref<32x128xf32, #tpu.memory_space<vmem>>) dst(%dma_wait3A_128 : memref<32x128xf32, #tpu.memory_space<vmem_shared>>)
        tpu.yield
      }) : () -> ()
      %add3A_87 = arith.constant 288 : i32
      %add3A_88 = arith.addi %mul3A_12, %add3A_87 : i32
      "tpu.region"() ({
        %run_scoped3A = tpu.sem_alloc : memref<!tpu.dma_semaphore, #tpu.memory_space<semaphore_mem>>
        %dma_start3A_121 = arith.constant 0 : i32
        %dma_start3A_122 = tpu.memref_slice %arg21[%add3A_88, %dma_start3A_121] : memref<10240x128xf32, #tpu.memory_space<vmem_shared>> -> memref<32x128xf32, #tpu.memory_space<vmem_shared>>
        %dma_start3A_123 = arith.constant 0 : i32
        %dma_start3A_124 = tpu.memref_slice %arg21[%add3A_88, %dma_start3A_123] : memref<10240x128xf32, #tpu.memory_space<vmem_shared>> -> memref<32x128xf32, #tpu.memory_space<vmem_shared>>
        tpu.enqueue_dma source(%arg20 : memref<32x128xf32, #tpu.memory_space<vmem>>) target(%dma_start3A_124 : memref<32x128xf32, #tpu.memory_space<vmem_shared>>) target_semaphore(%run_scoped3A : memref<!tpu.dma_semaphore, #tpu.memory_space<semaphore_mem>>)
        %dma_wait3A_125 = arith.constant 0 : i32
        %dma_wait3A_126 = tpu.memref_slice %arg21[%add3A_88, %dma_wait3A_125] : memref<10240x128xf32, #tpu.memory_space<vmem_shared>> -> memref<32x128xf32, #tpu.memory_space<vmem_shared>>
        %dma_wait3A_127 = arith.constant 0 : i32
        %dma_wait3A_128 = tpu.memref_slice %arg21[%add3A_88, %dma_wait3A_127] : memref<10240x128xf32, #tpu.memory_space<vmem_shared>> -> memref<32x128xf32, #tpu.memory_space<vmem_shared>>
        tpu.wait_dma2 semaphore(%run_scoped3A : memref<!tpu.dma_semaphore, #tpu.memory_space<semaphore_mem>>) src(%arg20 : memref<32x128xf32, #tpu.memory_space<vmem>>) dst(%dma_wait3A_128 : memref<32x128xf32, #tpu.memory_space<vmem_shared>>)
        tpu.yield
      }) : () -> ()
      %add3A_89 = arith.constant 320 : i32
      %add3A_90 = arith.addi %mul3A_12, %add3A_89 : i32
      "tpu.region"() ({
        %run_scoped3A = tpu.sem_alloc : memref<!tpu.dma_semaphore, #tpu.memory_space<semaphore_mem>>
        %dma_start3A_121 = arith.constant 0 : i32
        %dma_start3A_122 = tpu.memref_slice %arg21[%add3A_90, %dma_start3A_121] : memref<10240x128xf32, #tpu.memory_space<vmem_shared>> -> memref<32x128xf32, #tpu.memory_space<vmem_shared>>
        %dma_start3A_123 = arith.constant 0 : i32
        %dma_start3A_124 = tpu.memref_slice %arg21[%add3A_90, %dma_start3A_123] : memref<10240x128xf32, #tpu.memory_space<vmem_shared>> -> memref<32x128xf32, #tpu.memory_space<vmem_shared>>
        tpu.enqueue_dma source(%arg20 : memref<32x128xf32, #tpu.memory_space<vmem>>) target(%dma_start3A_124 : memref<32x128xf32, #tpu.memory_space<vmem_shared>>) target_semaphore(%run_scoped3A : memref<!tpu.dma_semaphore, #tpu.memory_space<semaphore_mem>>)
        %dma_wait3A_125 = arith.constant 0 : i32
        %dma_wait3A_126 = tpu.memref_slice %arg21[%add3A_90, %dma_wait3A_125] : memref<10240x128xf32, #tpu.memory_space<vmem_shared>> -> memref<32x128xf32, #tpu.memory_space<vmem_shared>>
        %dma_wait3A_127 = arith.constant 0 : i32
        %dma_wait3A_128 = tpu.memref_slice %arg21[%add3A_90, %dma_wait3A_127] : memref<10240x128xf32, #tpu.memory_space<vmem_shared>> -> memref<32x128xf32, #tpu.memory_space<vmem_shared>>
        tpu.wait_dma2 semaphore(%run_scoped3A : memref<!tpu.dma_semaphore, #tpu.memory_space<semaphore_mem>>) src(%arg20 : memref<32x128xf32, #tpu.memory_space<vmem>>) dst(%dma_wait3A_128 : memref<32x128xf32, #tpu.memory_space<vmem_shared>>)
        tpu.yield
      }) : () -> ()
      %add3A_91 = arith.constant 352 : i32
      %add3A_92 = arith.addi %mul3A_12, %add3A_91 : i32
      "tpu.region"() ({
        %run_scoped3A = tpu.sem_alloc : memref<!tpu.dma_semaphore, #tpu.memory_space<semaphore_mem>>
        %dma_start3A_121 = arith.constant 0 : i32
        %dma_start3A_122 = tpu.memref_slice %arg21[%add3A_92, %dma_start3A_121] : memref<10240x128xf32, #tpu.memory_space<vmem_shared>> -> memref<32x128xf32, #tpu.memory_space<vmem_shared>>
        %dma_start3A_123 = arith.constant 0 : i32
        %dma_start3A_124 = tpu.memref_slice %arg21[%add3A_92, %dma_start3A_123] : memref<10240x128xf32, #tpu.memory_space<vmem_shared>> -> memref<32x128xf32, #tpu.memory_space<vmem_shared>>
        tpu.enqueue_dma source(%arg20 : memref<32x128xf32, #tpu.memory_space<vmem>>) target(%dma_start3A_124 : memref<32x128xf32, #tpu.memory_space<vmem_shared>>) target_semaphore(%run_scoped3A : memref<!tpu.dma_semaphore, #tpu.memory_space<semaphore_mem>>)
        %dma_wait3A_125 = arith.constant 0 : i32
        %dma_wait3A_126 = tpu.memref_slice %arg21[%add3A_92, %dma_wait3A_125] : memref<10240x128xf32, #tpu.memory_space<vmem_shared>> -> memref<32x128xf32, #tpu.memory_space<vmem_shared>>
        %dma_wait3A_127 = arith.constant 0 : i32
        %dma_wait3A_128 = tpu.memref_slice %arg21[%add3A_92, %dma_wait3A_127] : memref<10240x128xf32, #tpu.memory_space<vmem_shared>> -> memref<32x128xf32, #tpu.memory_space<vmem_shared>>
        tpu.wait_dma2 semaphore(%run_scoped3A : memref<!tpu.dma_semaphore, #tpu.memory_space<semaphore_mem>>) src(%arg20 : memref<32x128xf32, #tpu.memory_space<vmem>>) dst(%dma_wait3A_128 : memref<32x128xf32, #tpu.memory_space<vmem_shared>>)
        tpu.yield
      }) : () -> ()
      %add3A_93 = arith.constant 384 : i32
      %add3A_94 = arith.addi %mul3A_12, %add3A_93 : i32
      "tpu.region"() ({
        %run_scoped3A = tpu.sem_alloc : memref<!tpu.dma_semaphore, #tpu.memory_space<semaphore_mem>>
        %dma_start3A_121 = arith.constant 0 : i32
        %dma_start3A_122 = tpu.memref_slice %arg21[%add3A_94, %dma_start3A_121] : memref<10240x128xf32, #tpu.memory_space<vmem_shared>> -> memref<32x128xf32, #tpu.memory_space<vmem_shared>>
        %dma_start3A_123 = arith.constant 0 : i32
        %dma_start3A_124 = tpu.memref_slice %arg21[%add3A_94, %dma_start3A_123] : memref<10240x128xf32, #tpu.memory_space<vmem_shared>> -> memref<32x128xf32, #tpu.memory_space<vmem_shared>>
        tpu.enqueue_dma source(%arg20 : memref<32x128xf32, #tpu.memory_space<vmem>>) target(%dma_start3A_124 : memref<32x128xf32, #tpu.memory_space<vmem_shared>>) target_semaphore(%run_scoped3A : memref<!tpu.dma_semaphore, #tpu.memory_space<semaphore_mem>>)
        %dma_wait3A_125 = arith.constant 0 : i32
        %dma_wait3A_126 = tpu.memref_slice %arg21[%add3A_94, %dma_wait3A_125] : memref<10240x128xf32, #tpu.memory_space<vmem_shared>> -> memref<32x128xf32, #tpu.memory_space<vmem_shared>>
        %dma_wait3A_127 = arith.constant 0 : i32
        %dma_wait3A_128 = tpu.memref_slice %arg21[%add3A_94, %dma_wait3A_127] : memref<10240x128xf32, #tpu.memory_space<vmem_shared>> -> memref<32x128xf32, #tpu.memory_space<vmem_shared>>
        tpu.wait_dma2 semaphore(%run_scoped3A : memref<!tpu.dma_semaphore, #tpu.memory_space<semaphore_mem>>) src(%arg20 : memref<32x128xf32, #tpu.memory_space<vmem>>) dst(%dma_wait3A_128 : memref<32x128xf32, #tpu.memory_space<vmem_shared>>)
        tpu.yield
      }) : () -> ()
      %add3A_95 = arith.constant 416 : i32
      %add3A_96 = arith.addi %mul3A_12, %add3A_95 : i32
      "tpu.region"() ({
        %run_scoped3A = tpu.sem_alloc : memref<!tpu.dma_semaphore, #tpu.memory_space<semaphore_mem>>
        %dma_start3A_121 = arith.constant 0 : i32
        %dma_start3A_122 = tpu.memref_slice %arg21[%add3A_96, %dma_start3A_121] : memref<10240x128xf32, #tpu.memory_space<vmem_shared>> -> memref<32x128xf32, #tpu.memory_space<vmem_shared>>
        %dma_start3A_123 = arith.constant 0 : i32
        %dma_start3A_124 = tpu.memref_slice %arg21[%add3A_96, %dma_start3A_123] : memref<10240x128xf32, #tpu.memory_space<vmem_shared>> -> memref<32x128xf32, #tpu.memory_space<vmem_shared>>
        tpu.enqueue_dma source(%arg20 : memref<32x128xf32, #tpu.memory_space<vmem>>) target(%dma_start3A_124 : memref<32x128xf32, #tpu.memory_space<vmem_shared>>) target_semaphore(%run_scoped3A : memref<!tpu.dma_semaphore, #tpu.memory_space<semaphore_mem>>)
        %dma_wait3A_125 = arith.constant 0 : i32
        %dma_wait3A_126 = tpu.memref_slice %arg21[%add3A_96, %dma_wait3A_125] : memref<10240x128xf32, #tpu.memory_space<vmem_shared>> -> memref<32x128xf32, #tpu.memory_space<vmem_shared>>
        %dma_wait3A_127 = arith.constant 0 : i32
        %dma_wait3A_128 = tpu.memref_slice %arg21[%add3A_96, %dma_wait3A_127] : memref<10240x128xf32, #tpu.memory_space<vmem_shared>> -> memref<32x128xf32, #tpu.memory_space<vmem_shared>>
        tpu.wait_dma2 semaphore(%run_scoped3A : memref<!tpu.dma_semaphore, #tpu.memory_space<semaphore_mem>>) src(%arg20 : memref<32x128xf32, #tpu.memory_space<vmem>>) dst(%dma_wait3A_128 : memref<32x128xf32, #tpu.memory_space<vmem_shared>>)
        tpu.yield
      }) : () -> ()
      %add3A_97 = arith.constant 448 : i32
      %add3A_98 = arith.addi %mul3A_12, %add3A_97 : i32
      "tpu.region"() ({
        %run_scoped3A = tpu.sem_alloc : memref<!tpu.dma_semaphore, #tpu.memory_space<semaphore_mem>>
        %dma_start3A_121 = arith.constant 0 : i32
        %dma_start3A_122 = tpu.memref_slice %arg21[%add3A_98, %dma_start3A_121] : memref<10240x128xf32, #tpu.memory_space<vmem_shared>> -> memref<32x128xf32, #tpu.memory_space<vmem_shared>>
        %dma_start3A_123 = arith.constant 0 : i32
        %dma_start3A_124 = tpu.memref_slice %arg21[%add3A_98, %dma_start3A_123] : memref<10240x128xf32, #tpu.memory_space<vmem_shared>> -> memref<32x128xf32, #tpu.memory_space<vmem_shared>>
        tpu.enqueue_dma source(%arg20 : memref<32x128xf32, #tpu.memory_space<vmem>>) target(%dma_start3A_124 : memref<32x128xf32, #tpu.memory_space<vmem_shared>>) target_semaphore(%run_scoped3A : memref<!tpu.dma_semaphore, #tpu.memory_space<semaphore_mem>>)
        %dma_wait3A_125 = arith.constant 0 : i32
        %dma_wait3A_126 = tpu.memref_slice %arg21[%add3A_98, %dma_wait3A_125] : memref<10240x128xf32, #tpu.memory_space<vmem_shared>> -> memref<32x128xf32, #tpu.memory_space<vmem_shared>>
        %dma_wait3A_127 = arith.constant 0 : i32
        %dma_wait3A_128 = tpu.memref_slice %arg21[%add3A_98, %dma_wait3A_127] : memref<10240x128xf32, #tpu.memory_space<vmem_shared>> -> memref<32x128xf32, #tpu.memory_space<vmem_shared>>
        tpu.wait_dma2 semaphore(%run_scoped3A : memref<!tpu.dma_semaphore, #tpu.memory_space<semaphore_mem>>) src(%arg20 : memref<32x128xf32, #tpu.memory_space<vmem>>) dst(%dma_wait3A_128 : memref<32x128xf32, #tpu.memory_space<vmem_shared>>)
        tpu.yield
      }) : () -> ()
      %add3A_99 = arith.constant 480 : i32
      %add3A_100 = arith.addi %mul3A_12, %add3A_99 : i32
      "tpu.region"() ({
        %run_scoped3A = tpu.sem_alloc : memref<!tpu.dma_semaphore, #tpu.memory_space<semaphore_mem>>
        %dma_start3A_121 = arith.constant 0 : i32
        %dma_start3A_122 = tpu.memref_slice %arg21[%add3A_100, %dma_start3A_121] : memref<10240x128xf32, #tpu.memory_space<vmem_shared>> -> memref<32x128xf32, #tpu.memory_space<vmem_shared>>
        %dma_start3A_123 = arith.constant 0 : i32
        %dma_start3A_124 = tpu.memref_slice %arg21[%add3A_100, %dma_start3A_123] : memref<10240x128xf32, #tpu.memory_space<vmem_shared>> -> memref<32x128xf32, #tpu.memory_space<vmem_shared>>
        tpu.enqueue_dma source(%arg20 : memref<32x128xf32, #tpu.memory_space<vmem>>) target(%dma_start3A_124 : memref<32x128xf32, #tpu.memory_space<vmem_shared>>) target_semaphore(%run_scoped3A : memref<!tpu.dma_semaphore, #tpu.memory_space<semaphore_mem>>)
        %dma_wait3A_125 = arith.constant 0 : i32
        %dma_wait3A_126 = tpu.memref_slice %arg21[%add3A_100, %dma_wait3A_125] : memref<10240x128xf32, #tpu.memory_space<vmem_shared>> -> memref<32x128xf32, #tpu.memory_space<vmem_shared>>
        %dma_wait3A_127 = arith.constant 0 : i32
        %dma_wait3A_128 = tpu.memref_slice %arg21[%add3A_100, %dma_wait3A_127] : memref<10240x128xf32, #tpu.memory_space<vmem_shared>> -> memref<32x128xf32, #tpu.memory_space<vmem_shared>>
        tpu.wait_dma2 semaphore(%run_scoped3A : memref<!tpu.dma_semaphore, #tpu.memory_space<semaphore_mem>>) src(%arg20 : memref<32x128xf32, #tpu.memory_space<vmem>>) dst(%dma_wait3A_128 : memref<32x128xf32, #tpu.memory_space<vmem_shared>>)
        tpu.yield
      }) : () -> ()
      %add3A_101 = arith.constant 512 : i32
      %add3A_102 = arith.addi %mul3A_12, %add3A_101 : i32
      "tpu.region"() ({
        %run_scoped3A = tpu.sem_alloc : memref<!tpu.dma_semaphore, #tpu.memory_space<semaphore_mem>>
        %dma_start3A_121 = arith.constant 0 : i32
        %dma_start3A_122 = tpu.memref_slice %arg21[%add3A_102, %dma_start3A_121] : memref<10240x128xf32, #tpu.memory_space<vmem_shared>> -> memref<32x128xf32, #tpu.memory_space<vmem_shared>>
        %dma_start3A_123 = arith.constant 0 : i32
        %dma_start3A_124 = tpu.memref_slice %arg21[%add3A_102, %dma_start3A_123] : memref<10240x128xf32, #tpu.memory_space<vmem_shared>> -> memref<32x128xf32, #tpu.memory_space<vmem_shared>>
        tpu.enqueue_dma source(%arg20 : memref<32x128xf32, #tpu.memory_space<vmem>>) target(%dma_start3A_124 : memref<32x128xf32, #tpu.memory_space<vmem_shared>>) target_semaphore(%run_scoped3A : memref<!tpu.dma_semaphore, #tpu.memory_space<semaphore_mem>>)
        %dma_wait3A_125 = arith.constant 0 : i32
        %dma_wait3A_126 = tpu.memref_slice %arg21[%add3A_102, %dma_wait3A_125] : memref<10240x128xf32, #tpu.memory_space<vmem_shared>> -> memref<32x128xf32, #tpu.memory_space<vmem_shared>>
        %dma_wait3A_127 = arith.constant 0 : i32
        %dma_wait3A_128 = tpu.memref_slice %arg21[%add3A_102, %dma_wait3A_127] : memref<10240x128xf32, #tpu.memory_space<vmem_shared>> -> memref<32x128xf32, #tpu.memory_space<vmem_shared>>
        tpu.wait_dma2 semaphore(%run_scoped3A : memref<!tpu.dma_semaphore, #tpu.memory_space<semaphore_mem>>) src(%arg20 : memref<32x128xf32, #tpu.memory_space<vmem>>) dst(%dma_wait3A_128 : memref<32x128xf32, #tpu.memory_space<vmem_shared>>)
        tpu.yield
      }) : () -> ()
      %add3A_103 = arith.constant 544 : i32
      %add3A_104 = arith.addi %mul3A_12, %add3A_103 : i32
      "tpu.region"() ({
        %run_scoped3A = tpu.sem_alloc : memref<!tpu.dma_semaphore, #tpu.memory_space<semaphore_mem>>
        %dma_start3A_121 = arith.constant 0 : i32
        %dma_start3A_122 = tpu.memref_slice %arg21[%add3A_104, %dma_start3A_121] : memref<10240x128xf32, #tpu.memory_space<vmem_shared>> -> memref<32x128xf32, #tpu.memory_space<vmem_shared>>
        %dma_start3A_123 = arith.constant 0 : i32
        %dma_start3A_124 = tpu.memref_slice %arg21[%add3A_104, %dma_start3A_123] : memref<10240x128xf32, #tpu.memory_space<vmem_shared>> -> memref<32x128xf32, #tpu.memory_space<vmem_shared>>
        tpu.enqueue_dma source(%arg20 : memref<32x128xf32, #tpu.memory_space<vmem>>) target(%dma_start3A_124 : memref<32x128xf32, #tpu.memory_space<vmem_shared>>) target_semaphore(%run_scoped3A : memref<!tpu.dma_semaphore, #tpu.memory_space<semaphore_mem>>)
        %dma_wait3A_125 = arith.constant 0 : i32
        %dma_wait3A_126 = tpu.memref_slice %arg21[%add3A_104, %dma_wait3A_125] : memref<10240x128xf32, #tpu.memory_space<vmem_shared>> -> memref<32x128xf32, #tpu.memory_space<vmem_shared>>
        %dma_wait3A_127 = arith.constant 0 : i32
        %dma_wait3A_128 = tpu.memref_slice %arg21[%add3A_104, %dma_wait3A_127] : memref<10240x128xf32, #tpu.memory_space<vmem_shared>> -> memref<32x128xf32, #tpu.memory_space<vmem_shared>>
        tpu.wait_dma2 semaphore(%run_scoped3A : memref<!tpu.dma_semaphore, #tpu.memory_space<semaphore_mem>>) src(%arg20 : memref<32x128xf32, #tpu.memory_space<vmem>>) dst(%dma_wait3A_128 : memref<32x128xf32, #tpu.memory_space<vmem_shared>>)
        tpu.yield
      }) : () -> ()
      %add3A_105 = arith.constant 576 : i32
      %add3A_106 = arith.addi %mul3A_12, %add3A_105 : i32
      "tpu.region"() ({
        %run_scoped3A = tpu.sem_alloc : memref<!tpu.dma_semaphore, #tpu.memory_space<semaphore_mem>>
        %dma_start3A_121 = arith.constant 0 : i32
        %dma_start3A_122 = tpu.memref_slice %arg21[%add3A_106, %dma_start3A_121] : memref<10240x128xf32, #tpu.memory_space<vmem_shared>> -> memref<32x128xf32, #tpu.memory_space<vmem_shared>>
        %dma_start3A_123 = arith.constant 0 : i32
        %dma_start3A_124 = tpu.memref_slice %arg21[%add3A_106, %dma_start3A_123] : memref<10240x128xf32, #tpu.memory_space<vmem_shared>> -> memref<32x128xf32, #tpu.memory_space<vmem_shared>>
        tpu.enqueue_dma source(%arg20 : memref<32x128xf32, #tpu.memory_space<vmem>>) target(%dma_start3A_124 : memref<32x128xf32, #tpu.memory_space<vmem_shared>>) target_semaphore(%run_scoped3A : memref<!tpu.dma_semaphore, #tpu.memory_space<semaphore_mem>>)
        %dma_wait3A_125 = arith.constant 0 : i32
        %dma_wait3A_126 = tpu.memref_slice %arg21[%add3A_106, %dma_wait3A_125] : memref<10240x128xf32, #tpu.memory_space<vmem_shared>> -> memref<32x128xf32, #tpu.memory_space<vmem_shared>>
        %dma_wait3A_127 = arith.constant 0 : i32
        %dma_wait3A_128 = tpu.memref_slice %arg21[%add3A_106, %dma_wait3A_127] : memref<10240x128xf32, #tpu.memory_space<vmem_shared>> -> memref<32x128xf32, #tpu.memory_space<vmem_shared>>
        tpu.wait_dma2 semaphore(%run_scoped3A : memref<!tpu.dma_semaphore, #tpu.memory_space<semaphore_mem>>) src(%arg20 : memref<32x128xf32, #tpu.memory_space<vmem>>) dst(%dma_wait3A_128 : memref<32x128xf32, #tpu.memory_space<vmem_shared>>)
        tpu.yield
      }) : () -> ()
      %add3A_107 = arith.constant 608 : i32
      %add3A_108 = arith.addi %mul3A_12, %add3A_107 : i32
      "tpu.region"() ({
        %run_scoped3A = tpu.sem_alloc : memref<!tpu.dma_semaphore, #tpu.memory_space<semaphore_mem>>
        %dma_start3A_121 = arith.constant 0 : i32
        %dma_start3A_122 = tpu.memref_slice %arg21[%add3A_108, %dma_start3A_121] : memref<10240x128xf32, #tpu.memory_space<vmem_shared>> -> memref<32x128xf32, #tpu.memory_space<vmem_shared>>
        %dma_start3A_123 = arith.constant 0 : i32
        %dma_start3A_124 = tpu.memref_slice %arg21[%add3A_108, %dma_start3A_123] : memref<10240x128xf32, #tpu.memory_space<vmem_shared>> -> memref<32x128xf32, #tpu.memory_space<vmem_shared>>
        tpu.enqueue_dma source(%arg20 : memref<32x128xf32, #tpu.memory_space<vmem>>) target(%dma_start3A_124 : memref<32x128xf32, #tpu.memory_space<vmem_shared>>) target_semaphore(%run_scoped3A : memref<!tpu.dma_semaphore, #tpu.memory_space<semaphore_mem>>)
        %dma_wait3A_125 = arith.constant 0 : i32
        %dma_wait3A_126 = tpu.memref_slice %arg21[%add3A_108, %dma_wait3A_125] : memref<10240x128xf32, #tpu.memory_space<vmem_shared>> -> memref<32x128xf32, #tpu.memory_space<vmem_shared>>
        %dma_wait3A_127 = arith.constant 0 : i32
        %dma_wait3A_128 = tpu.memref_slice %arg21[%add3A_108, %dma_wait3A_127] : memref<10240x128xf32, #tpu.memory_space<vmem_shared>> -> memref<32x128xf32, #tpu.memory_space<vmem_shared>>
        tpu.wait_dma2 semaphore(%run_scoped3A : memref<!tpu.dma_semaphore, #tpu.memory_space<semaphore_mem>>) src(%arg20 : memref<32x128xf32, #tpu.memory_space<vmem>>) dst(%dma_wait3A_128 : memref<32x128xf32, #tpu.memory_space<vmem_shared>>)
        tpu.yield
      }) : () -> ()
      %barrier3A = arith.constant 0 : index
      tpu.barrier barrier_id(%barrier3A)
      %scan3A_109 = arith.constant 0 : i32
      %scan3A_110 = arith.constant 62 : i32
      %scan3A_111 = arith.addi %scan3A_109, %scan3A_110 : i32
      %scan3A_112 = arith.constant 1 : i32
      scf.for %scan3A_121 = %scan3A_109 to %scan3A_111 step %scan3A_112  : i32 {
        %mul3A_122 = arith.constant 4 : i32
        %mul3A_123 = arith.muli %scan3A_121, %mul3A_122 : i32
        %add3A_124 = arith.constant 0 : i32
        %add3A_125 = arith.addi %add3A_124, %mul3A_123 : i32
        %add3A_126 = arith.constant 0 : i32
        %add3A_127 = arith.addi %add3A_125, %add3A_126 : i32
        %dma_wait3A_128 = arith.constant 0 : i32
        %dma_wait3A_129 = arith.constant 0 : i32
        %dma_wait3A_130 = tpu.memref_slice %arg5[%dma_wait3A_128, %dma_wait3A_129] : memref<10000x128xf32, #tpu.memory_space<hbm>> -> memref<10000x128xf32, #tpu.memory_space<hbm>>
        tpu.wait_indirect_dma semaphore(%arg26 : memref<!tpu.dma_semaphore, #tpu.memory_space<semaphore_mem>>) src(%dma_wait3A_130 : memref<10000x128xf32, #tpu.memory_space<hbm>>) dst(%arg16 : memref<80x128xf32, #tpu.memory_space<vmem>>)
        "tpu.region"() ({
          %run_scoped3A = tpu.sem_alloc : memref<!tpu.dma_semaphore, #tpu.memory_space<semaphore_mem>>
          %dma_start3A_208 = arith.constant 0 : i32
          %dma_start3A_209 = arith.constant 0 : i32
          %dma_start3A_210 = tpu.memref_slice %arg21[%dma_start3A_208, %dma_start3A_209] : memref<10240x128xf32, #tpu.memory_space<vmem_shared>> -> memref<10240x128xf32, #tpu.memory_space<vmem_shared>>
          tpu.enqueue_indirect_dma source(%arg16 : memref<80x128xf32, #tpu.memory_space<vmem>>) target(%dma_start3A_210 : memref<10240x128xf32, #tpu.memory_space<vmem_shared>>) offsets(%arg12 : memref<80xi32, #tpu.memory_space<vmem>>) semaphore(%run_scoped3A : memref<!tpu.dma_semaphore, #tpu.memory_space<semaphore_mem>>) {add = true}
          %dma_wait3A_211 = arith.constant 0 : i32
          %dma_wait3A_212 = arith.constant 0 : i32
          %dma_wait3A_213 = tpu.memref_slice %arg21[%dma_wait3A_211, %dma_wait3A_212] : memref<10240x128xf32, #tpu.memory_space<vmem_shared>> -> memref<10240x128xf32, #tpu.memory_space<vmem_shared>>
          tpu.wait_indirect_dma semaphore(%run_scoped3A : memref<!tpu.dma_semaphore, #tpu.memory_space<semaphore_mem>>) src(%arg16 : memref<80x128xf32, #tpu.memory_space<vmem>>) dst(%dma_wait3A_213 : memref<10240x128xf32, #tpu.memory_space<vmem_shared>>)
          tpu.yield
        }) : () -> ()
        %add3A_131 = arith.constant 4 : i32
        %add3A_132 = arith.addi %add3A_127, %add3A_131 : i32
        %sub3A = arith.constant 1 : i32
        %sub3A_133 = arith.subi %add3A_132, %sub3A : i32
        %lt3A = arith.constant 250 : i32
        %lt3A_134 = arith.cmpi slt, %sub3A_133, %lt3A : i32
        %convert_element_type3A_135 = arith.extui %lt3A_134 : i1 to i32
        %cond3A_136 = arith.constant 0 : i32
        %cond3A_137 = arith.cmpi ne, %convert_element_type3A_135, %cond3A_136 : i32
        scf.if %cond3A_137 {
          %add3A_208 = arith.constant 4 : i32
          %add3A_209 = arith.addi %add3A_127, %add3A_208 : i32
          %sub3A_210 = arith.constant 1 : i32
          %sub3A_211 = arith.subi %add3A_209, %sub3A_210 : i32
          %mul3A_212 = arith.constant 80 : i32
          %mul3A_213 = arith.muli %sub3A_211, %mul3A_212 : i32
          %add3A_214 = arith.addi %mul3A_14, %mul3A_213 : i32
          %multiple_of3A_215 = tpu.assume_multiple %add3A_214, 8 : i32
          %dma_wait3A_216 = tpu.memref_slice %arg2[%multiple_of3A_215] : memref<320000xi32, #tpu.memory_space<hbm>> -> memref<80xi32, #tpu.memory_space<hbm>>
          %dma_wait3A_217 = tpu.memref_slice %arg2[%multiple_of3A_215] : memref<320000xi32, #tpu.memory_space<hbm>> -> memref<80xi32, #tpu.memory_space<hbm>>
          tpu.wait_dma2 semaphore(%arg25 : memref<!tpu.dma_semaphore, #tpu.memory_space<semaphore_mem>>) src(%dma_wait3A_217 : memref<80xi32, #tpu.memory_space<hbm>>) dst(%arg11 : memref<80xi32, #tpu.memory_space<vmem>>)
          %dma_wait3A_218 = tpu.memref_slice %arg3[%multiple_of3A_215] : memref<320000xi32, #tpu.memory_space<hbm>> -> memref<80xi32, #tpu.memory_space<hbm>>
          %dma_wait3A_219 = tpu.memref_slice %arg3[%multiple_of3A_215] : memref<320000xi32, #tpu.memory_space<hbm>> -> memref<80xi32, #tpu.memory_space<hbm>>
          tpu.wait_dma2 semaphore(%arg25 : memref<!tpu.dma_semaphore, #tpu.memory_space<semaphore_mem>>) src(%dma_wait3A_219 : memref<80xi32, #tpu.memory_space<hbm>>) dst(%arg15 : memref<80xi32, #tpu.memory_space<vmem>>)
          %dma_start3A_220 = arith.constant 0 : i32
          %dma_start3A_221 = arith.constant 0 : i32
          %dma_start3A_222 = tpu.memref_slice %arg5[%dma_start3A_220, %dma_start3A_221] : memref<10000x128xf32, #tpu.memory_space<hbm>> -> memref<10000x128xf32, #tpu.memory_space<hbm>>
          tpu.enqueue_indirect_dma source(%dma_start3A_222 : memref<10000x128xf32, #tpu.memory_space<hbm>>) target(%arg19 : memref<80x128xf32, #tpu.memory_space<vmem>>) offsets(%arg11 : memref<80xi32, #tpu.memory_space<vmem>>) semaphore(%arg29 : memref<!tpu.dma_semaphore, #tpu.memory_space<semaphore_mem>>)
        } else {
        }
        %add3A_138 = arith.constant 4 : i32
        %add3A_139 = arith.addi %add3A_127, %add3A_138 : i32
        %lt3A_140 = arith.constant 250 : i32
        %lt3A_141 = arith.cmpi slt, %add3A_139, %lt3A_140 : i32
        %convert_element_type3A_142 = arith.extui %lt3A_141 : i1 to i32
        %cond3A_143 = arith.constant 0 : i32
        %cond3A_144 = arith.cmpi ne, %convert_element_type3A_142, %cond3A_143 : i32
        scf.if %cond3A_144 {
          %add3A_208 = arith.constant 4 : i32
          %add3A_209 = arith.addi %add3A_127, %add3A_208 : i32
          %mul3A_210 = arith.constant 80 : i32
          %mul3A_211 = arith.muli %add3A_209, %mul3A_210 : i32
          %add3A_212 = arith.addi %mul3A_14, %mul3A_211 : i32
          %multiple_of3A_213 = tpu.assume_multiple %add3A_212, 8 : i32
          %dma_start3A_214 = tpu.memref_slice %arg2[%multiple_of3A_213] : memref<320000xi32, #tpu.memory_space<hbm>> -> memref<80xi32, #tpu.memory_space<hbm>>
          %dma_start3A_215 = tpu.memref_slice %arg2[%multiple_of3A_213] : memref<320000xi32, #tpu.memory_space<hbm>> -> memref<80xi32, #tpu.memory_space<hbm>>
          tpu.enqueue_dma source(%dma_start3A_215 : memref<80xi32, #tpu.memory_space<hbm>>) target(%arg8 : memref<80xi32, #tpu.memory_space<vmem>>) target_semaphore(%arg22 : memref<!tpu.dma_semaphore, #tpu.memory_space<semaphore_mem>>)
          %dma_start3A_216 = tpu.memref_slice %arg3[%multiple_of3A_213] : memref<320000xi32, #tpu.memory_space<hbm>> -> memref<80xi32, #tpu.memory_space<hbm>>
          %dma_start3A_217 = tpu.memref_slice %arg3[%multiple_of3A_213] : memref<320000xi32, #tpu.memory_space<hbm>> -> memref<80xi32, #tpu.memory_space<hbm>>
          tpu.enqueue_dma source(%dma_start3A_217 : memref<80xi32, #tpu.memory_space<hbm>>) target(%arg12 : memref<80xi32, #tpu.memory_space<vmem>>) target_semaphore(%arg22 : memref<!tpu.dma_semaphore, #tpu.memory_space<semaphore_mem>>)
        } else {
        }
        %add3A_145 = arith.constant 1 : i32
        %add3A_146 = arith.addi %add3A_125, %add3A_145 : i32
        %dma_wait3A_147 = arith.constant 0 : i32
        %dma_wait3A_148 = arith.constant 0 : i32
        %dma_wait3A_149 = tpu.memref_slice %arg5[%dma_wait3A_147, %dma_wait3A_148] : memref<10000x128xf32, #tpu.memory_space<hbm>> -> memref<10000x128xf32, #tpu.memory_space<hbm>>
        tpu.wait_indirect_dma semaphore(%arg27 : memref<!tpu.dma_semaphore, #tpu.memory_space<semaphore_mem>>) src(%dma_wait3A_149 : memref<10000x128xf32, #tpu.memory_space<hbm>>) dst(%arg17 : memref<80x128xf32, #tpu.memory_space<vmem>>)
        "tpu.region"() ({
          %run_scoped3A = tpu.sem_alloc : memref<!tpu.dma_semaphore, #tpu.memory_space<semaphore_mem>>
          %dma_start3A_208 = arith.constant 0 : i32
          %dma_start3A_209 = arith.constant 0 : i32
          %dma_start3A_210 = tpu.memref_slice %arg21[%dma_start3A_208, %dma_start3A_209] : memref<10240x128xf32, #tpu.memory_space<vmem_shared>> -> memref<10240x128xf32, #tpu.memory_space<vmem_shared>>
          tpu.enqueue_indirect_dma source(%arg17 : memref<80x128xf32, #tpu.memory_space<vmem>>) target(%dma_start3A_210 : memref<10240x128xf32, #tpu.memory_space<vmem_shared>>) offsets(%arg13 : memref<80xi32, #tpu.memory_space<vmem>>) semaphore(%run_scoped3A : memref<!tpu.dma_semaphore, #tpu.memory_space<semaphore_mem>>) {add = true}
          %dma_wait3A_211 = arith.constant 0 : i32
          %dma_wait3A_212 = arith.constant 0 : i32
          %dma_wait3A_213 = tpu.memref_slice %arg21[%dma_wait3A_211, %dma_wait3A_212] : memref<10240x128xf32, #tpu.memory_space<vmem_shared>> -> memref<10240x128xf32, #tpu.memory_space<vmem_shared>>
          tpu.wait_indirect_dma semaphore(%run_scoped3A : memref<!tpu.dma_semaphore, #tpu.memory_space<semaphore_mem>>) src(%arg17 : memref<80x128xf32, #tpu.memory_space<vmem>>) dst(%dma_wait3A_213 : memref<10240x128xf32, #tpu.memory_space<vmem_shared>>)
          tpu.yield
        }) : () -> ()
        %add3A_150 = arith.constant 4 : i32
        %add3A_151 = arith.addi %add3A_146, %add3A_150 : i32
        %sub3A_152 = arith.constant 1 : i32
        %sub3A_153 = arith.subi %add3A_151, %sub3A_152 : i32
        %lt3A_154 = arith.constant 250 : i32
        %lt3A_155 = arith.cmpi slt, %sub3A_153, %lt3A_154 : i32
        %convert_element_type3A_156 = arith.extui %lt3A_155 : i1 to i32
        %cond3A_157 = arith.constant 0 : i32
        %cond3A_158 = arith.cmpi ne, %convert_element_type3A_156, %cond3A_157 : i32
        scf.if %cond3A_158 {
          %add3A_208 = arith.constant 4 : i32
          %add3A_209 = arith.addi %add3A_146, %add3A_208 : i32
          %sub3A_210 = arith.constant 1 : i32
          %sub3A_211 = arith.subi %add3A_209, %sub3A_210 : i32
          %mul3A_212 = arith.constant 80 : i32
          %mul3A_213 = arith.muli %sub3A_211, %mul3A_212 : i32
          %add3A_214 = arith.addi %mul3A_14, %mul3A_213 : i32
          %multiple_of3A_215 = tpu.assume_multiple %add3A_214, 8 : i32
          %dma_wait3A_216 = tpu.memref_slice %arg2[%multiple_of3A_215] : memref<320000xi32, #tpu.memory_space<hbm>> -> memref<80xi32, #tpu.memory_space<hbm>>
          %dma_wait3A_217 = tpu.memref_slice %arg2[%multiple_of3A_215] : memref<320000xi32, #tpu.memory_space<hbm>> -> memref<80xi32, #tpu.memory_space<hbm>>
          tpu.wait_dma2 semaphore(%arg22 : memref<!tpu.dma_semaphore, #tpu.memory_space<semaphore_mem>>) src(%dma_wait3A_217 : memref<80xi32, #tpu.memory_space<hbm>>) dst(%arg8 : memref<80xi32, #tpu.memory_space<vmem>>)
          %dma_wait3A_218 = tpu.memref_slice %arg3[%multiple_of3A_215] : memref<320000xi32, #tpu.memory_space<hbm>> -> memref<80xi32, #tpu.memory_space<hbm>>
          %dma_wait3A_219 = tpu.memref_slice %arg3[%multiple_of3A_215] : memref<320000xi32, #tpu.memory_space<hbm>> -> memref<80xi32, #tpu.memory_space<hbm>>
          tpu.wait_dma2 semaphore(%arg22 : memref<!tpu.dma_semaphore, #tpu.memory_space<semaphore_mem>>) src(%dma_wait3A_219 : memref<80xi32, #tpu.memory_space<hbm>>) dst(%arg12 : memref<80xi32, #tpu.memory_space<vmem>>)
          %dma_start3A_220 = arith.constant 0 : i32
          %dma_start3A_221 = arith.constant 0 : i32
          %dma_start3A_222 = tpu.memref_slice %arg5[%dma_start3A_220, %dma_start3A_221] : memref<10000x128xf32, #tpu.memory_space<hbm>> -> memref<10000x128xf32, #tpu.memory_space<hbm>>
          tpu.enqueue_indirect_dma source(%dma_start3A_222 : memref<10000x128xf32, #tpu.memory_space<hbm>>) target(%arg16 : memref<80x128xf32, #tpu.memory_space<vmem>>) offsets(%arg8 : memref<80xi32, #tpu.memory_space<vmem>>) semaphore(%arg26 : memref<!tpu.dma_semaphore, #tpu.memory_space<semaphore_mem>>)
        } else {
        }
        %add3A_159 = arith.constant 4 : i32
        %add3A_160 = arith.addi %add3A_146, %add3A_159 : i32
        %lt3A_161 = arith.constant 250 : i32
        %lt3A_162 = arith.cmpi slt, %add3A_160, %lt3A_161 : i32
        %convert_element_type3A_163 = arith.extui %lt3A_162 : i1 to i32
        %cond3A_164 = arith.constant 0 : i32
        %cond3A_165 = arith.cmpi ne, %convert_element_type3A_163, %cond3A_164 : i32
        scf.if %cond3A_165 {
          %add3A_208 = arith.constant 4 : i32
          %add3A_209 = arith.addi %add3A_146, %add3A_208 : i32
          %mul3A_210 = arith.constant 80 : i32
          %mul3A_211 = arith.muli %add3A_209, %mul3A_210 : i32
          %add3A_212 = arith.addi %mul3A_14, %mul3A_211 : i32
          %multiple_of3A_213 = tpu.assume_multiple %add3A_212, 8 : i32
          %dma_start3A_214 = tpu.memref_slice %arg2[%multiple_of3A_213] : memref<320000xi32, #tpu.memory_space<hbm>> -> memref<80xi32, #tpu.memory_space<hbm>>
          %dma_start3A_215 = tpu.memref_slice %arg2[%multiple_of3A_213] : memref<320000xi32, #tpu.memory_space<hbm>> -> memref<80xi32, #tpu.memory_space<hbm>>
          tpu.enqueue_dma source(%dma_start3A_215 : memref<80xi32, #tpu.memory_space<hbm>>) target(%arg9 : memref<80xi32, #tpu.memory_space<vmem>>) target_semaphore(%arg23 : memref<!tpu.dma_semaphore, #tpu.memory_space<semaphore_mem>>)
          %dma_start3A_216 = tpu.memref_slice %arg3[%multiple_of3A_213] : memref<320000xi32, #tpu.memory_space<hbm>> -> memref<80xi32, #tpu.memory_space<hbm>>
          %dma_start3A_217 = tpu.memref_slice %arg3[%multiple_of3A_213] : memref<320000xi32, #tpu.memory_space<hbm>> -> memref<80xi32, #tpu.memory_space<hbm>>
          tpu.enqueue_dma source(%dma_start3A_217 : memref<80xi32, #tpu.memory_space<hbm>>) target(%arg13 : memref<80xi32, #tpu.memory_space<vmem>>) target_semaphore(%arg23 : memref<!tpu.dma_semaphore, #tpu.memory_space<semaphore_mem>>)
        } else {
        }
        %add3A_166 = arith.constant 2 : i32
        %add3A_167 = arith.addi %add3A_125, %add3A_166 : i32
        %dma_wait3A_168 = arith.constant 0 : i32
        %dma_wait3A_169 = arith.constant 0 : i32
        %dma_wait3A_170 = tpu.memref_slice %arg5[%dma_wait3A_168, %dma_wait3A_169] : memref<10000x128xf32, #tpu.memory_space<hbm>> -> memref<10000x128xf32, #tpu.memory_space<hbm>>
        tpu.wait_indirect_dma semaphore(%arg28 : memref<!tpu.dma_semaphore, #tpu.memory_space<semaphore_mem>>) src(%dma_wait3A_170 : memref<10000x128xf32, #tpu.memory_space<hbm>>) dst(%arg18 : memref<80x128xf32, #tpu.memory_space<vmem>>)
        "tpu.region"() ({
          %run_scoped3A = tpu.sem_alloc : memref<!tpu.dma_semaphore, #tpu.memory_space<semaphore_mem>>
          %dma_start3A_208 = arith.constant 0 : i32
          %dma_start3A_209 = arith.constant 0 : i32
          %dma_start3A_210 = tpu.memref_slice %arg21[%dma_start3A_208, %dma_start3A_209] : memref<10240x128xf32, #tpu.memory_space<vmem_shared>> -> memref<10240x128xf32, #tpu.memory_space<vmem_shared>>
          tpu.enqueue_indirect_dma source(%arg18 : memref<80x128xf32, #tpu.memory_space<vmem>>) target(%dma_start3A_210 : memref<10240x128xf32, #tpu.memory_space<vmem_shared>>) offsets(%arg14 : memref<80xi32, #tpu.memory_space<vmem>>) semaphore(%run_scoped3A : memref<!tpu.dma_semaphore, #tpu.memory_space<semaphore_mem>>) {add = true}
          %dma_wait3A_211 = arith.constant 0 : i32
          %dma_wait3A_212 = arith.constant 0 : i32
          %dma_wait3A_213 = tpu.memref_slice %arg21[%dma_wait3A_211, %dma_wait3A_212] : memref<10240x128xf32, #tpu.memory_space<vmem_shared>> -> memref<10240x128xf32, #tpu.memory_space<vmem_shared>>
          tpu.wait_indirect_dma semaphore(%run_scoped3A : memref<!tpu.dma_semaphore, #tpu.memory_space<semaphore_mem>>) src(%arg18 : memref<80x128xf32, #tpu.memory_space<vmem>>) dst(%dma_wait3A_213 : memref<10240x128xf32, #tpu.memory_space<vmem_shared>>)
          tpu.yield
        }) : () -> ()
        %add3A_171 = arith.constant 4 : i32
        %add3A_172 = arith.addi %add3A_167, %add3A_171 : i32
        %sub3A_173 = arith.constant 1 : i32
        %sub3A_174 = arith.subi %add3A_172, %sub3A_173 : i32
        %lt3A_175 = arith.constant 250 : i32
        %lt3A_176 = arith.cmpi slt, %sub3A_174, %lt3A_175 : i32
        %convert_element_type3A_177 = arith.extui %lt3A_176 : i1 to i32
        %cond3A_178 = arith.constant 0 : i32
        %cond3A_179 = arith.cmpi ne, %convert_element_type3A_177, %cond3A_178 : i32
        scf.if %cond3A_179 {
          %add3A_208 = arith.constant 4 : i32
          %add3A_209 = arith.addi %add3A_167, %add3A_208 : i32
          %sub3A_210 = arith.constant 1 : i32
          %sub3A_211 = arith.subi %add3A_209, %sub3A_210 : i32
          %mul3A_212 = arith.constant 80 : i32
          %mul3A_213 = arith.muli %sub3A_211, %mul3A_212 : i32
          %add3A_214 = arith.addi %mul3A_14, %mul3A_213 : i32
          %multiple_of3A_215 = tpu.assume_multiple %add3A_214, 8 : i32
          %dma_wait3A_216 = tpu.memref_slice %arg2[%multiple_of3A_215] : memref<320000xi32, #tpu.memory_space<hbm>> -> memref<80xi32, #tpu.memory_space<hbm>>
          %dma_wait3A_217 = tpu.memref_slice %arg2[%multiple_of3A_215] : memref<320000xi32, #tpu.memory_space<hbm>> -> memref<80xi32, #tpu.memory_space<hbm>>
          tpu.wait_dma2 semaphore(%arg23 : memref<!tpu.dma_semaphore, #tpu.memory_space<semaphore_mem>>) src(%dma_wait3A_217 : memref<80xi32, #tpu.memory_space<hbm>>) dst(%arg9 : memref<80xi32, #tpu.memory_space<vmem>>)
          %dma_wait3A_218 = tpu.memref_slice %arg3[%multiple_of3A_215] : memref<320000xi32, #tpu.memory_space<hbm>> -> memref<80xi32, #tpu.memory_space<hbm>>
          %dma_wait3A_219 = tpu.memref_slice %arg3[%multiple_of3A_215] : memref<320000xi32, #tpu.memory_space<hbm>> -> memref<80xi32, #tpu.memory_space<hbm>>
          tpu.wait_dma2 semaphore(%arg23 : memref<!tpu.dma_semaphore, #tpu.memory_space<semaphore_mem>>) src(%dma_wait3A_219 : memref<80xi32, #tpu.memory_space<hbm>>) dst(%arg13 : memref<80xi32, #tpu.memory_space<vmem>>)
          %dma_start3A_220 = arith.constant 0 : i32
          %dma_start3A_221 = arith.constant 0 : i32
          %dma_start3A_222 = tpu.memref_slice %arg5[%dma_start3A_220, %dma_start3A_221] : memref<10000x128xf32, #tpu.memory_space<hbm>> -> memref<10000x128xf32, #tpu.memory_space<hbm>>
          tpu.enqueue_indirect_dma source(%dma_start3A_222 : memref<10000x128xf32, #tpu.memory_space<hbm>>) target(%arg17 : memref<80x128xf32, #tpu.memory_space<vmem>>) offsets(%arg9 : memref<80xi32, #tpu.memory_space<vmem>>) semaphore(%arg27 : memref<!tpu.dma_semaphore, #tpu.memory_space<semaphore_mem>>)
        } else {
        }
        %add3A_180 = arith.constant 4 : i32
        %add3A_181 = arith.addi %add3A_167, %add3A_180 : i32
        %lt3A_182 = arith.constant 250 : i32
        %lt3A_183 = arith.cmpi slt, %add3A_181, %lt3A_182 : i32
        %convert_element_type3A_184 = arith.extui %lt3A_183 : i1 to i32
        %cond3A_185 = arith.constant 0 : i32
        %cond3A_186 = arith.cmpi ne, %convert_element_type3A_184, %cond3A_185 : i32
        scf.if %cond3A_186 {
          %add3A_208 = arith.constant 4 : i32
          %add3A_209 = arith.addi %add3A_167, %add3A_208 : i32
          %mul3A_210 = arith.constant 80 : i32
          %mul3A_211 = arith.muli %add3A_209, %mul3A_210 : i32
          %add3A_212 = arith.addi %mul3A_14, %mul3A_211 : i32
          %multiple_of3A_213 = tpu.assume_multiple %add3A_212, 8 : i32
          %dma_start3A_214 = tpu.memref_slice %arg2[%multiple_of3A_213] : memref<320000xi32, #tpu.memory_space<hbm>> -> memref<80xi32, #tpu.memory_space<hbm>>
          %dma_start3A_215 = tpu.memref_slice %arg2[%multiple_of3A_213] : memref<320000xi32, #tpu.memory_space<hbm>> -> memref<80xi32, #tpu.memory_space<hbm>>
          tpu.enqueue_dma source(%dma_start3A_215 : memref<80xi32, #tpu.memory_space<hbm>>) target(%arg10 : memref<80xi32, #tpu.memory_space<vmem>>) target_semaphore(%arg24 : memref<!tpu.dma_semaphore, #tpu.memory_space<semaphore_mem>>)
          %dma_start3A_216 = tpu.memref_slice %arg3[%multiple_of3A_213] : memref<320000xi32, #tpu.memory_space<hbm>> -> memref<80xi32, #tpu.memory_space<hbm>>
          %dma_start3A_217 = tpu.memref_slice %arg3[%multiple_of3A_213] : memref<320000xi32, #tpu.memory_space<hbm>> -> memref<80xi32, #tpu.memory_space<hbm>>
          tpu.enqueue_dma source(%dma_start3A_217 : memref<80xi32, #tpu.memory_space<hbm>>) target(%arg14 : memref<80xi32, #tpu.memory_space<vmem>>) target_semaphore(%arg24 : memref<!tpu.dma_semaphore, #tpu.memory_space<semaphore_mem>>)
        } else {
        }
        %add3A_187 = arith.constant 3 : i32
        %add3A_188 = arith.addi %add3A_125, %add3A_187 : i32
        %dma_wait3A_189 = arith.constant 0 : i32
        %dma_wait3A_190 = arith.constant 0 : i32
        %dma_wait3A_191 = tpu.memref_slice %arg5[%dma_wait3A_189, %dma_wait3A_190] : memref<10000x128xf32, #tpu.memory_space<hbm>> -> memref<10000x128xf32, #tpu.memory_space<hbm>>
        tpu.wait_indirect_dma semaphore(%arg29 : memref<!tpu.dma_semaphore, #tpu.memory_space<semaphore_mem>>) src(%dma_wait3A_191 : memref<10000x128xf32, #tpu.memory_space<hbm>>) dst(%arg19 : memref<80x128xf32, #tpu.memory_space<vmem>>)
        "tpu.region"() ({
          %run_scoped3A = tpu.sem_alloc : memref<!tpu.dma_semaphore, #tpu.memory_space<semaphore_mem>>
          %dma_start3A_208 = arith.constant 0 : i32
          %dma_start3A_209 = arith.constant 0 : i32
          %dma_start3A_210 = tpu.memref_slice %arg21[%dma_start3A_208, %dma_start3A_209] : memref<10240x128xf32, #tpu.memory_space<vmem_shared>> -> memref<10240x128xf32, #tpu.memory_space<vmem_shared>>
          tpu.enqueue_indirect_dma source(%arg19 : memref<80x128xf32, #tpu.memory_space<vmem>>) target(%dma_start3A_210 : memref<10240x128xf32, #tpu.memory_space<vmem_shared>>) offsets(%arg15 : memref<80xi32, #tpu.memory_space<vmem>>) semaphore(%run_scoped3A : memref<!tpu.dma_semaphore, #tpu.memory_space<semaphore_mem>>) {add = true}
          %dma_wait3A_211 = arith.constant 0 : i32
          %dma_wait3A_212 = arith.constant 0 : i32
          %dma_wait3A_213 = tpu.memref_slice %arg21[%dma_wait3A_211, %dma_wait3A_212] : memref<10240x128xf32, #tpu.memory_space<vmem_shared>> -> memref<10240x128xf32, #tpu.memory_space<vmem_shared>>
          tpu.wait_indirect_dma semaphore(%run_scoped3A : memref<!tpu.dma_semaphore, #tpu.memory_space<semaphore_mem>>) src(%arg19 : memref<80x128xf32, #tpu.memory_space<vmem>>) dst(%dma_wait3A_213 : memref<10240x128xf32, #tpu.memory_space<vmem_shared>>)
          tpu.yield
        }) : () -> ()
        %add3A_192 = arith.constant 4 : i32
        %add3A_193 = arith.addi %add3A_188, %add3A_192 : i32
        %sub3A_194 = arith.constant 1 : i32
        %sub3A_195 = arith.subi %add3A_193, %sub3A_194 : i32
        %lt3A_196 = arith.constant 250 : i32
        %lt3A_197 = arith.cmpi slt, %sub3A_195, %lt3A_196 : i32
        %convert_element_type3A_198 = arith.extui %lt3A_197 : i1 to i32
        %cond3A_199 = arith.constant 0 : i32
        %cond3A_200 = arith.cmpi ne, %convert_element_type3A_198, %cond3A_199 : i32
        scf.if %cond3A_200 {
          %add3A_208 = arith.constant 4 : i32
          %add3A_209 = arith.addi %add3A_188, %add3A_208 : i32
          %sub3A_210 = arith.constant 1 : i32
          %sub3A_211 = arith.subi %add3A_209, %sub3A_210 : i32
          %mul3A_212 = arith.constant 80 : i32
          %mul3A_213 = arith.muli %sub3A_211, %mul3A_212 : i32
          %add3A_214 = arith.addi %mul3A_14, %mul3A_213 : i32
          %multiple_of3A_215 = tpu.assume_multiple %add3A_214, 8 : i32
          %dma_wait3A_216 = tpu.memref_slice %arg2[%multiple_of3A_215] : memref<320000xi32, #tpu.memory_space<hbm>> -> memref<80xi32, #tpu.memory_space<hbm>>
          %dma_wait3A_217 = tpu.memref_slice %arg2[%multiple_of3A_215] : memref<320000xi32, #tpu.memory_space<hbm>> -> memref<80xi32, #tpu.memory_space<hbm>>
          tpu.wait_dma2 semaphore(%arg24 : memref<!tpu.dma_semaphore, #tpu.memory_space<semaphore_mem>>) src(%dma_wait3A_217 : memref<80xi32, #tpu.memory_space<hbm>>) dst(%arg10 : memref<80xi32, #tpu.memory_space<vmem>>)
          %dma_wait3A_218 = tpu.memref_slice %arg3[%multiple_of3A_215] : memref<320000xi32, #tpu.memory_space<hbm>> -> memref<80xi32, #tpu.memory_space<hbm>>
          %dma_wait3A_219 = tpu.memref_slice %arg3[%multiple_of3A_215] : memref<320000xi32, #tpu.memory_space<hbm>> -> memref<80xi32, #tpu.memory_space<hbm>>
          tpu.wait_dma2 semaphore(%arg24 : memref<!tpu.dma_semaphore, #tpu.memory_space<semaphore_mem>>) src(%dma_wait3A_219 : memref<80xi32, #tpu.memory_space<hbm>>) dst(%arg14 : memref<80xi32, #tpu.memory_space<vmem>>)
          %dma_start3A_220 = arith.constant 0 : i32
          %dma_start3A_221 = arith.constant 0 : i32
          %dma_start3A_222 = tpu.memref_slice %arg5[%dma_start3A_220, %dma_start3A_221] : memref<10000x128xf32, #tpu.memory_space<hbm>> -> memref<10000x128xf32, #tpu.memory_space<hbm>>
          tpu.enqueue_indirect_dma source(%dma_start3A_222 : memref<10000x128xf32, #tpu.memory_space<hbm>>) target(%arg18 : memref<80x128xf32, #tpu.memory_space<vmem>>) offsets(%arg10 : memref<80xi32, #tpu.memory_space<vmem>>) semaphore(%arg28 : memref<!tpu.dma_semaphore, #tpu.memory_space<semaphore_mem>>)
        } else {
        }
        %add3A_201 = arith.constant 4 : i32
        %add3A_202 = arith.addi %add3A_188, %add3A_201 : i32
        %lt3A_203 = arith.constant 250 : i32
        %lt3A_204 = arith.cmpi slt, %add3A_202, %lt3A_203 : i32
        %convert_element_type3A_205 = arith.extui %lt3A_204 : i1 to i32
        %cond3A_206 = arith.constant 0 : i32
        %cond3A_207 = arith.cmpi ne, %convert_element_type3A_205, %cond3A_206 : i32
        scf.if %cond3A_207 {
          %add3A_208 = arith.constant 4 : i32
          %add3A_209 = arith.addi %add3A_188, %add3A_208 : i32
          %mul3A_210 = arith.constant 80 : i32
          %mul3A_211 = arith.muli %add3A_209, %mul3A_210 : i32
          %add3A_212 = arith.addi %mul3A_14, %mul3A_211 : i32
          %multiple_of3A_213 = tpu.assume_multiple %add3A_212, 8 : i32
          %dma_start3A_214 = tpu.memref_slice %arg2[%multiple_of3A_213] : memref<320000xi32, #tpu.memory_space<hbm>> -> memref<80xi32, #tpu.memory_space<hbm>>
          %dma_start3A_215 = tpu.memref_slice %arg2[%multiple_of3A_213] : memref<320000xi32, #tpu.memory_space<hbm>> -> memref<80xi32, #tpu.memory_space<hbm>>
          tpu.enqueue_dma source(%dma_start3A_215 : memref<80xi32, #tpu.memory_space<hbm>>) target(%arg11 : memref<80xi32, #tpu.memory_space<vmem>>) target_semaphore(%arg25 : memref<!tpu.dma_semaphore, #tpu.memory_space<semaphore_mem>>)
          %dma_start3A_216 = tpu.memref_slice %arg3[%multiple_of3A_213] : memref<320000xi32, #tpu.memory_space<hbm>> -> memref<80xi32, #tpu.memory_space<hbm>>
          %dma_start3A_217 = tpu.memref_slice %arg3[%multiple_of3A_213] : memref<320000xi32, #tpu.memory_space<hbm>> -> memref<80xi32, #tpu.memory_space<hbm>>
          tpu.enqueue_dma source(%dma_start3A_217 : memref<80xi32, #tpu.memory_space<hbm>>) target(%arg15 : memref<80xi32, #tpu.memory_space<vmem>>) target_semaphore(%arg25 : memref<!tpu.dma_semaphore, #tpu.memory_space<semaphore_mem>>)
        } else {
        }
      }
      %scan3A_113 = arith.constant 62 : i32
      %dma_wait3A_114 = arith.constant 0 : i32
      %dma_wait3A_115 = arith.constant 0 : i32
      %dma_wait3A_116 = tpu.memref_slice %arg5[%dma_wait3A_114, %dma_wait3A_115] : memref<10000x128xf32, #tpu.memory_space<hbm>> -> memref<10000x128xf32, #tpu.memory_space<hbm>>
      tpu.wait_indirect_dma semaphore(%arg26 : memref<!tpu.dma_semaphore, #tpu.memory_space<semaphore_mem>>) src(%dma_wait3A_116 : memref<10000x128xf32, #tpu.memory_space<hbm>>) dst(%arg16 : memref<80x128xf32, #tpu.memory_space<vmem>>)
      "tpu.region"() ({
        %run_scoped3A = tpu.sem_alloc : memref<!tpu.dma_semaphore, #tpu.memory_space<semaphore_mem>>
        %dma_start3A_121 = arith.constant 0 : i32
        %dma_start3A_122 = arith.constant 0 : i32
        %dma_start3A_123 = tpu.memref_slice %arg21[%dma_start3A_121, %dma_start3A_122] : memref<10240x128xf32, #tpu.memory_space<vmem_shared>> -> memref<10240x128xf32, #tpu.memory_space<vmem_shared>>
        tpu.enqueue_indirect_dma source(%arg16 : memref<80x128xf32, #tpu.memory_space<vmem>>) target(%dma_start3A_123 : memref<10240x128xf32, #tpu.memory_space<vmem_shared>>) offsets(%arg12 : memref<80xi32, #tpu.memory_space<vmem>>) semaphore(%run_scoped3A : memref<!tpu.dma_semaphore, #tpu.memory_space<semaphore_mem>>) {add = true}
        %dma_wait3A_124 = arith.constant 0 : i32
        %dma_wait3A_125 = arith.constant 0 : i32
        %dma_wait3A_126 = tpu.memref_slice %arg21[%dma_wait3A_124, %dma_wait3A_125] : memref<10240x128xf32, #tpu.memory_space<vmem_shared>> -> memref<10240x128xf32, #tpu.memory_space<vmem_shared>>
        tpu.wait_indirect_dma semaphore(%run_scoped3A : memref<!tpu.dma_semaphore, #tpu.memory_space<semaphore_mem>>) src(%arg16 : memref<80x128xf32, #tpu.memory_space<vmem>>) dst(%dma_wait3A_126 : memref<10240x128xf32, #tpu.memory_space<vmem_shared>>)
        tpu.yield
      }) : () -> ()
      %dma_wait3A_117 = arith.constant 0 : i32
      %dma_wait3A_118 = arith.constant 0 : i32
      %dma_wait3A_119 = tpu.memref_slice %arg5[%dma_wait3A_117, %dma_wait3A_118] : memref<10000x128xf32, #tpu.memory_space<hbm>> -> memref<10000x128xf32, #tpu.memory_space<hbm>>
      tpu.wait_indirect_dma semaphore(%arg27 : memref<!tpu.dma_semaphore, #tpu.memory_space<semaphore_mem>>) src(%dma_wait3A_119 : memref<10000x128xf32, #tpu.memory_space<hbm>>) dst(%arg17 : memref<80x128xf32, #tpu.memory_space<vmem>>)
      "tpu.region"() ({
        %run_scoped3A = tpu.sem_alloc : memref<!tpu.dma_semaphore, #tpu.memory_space<semaphore_mem>>
        %dma_start3A_121 = arith.constant 0 : i32
        %dma_start3A_122 = arith.constant 0 : i32
        %dma_start3A_123 = tpu.memref_slice %arg21[%dma_start3A_121, %dma_start3A_122] : memref<10240x128xf32, #tpu.memory_space<vmem_shared>> -> memref<10240x128xf32, #tpu.memory_space<vmem_shared>>
        tpu.enqueue_indirect_dma source(%arg17 : memref<80x128xf32, #tpu.memory_space<vmem>>) target(%dma_start3A_123 : memref<10240x128xf32, #tpu.memory_space<vmem_shared>>) offsets(%arg13 : memref<80xi32, #tpu.memory_space<vmem>>) semaphore(%run_scoped3A : memref<!tpu.dma_semaphore, #tpu.memory_space<semaphore_mem>>) {add = true}
        %dma_wait3A_124 = arith.constant 0 : i32
        %dma_wait3A_125 = arith.constant 0 : i32
        %dma_wait3A_126 = tpu.memref_slice %arg21[%dma_wait3A_124, %dma_wait3A_125] : memref<10240x128xf32, #tpu.memory_space<vmem_shared>> -> memref<10240x128xf32, #tpu.memory_space<vmem_shared>>
        tpu.wait_indirect_dma semaphore(%run_scoped3A : memref<!tpu.dma_semaphore, #tpu.memory_space<semaphore_mem>>) src(%arg17 : memref<80x128xf32, #tpu.memory_space<vmem>>) dst(%dma_wait3A_126 : memref<10240x128xf32, #tpu.memory_space<vmem_shared>>)
        tpu.yield
      }) : () -> ()
      %barrier3A_120 = arith.constant 0 : index
      tpu.barrier barrier_id(%barrier3A_120)
      "tpu.region"() ({
        %run_scoped3A = tpu.sem_alloc : memref<!tpu.dma_semaphore, #tpu.memory_space<semaphore_mem>>
        %dma_start3A_121 = arith.constant 0 : i32
        %dma_start3A_122 = tpu.memref_slice %arg7[%mul3A_12, %dma_start3A_121] : memref<10240x128xf32, #tpu.memory_space<hbm>> -> memref<640x128xf32, #tpu.memory_space<hbm>>
        %dma_start3A_123 = arith.constant 0 : i32
        %dma_start3A_124 = tpu.memref_slice %arg21[%mul3A_12, %dma_start3A_123] : memref<10240x128xf32, #tpu.memory_space<vmem_shared>> -> memref<640x128xf32, #tpu.memory_space<vmem_shared>>
        tpu.enqueue_dma source(%dma_start3A_124 : memref<640x128xf32, #tpu.memory_space<vmem_shared>>) target(%dma_start3A_122 : memref<640x128xf32, #tpu.memory_space<hbm>>) target_semaphore(%run_scoped3A : memref<!tpu.dma_semaphore, #tpu.memory_space<semaphore_mem>>)
        %dma_wait3A_125 = arith.constant 0 : i32
        %dma_wait3A_126 = tpu.memref_slice %arg7[%mul3A_12, %dma_wait3A_125] : memref<10240x128xf32, #tpu.memory_space<hbm>> -> memref<640x128xf32, #tpu.memory_space<hbm>>
        %dma_wait3A_127 = arith.constant 0 : i32
        %dma_wait3A_128 = tpu.memref_slice %arg21[%mul3A_12, %dma_wait3A_127] : memref<10240x128xf32, #tpu.memory_space<vmem_shared>> -> memref<640x128xf32, #tpu.memory_space<vmem_shared>>
        tpu.wait_dma2 semaphore(%run_scoped3A : memref<!tpu.dma_semaphore, #tpu.memory_space<semaphore_mem>>) src(%dma_wait3A_128 : memref<640x128xf32, #tpu.memory_space<vmem_shared>>) dst(%dma_wait3A_126 : memref<640x128xf32, #tpu.memory_space<hbm>>)
        tpu.yield
      }) : () -> ()
    } else {
    }
    return
  }
}

module attributes {stable_mosaic.version = 14 : i64} {
  func.func @_tc_update_body(%arg0: i32, %arg1: memref<2000x128xf32, #tpu.memory_space<vmem>>, %arg2: memref<2000x128xf32, #tpu.memory_space<vmem>>, %arg3: memref<1x16xf32, #tpu.memory_space<vmem>>, %arg4: memref<208x128xf32, #tpu.memory_space<vmem>>, %arg5: memref<1x128xf32, #tpu.memory_space<vmem>>, %arg6: memref<1x128xf32, #tpu.memory_space<vmem>>, %arg7: memref<1x128xf32, #tpu.memory_space<vmem>>, %arg8: memref<64x64xf32, #tpu.memory_space<vmem>>, %arg9: memref<1x64xf32, #tpu.memory_space<vmem>>, %arg10: memref<1x64xf32, #tpu.memory_space<vmem>>, %arg11: memref<1x64xf32, #tpu.memory_space<vmem>>, %arg12: memref<2000x128xf32, #tpu.memory_space<vmem>>, %arg13: memref<2000x64xf32, #tpu.memory_space<vmem>>) attributes {dimension_semantics = [#tpu.dimension_semantics<arbitrary>], iteration_bounds = array<i64: 5>, scalar_prefetch = 0 : i64, scratch_operands = 0 : i64, tpu.core_type = #tpu.core_type<tc>, window_params = [{transform_indices = @transform_0, window_bounds = array<i64: 2000, 128>}, {transform_indices = @transform_1, window_bounds = array<i64: 2000, 128>}, {pipeline_mode = #tpu.pipeline_mode<synchronous>, transform_indices = @transform_2, window_bounds = array<i64: 1, 16>}, {pipeline_mode = #tpu.pipeline_mode<synchronous>, transform_indices = @transform_3, window_bounds = array<i64: 208, 128>}, {pipeline_mode = #tpu.pipeline_mode<synchronous>, transform_indices = @transform_4, window_bounds = array<i64: 1, 128>}, {pipeline_mode = #tpu.pipeline_mode<synchronous>, transform_indices = @transform_5, window_bounds = array<i64: 1, 128>}, {pipeline_mode = #tpu.pipeline_mode<synchronous>, transform_indices = @transform_6, window_bounds = array<i64: 1, 128>}, {pipeline_mode = #tpu.pipeline_mode<synchronous>, transform_indices = @transform_7, window_bounds = array<i64: 64, 64>}, {pipeline_mode = #tpu.pipeline_mode<synchronous>, transform_indices = @transform_8, window_bounds = array<i64: 1, 64>}, {pipeline_mode = #tpu.pipeline_mode<synchronous>, transform_indices = @transform_9, window_bounds = array<i64: 1, 64>}, {pipeline_mode = #tpu.pipeline_mode<synchronous>, transform_indices = @transform_10, window_bounds = array<i64: 1, 64>}, {transform_indices = @transform_11, window_bounds = array<i64: 2000, 128>}, {transform_indices = @transform_12, window_bounds = array<i64: 2000, 64>}]} {
    %get3A = arith.constant 0 : index
    %get3A_0 = arith.constant 0 : index
    %get3A_1 = vector.load %arg1[%get3A, %get3A_0] : memref<2000x128xf32, #tpu.memory_space<vmem>>, vector<2000x128xf32>
    %get3A_2 = arith.constant 0 : index
    %get3A_3 = arith.constant 0 : index
    %get3A_4 = vector.load %arg2[%get3A_2, %get3A_3] : memref<2000x128xf32, #tpu.memory_space<vmem>>, vector<2000x64xf32>
    %get3A_5 = arith.constant 0 : index
    %get3A_6 = arith.constant 0 : index
    %get3A_7 = vector.load %arg3[%get3A_5, %get3A_6] : memref<1x16xf32, #tpu.memory_space<vmem>>, vector<1x16xf32>
    %get3A_8 = arith.constant 192 : index
    %get3A_9 = arith.constant 0 : index
    %get3A_10 = vector.load %arg4[%get3A_8, %get3A_9] : memref<208x128xf32, #tpu.memory_space<vmem>>, vector<16x128xf32>
    %dot_general3A = arith.constant dense<0.000000e+00> : vector<1x128xf32>
    %dot_general3A_11 = tpu.matmul %get3A_7, %get3A_10, %dot_general3A {dimension_numbers = #tpu.dot_dimension_numbers<[1], [0], [0], [1], [0, 0, 1, 1], [], []>, precision = #tpu.contract_precision<fp32>, transpose_lhs_hint = false} : vector<1x16xf32>, vector<16x128xf32>, vector<1x128xf32> -> vector<1x128xf32>
    %get3A_12 = arith.constant 0 : index
    %get3A_13 = arith.constant 0 : index
    %get3A_14 = vector.load %arg4[%get3A_12, %get3A_13] : memref<208x128xf32, #tpu.memory_space<vmem>>, vector<128x128xf32>
    %dot_general3A_15 = arith.constant dense<0.000000e+00> : vector<2000x128xf32>
    %dot_general3A_16 = tpu.matmul %get3A_1, %get3A_14, %dot_general3A_15 {dimension_numbers = #tpu.dot_dimension_numbers<[1], [0], [0], [1], [0, 0, 1, 1], [], []>, precision = #tpu.contract_precision<fp32>, transpose_lhs_hint = false} : vector<2000x128xf32>, vector<128x128xf32>, vector<2000x128xf32> -> vector<2000x128xf32>
    %get3A_17 = arith.constant 128 : index
    %get3A_18 = arith.constant 0 : index
    %get3A_19 = vector.load %arg4[%get3A_17, %get3A_18] : memref<208x128xf32, #tpu.memory_space<vmem>>, vector<64x128xf32>
    %dot_general3A_20 = arith.constant dense<0.000000e+00> : vector<2000x128xf32>
    %dot_general3A_21 = tpu.matmul %get3A_4, %get3A_19, %dot_general3A_20 {dimension_numbers = #tpu.dot_dimension_numbers<[1], [0], [0], [1], [0, 0, 1, 1], [], []>, precision = #tpu.contract_precision<fp32>, transpose_lhs_hint = false} : vector<2000x64xf32>, vector<64x128xf32>, vector<2000x128xf32> -> vector<2000x128xf32>
    %add3A = arith.addf %dot_general3A_16, %dot_general3A_21 : vector<2000x128xf32>
    %add3A_22 = vector.broadcast %dot_general3A_11 : vector<1x128xf32> to vector<2000x128xf32>
    %add3A_23 = arith.addf %add3A, %add3A_22 : vector<2000x128xf32>
    %get3A_24 = arith.constant 0 : index
    %get3A_25 = arith.constant 0 : index
    %get3A_26 = vector.load %arg5[%get3A_24, %get3A_25] : memref<1x128xf32, #tpu.memory_space<vmem>>, vector<1x128xf32>
    %add3A_27 = vector.broadcast %get3A_26 : vector<1x128xf32> to vector<2000x128xf32>
    %add3A_28 = arith.addf %add3A_23, %add3A_27 : vector<2000x128xf32>
    %max3A = arith.constant 0.000000e+00 : f32
    %max3A_29 = vector.broadcast %max3A : f32 to vector<2000x128xf32>
    %max3A_30 = arith.maximumf %add3A_28, %max3A_29 : vector<2000x128xf32>
    %get3A_31 = arith.constant 0 : index
    %get3A_32 = arith.constant 0 : index
    %get3A_33 = vector.load %arg6[%get3A_31, %get3A_32] : memref<1x128xf32, #tpu.memory_space<vmem>>, vector<1x128xf32>
    %get3A_34 = arith.constant 0 : index
    %get3A_35 = arith.constant 0 : index
    %get3A_36 = vector.load %arg7[%get3A_34, %get3A_35] : memref<1x128xf32, #tpu.memory_space<vmem>>, vector<1x128xf32>
    %reduce_sum3A = arith.constant dense<0.000000e+00> : vector<2000xf32>
    %reduce_sum3A_37 = vector.multi_reduction <add>, %max3A_30, %reduce_sum3A [1] : vector<2000x128xf32> to vector<2000xf32>
    %broadcast_in_dim3A = vector.shape_cast %reduce_sum3A_37 : vector<2000xf32> to vector<2000x1xf32>
    %div3A = arith.constant 1.280000e+02 : f32
    %div3A_38 = vector.broadcast %div3A : f32 to vector<2000x1xf32>
    %div3A_39 = arith.divf %broadcast_in_dim3A, %div3A_38 : vector<2000x1xf32>
    %sub3A = vector.broadcast %div3A_39 : vector<2000x1xf32> to vector<2000x128xf32>
    %sub3A_40 = arith.subf %max3A_30, %sub3A : vector<2000x128xf32>
    %sub3A_41 = vector.broadcast %div3A_39 : vector<2000x1xf32> to vector<2000x128xf32>
    %sub3A_42 = arith.subf %max3A_30, %sub3A_41 : vector<2000x128xf32>
    %mul3A = arith.mulf %sub3A_40, %sub3A_42 : vector<2000x128xf32>
    %reduce_sum3A_43 = arith.constant dense<0.000000e+00> : vector<2000xf32>
    %reduce_sum3A_44 = vector.multi_reduction <add>, %mul3A, %reduce_sum3A_43 [1] : vector<2000x128xf32> to vector<2000xf32>
    %broadcast_in_dim3A_45 = vector.shape_cast %reduce_sum3A_44 : vector<2000xf32> to vector<2000x1xf32>
    %div3A_46 = arith.constant 1.280000e+02 : f32
    %div3A_47 = vector.broadcast %div3A_46 : f32 to vector<2000x1xf32>
    %div3A_48 = arith.divf %broadcast_in_dim3A_45, %div3A_47 : vector<2000x1xf32>
    %sub3A_49 = vector.broadcast %div3A_39 : vector<2000x1xf32> to vector<2000x128xf32>
    %sub3A_50 = arith.subf %max3A_30, %sub3A_49 : vector<2000x128xf32>
    %add3A_51 = arith.constant 9.99999974E-6 : f32
    %add3A_52 = vector.broadcast %add3A_51 : f32 to vector<2000x1xf32>
    %add3A_53 = arith.addf %div3A_48, %add3A_52 : vector<2000x1xf32>
    %rsqrt3A = math.rsqrt %add3A_53 : vector<2000x1xf32>
    %mul3A_54 = vector.broadcast %rsqrt3A : vector<2000x1xf32> to vector<2000x128xf32>
    %mul3A_55 = arith.mulf %sub3A_50, %mul3A_54 : vector<2000x128xf32>
    %mul3A_56 = vector.broadcast %get3A_33 : vector<1x128xf32> to vector<2000x128xf32>
    %mul3A_57 = arith.mulf %mul3A_55, %mul3A_56 : vector<2000x128xf32>
    %add3A_58 = vector.broadcast %get3A_36 : vector<1x128xf32> to vector<2000x128xf32>
    %add3A_59 = arith.addf %mul3A_57, %add3A_58 : vector<2000x128xf32>
    %swap3A = arith.constant 0 : index
    %swap3A_60 = arith.constant 0 : index
    %swap3A_61 = vector.load %arg12[%swap3A, %swap3A_60] : memref<2000x128xf32, #tpu.memory_space<vmem>>, vector<2000x128xf32>
    tpu.vector_store %arg12[%swap3A, %swap3A_60], %add3A_59 {strides = array<i32>} : memref<2000x128xf32, #tpu.memory_space<vmem>>, vector<2000x128xf32>,
    %get3A_62 = arith.constant 0 : index
    %get3A_63 = arith.constant 0 : index
    %get3A_64 = vector.load %arg8[%get3A_62, %get3A_63] : memref<64x64xf32, #tpu.memory_space<vmem>>, vector<64x64xf32>
    %dot_general3A_65 = arith.constant dense<0.000000e+00> : vector<2000x64xf32>
    %dot_general3A_66 = tpu.matmul %get3A_4, %get3A_64, %dot_general3A_65 {dimension_numbers = #tpu.dot_dimension_numbers<[1], [0], [0], [1], [0, 0, 1, 1], [], []>, precision = #tpu.contract_precision<fp32>, transpose_lhs_hint = false} : vector<2000x64xf32>, vector<64x64xf32>, vector<2000x64xf32> -> vector<2000x64xf32>
    %get3A_67 = arith.constant 0 : index
    %get3A_68 = arith.constant 0 : index
    %get3A_69 = vector.load %arg9[%get3A_67, %get3A_68] : memref<1x64xf32, #tpu.memory_space<vmem>>, vector<1x64xf32>
    %add3A_70 = vector.broadcast %get3A_69 : vector<1x64xf32> to vector<2000x64xf32>
    %add3A_71 = arith.addf %dot_general3A_66, %add3A_70 : vector<2000x64xf32>
    %max3A_72 = arith.constant 0.000000e+00 : f32
    %max3A_73 = vector.broadcast %max3A_72 : f32 to vector<2000x64xf32>
    %max3A_74 = arith.maximumf %add3A_71, %max3A_73 : vector<2000x64xf32>
    %get3A_75 = arith.constant 0 : index
    %get3A_76 = arith.constant 0 : index
    %get3A_77 = vector.load %arg10[%get3A_75, %get3A_76] : memref<1x64xf32, #tpu.memory_space<vmem>>, vector<1x64xf32>
    %get3A_78 = arith.constant 0 : index
    %get3A_79 = arith.constant 0 : index
    %get3A_80 = vector.load %arg11[%get3A_78, %get3A_79] : memref<1x64xf32, #tpu.memory_space<vmem>>, vector<1x64xf32>
    %reduce_sum3A_81 = arith.constant dense<0.000000e+00> : vector<2000xf32>
    %reduce_sum3A_82 = vector.multi_reduction <add>, %max3A_74, %reduce_sum3A_81 [1] : vector<2000x64xf32> to vector<2000xf32>
    %broadcast_in_dim3A_83 = vector.shape_cast %reduce_sum3A_82 : vector<2000xf32> to vector<2000x1xf32>
    %div3A_84 = arith.constant 6.400000e+01 : f32
    %div3A_85 = vector.broadcast %div3A_84 : f32 to vector<2000x1xf32>
    %div3A_86 = arith.divf %broadcast_in_dim3A_83, %div3A_85 : vector<2000x1xf32>
    %sub3A_87 = vector.broadcast %div3A_86 : vector<2000x1xf32> to vector<2000x64xf32>
    %sub3A_88 = arith.subf %max3A_74, %sub3A_87 : vector<2000x64xf32>
    %sub3A_89 = vector.broadcast %div3A_86 : vector<2000x1xf32> to vector<2000x64xf32>
    %sub3A_90 = arith.subf %max3A_74, %sub3A_89 : vector<2000x64xf32>
    %mul3A_91 = arith.mulf %sub3A_88, %sub3A_90 : vector<2000x64xf32>
    %reduce_sum3A_92 = arith.constant dense<0.000000e+00> : vector<2000xf32>
    %reduce_sum3A_93 = vector.multi_reduction <add>, %mul3A_91, %reduce_sum3A_92 [1] : vector<2000x64xf32> to vector<2000xf32>
    %broadcast_in_dim3A_94 = vector.shape_cast %reduce_sum3A_93 : vector<2000xf32> to vector<2000x1xf32>
    %div3A_95 = arith.constant 6.400000e+01 : f32
    %div3A_96 = vector.broadcast %div3A_95 : f32 to vector<2000x1xf32>
    %div3A_97 = arith.divf %broadcast_in_dim3A_94, %div3A_96 : vector<2000x1xf32>
    %sub3A_98 = vector.broadcast %div3A_86 : vector<2000x1xf32> to vector<2000x64xf32>
    %sub3A_99 = arith.subf %max3A_74, %sub3A_98 : vector<2000x64xf32>
    %add3A_100 = arith.constant 9.99999974E-6 : f32
    %add3A_101 = vector.broadcast %add3A_100 : f32 to vector<2000x1xf32>
    %add3A_102 = arith.addf %div3A_97, %add3A_101 : vector<2000x1xf32>
    %rsqrt3A_103 = math.rsqrt %add3A_102 : vector<2000x1xf32>
    %mul3A_104 = vector.broadcast %rsqrt3A_103 : vector<2000x1xf32> to vector<2000x64xf32>
    %mul3A_105 = arith.mulf %sub3A_99, %mul3A_104 : vector<2000x64xf32>
    %mul3A_106 = vector.broadcast %get3A_77 : vector<1x64xf32> to vector<2000x64xf32>
    %mul3A_107 = arith.mulf %mul3A_105, %mul3A_106 : vector<2000x64xf32>
    %add3A_108 = vector.broadcast %get3A_80 : vector<1x64xf32> to vector<2000x64xf32>
    %add3A_109 = arith.addf %mul3A_107, %add3A_108 : vector<2000x64xf32>
    %swap3A_110 = arith.constant 0 : index
    %swap3A_111 = arith.constant 0 : index
    %swap3A_112 = vector.load %arg13[%swap3A_110, %swap3A_111] : memref<2000x64xf32, #tpu.memory_space<vmem>>, vector<2000x64xf32>
    tpu.vector_store %arg13[%swap3A_110, %swap3A_111], %add3A_109 {strides = array<i32>} : memref<2000x64xf32, #tpu.memory_space<vmem>>, vector<2000x64xf32>,
    return
  }
  func.func @transform_0(%arg0: i32) -> (i32, i32) {
    %c0_i32 = arith.constant 0 : i32
    %c0_i32_0 = arith.constant 0 : i32
    return %arg0, %c0_i32 : i32, i32
  }
  func.func @transform_1(%arg0: i32) -> (i32, i32) {
    %c0_i32 = arith.constant 0 : i32
    %c0_i32_0 = arith.constant 0 : i32
    return %arg0, %c0_i32 : i32, i32
  }
  func.func @transform_2(%arg0: i32) -> (i32, i32) {
    %c0_i32 = arith.constant 0 : i32
    %c0_i32_0 = arith.constant 0 : i32
    %c0_i32_1 = arith.constant 0 : i32
    return %c0_i32, %c0_i32_0 : i32, i32
  }
  func.func @transform_3(%arg0: i32) -> (i32, i32) {
    %c0_i32 = arith.constant 0 : i32
    %c0_i32_0 = arith.constant 0 : i32
    %c0_i32_1 = arith.constant 0 : i32
    return %c0_i32, %c0_i32_0 : i32, i32
  }
  func.func @transform_4(%arg0: i32) -> (i32, i32) {
    %c0_i32 = arith.constant 0 : i32
    %c0_i32_0 = arith.constant 0 : i32
    %c0_i32_1 = arith.constant 0 : i32
    return %c0_i32, %c0_i32_0 : i32, i32
  }
  func.func @transform_5(%arg0: i32) -> (i32, i32) {
    %c0_i32 = arith.constant 0 : i32
    %c0_i32_0 = arith.constant 0 : i32
    %c0_i32_1 = arith.constant 0 : i32
    return %c0_i32, %c0_i32_0 : i32, i32
  }
  func.func @transform_6(%arg0: i32) -> (i32, i32) {
    %c0_i32 = arith.constant 0 : i32
    %c0_i32_0 = arith.constant 0 : i32
    %c0_i32_1 = arith.constant 0 : i32
    return %c0_i32, %c0_i32_0 : i32, i32
  }
  func.func @transform_7(%arg0: i32) -> (i32, i32) {
    %c0_i32 = arith.constant 0 : i32
    %c0_i32_0 = arith.constant 0 : i32
    %c0_i32_1 = arith.constant 0 : i32
    return %c0_i32, %c0_i32_0 : i32, i32
  }
  func.func @transform_8(%arg0: i32) -> (i32, i32) {
    %c0_i32 = arith.constant 0 : i32
    %c0_i32_0 = arith.constant 0 : i32
    %c0_i32_1 = arith.constant 0 : i32
    return %c0_i32, %c0_i32_0 : i32, i32
  }
  func.func @transform_9(%arg0: i32) -> (i32, i32) {
    %c0_i32 = arith.constant 0 : i32
    %c0_i32_0 = arith.constant 0 : i32
    %c0_i32_1 = arith.constant 0 : i32
    return %c0_i32, %c0_i32_0 : i32, i32
  }
  func.func @transform_10(%arg0: i32) -> (i32, i32) {
    %c0_i32 = arith.constant 0 : i32
    %c0_i32_0 = arith.constant 0 : i32
    %c0_i32_1 = arith.constant 0 : i32
    return %c0_i32, %c0_i32_0 : i32, i32
  }
  func.func @transform_11(%arg0: i32) -> (i32, i32) {
    %c0_i32 = arith.constant 0 : i32
    %c0_i32_0 = arith.constant 0 : i32
    return %arg0, %c0_i32 : i32, i32
  }
  func.func @transform_12(%arg0: i32) -> (i32, i32) {
    %c0_i32 = arith.constant 0 : i32
    %c0_i32_0 = arith.constant 0 : i32
    return %arg0, %c0_i32 : i32, i32
  }
}

</mosaic_0001>

<sc_bundles>
// kernel: kernel.4.cloned.1.call-start
scs
__scs_entry_jumppad:
0x0: {  	(pc) =	sbr.rel $0x88, $3  }
0x1: {  	(tag) =	ssettag $0x0;
	lr =	simm.s32 $0x1  }
0x2: {  	[smem:$0x3F95] =	sst lr;
	_ =	strace $0xD0000000  }
0x3: {  	_ = 	snop  }
0x4: {  	_ = 	snop  }
0x5: {  	_ = 	snop  }
0x6: {  	_ = 	snop  }
0x7: {  	_ = 	snop  }
__scs_overlays_trampoline_lowered:
0x8: {  	[smem:$0x3FA4] =	sst s0  }
0x9: {  	[smem:$0x3FA5] =	sst s1  }
0xa: {  	[smem:$0x3FA6] =	sst s2  }
0xb: {  	[smem:$0x3FA7] =	sst s3  }
0xc: {  	[smem:$0x3FA8] =	sst s4  }
0xd: {  	[smem:$0x3FA9] =	sst s5  }
0xe: {  	[smem:$0x3FAA] =	sst s6  }
0xf: {  	[smem:$0x3FAB] =	sst s7  }
0x10: {  	[smem:$0x3FAC] =	sst s8  }
0x11: {  	[smem:$0x3FAD] =	sst s9;
	s0 =	simm.s32 @!p0 $0x0  }
0x12: {  	s1 =	sld [smem:$0x3F93];
	s0 =	simm.s32 @p0 $0x1  }
0x13: {  	[smem:$0x3FAE] =	sst s0;
	s0 =	simm.s32 @!p1 $0x0  }
0x14: {  	s2 =	sld [smem:$0x3F92];
	s0 =	simm.s32 @p1 $0x1  }
0x15: {  	[smem:$0x3FAF] =	sst s0;
	s0 =	simm.s32 @!p2 $0x0  }
0x16: {  	s3 =	sld [smem:$0x3FDB];
	s0 =	simm.s32 @p2 $0x1  }
0x17: {  	s4 =	simm.s32 $0x1BF5;
	[smem:$0x3FB1] =	sst s0  }
0x18: {  	s0 =	sld [smem:$0x3F94];
	_ =	swait.ge [sflag:s4], $0x0  }
0x19: {  	s7 =	sld [smem:$0x3F95]  }
0x1a: {  	s8 =	sadd.s32 $0xFFFFE003, lr  }
0x1b: {  	s9 =	sadd.s32 $0xFFFFFEF7, lr;
	s5 =	simm.s32 $0xFFFFFFFF;
	p2 =	slt.u32 s8, $0xFFFFF086  }
0x1c: {  	p1 =	slt.u32 s9, $0xF7A;
	s5 =	simm.s32 @!p2 $0x0  }
0x1d: {  	s5 =	simm.s32 @p1 $0x1;
	p0 =	seq.s32 s7, s2  }
0x1e: {  	s7 =	smul.u32 @!p0 $0xF7A, s2;
	p2 =	seq.s32 @!p0 s5, $0x0  }
0x1f: {  	s9 =	smul.u32 $0xF7A, s1;
	s8 =	simm.s32 @!p0 $0x1BF5;
	p2 =	por !p2, p0  }
0x20: {  	[sflag:s8] =	ssyncset.s32 @!p0 $0xFFFFF086;
	s6 =	sadd.s32 @!p0 s3, s7;
	s7 =	simm.s32 @!p0 $0x108  }
0x21: {  	s3 =	sadd.s32 s3, s9;
	s6 =	sadd.s32 @!p0 $0x88, s6;
	s7 =	simm.s32 @p2 $0x1082  }
0x22: {  	[simem:s7], [sflag:s8] =	dma.local @!p0 [hbm:s6], $0xF7A  }
0x23: {  	s9 =	sor.u32 $0xD0000000, s2;
	s6 =	simm.s32 $0x108;
	_ =	swait.ge @!p0 [sflag:s8], $0x0  }
0x24: {  	s3 =	sadd.s32 $0x88, s3;
	s6 =	simm.s32 @!p1 $0x1082;
	[sflag:s4] =	ssyncset.s32 $0xFFFFF086  }
0x25: {  	[simem:s6], [sflag:s4] =	dma.local [hbm:s3], $0xF7A  }
0x26: {  	[smem:$0x3F95] =	sst s1;
	(tag) =	ssettag s2;
	_ =	strace s9  }
0x27: {  	s1 =	sld [smem:$0x3FA5]  }
0x28: {  	s2 =	sld [smem:$0x3FA6]  }
0x29: {  	s4 =	sld [smem:$0x3FA8]  }
0x2a: {  	p0 =	seq.s32 s5, $0x0;
	s5 =	sld [smem:$0x3FA9]  }
0x2b: {  	s6 =	sld [smem:$0x3FAA]  }
0x2c: {  	s7 =	sld [smem:$0x3FAB]  }
0x2d: {  	s3 =	simm.s32 $0x108;
	s8 =	sld [smem:$0x3FAC]  }
0x2e: {  	s3 =	simm.s32 @!p0 $0x1082;
	s9 =	sld [smem:$0x3FAD]  }
0x2f: {  	lr =	sadd.s32 s0, s3;
	s0 =	sld [smem:$0x3FA4]  }
0x30: {  	s3 =	sld [smem:$0x3FA7]  }
0x31: {  	[smem:$0x3FB0] =	sst s10  }
0x32: {  	s10 =	sld [smem:$0x3FAE];
	_ =	sdelay $0x3  }
0x33: {  	p0 =	seq.s32 s10, $0x1;
	s10 =	sld [smem:$0x3FB0];
	_ =	sdelay $0x3  }
0x34: {  	[smem:$0x3FB0] =	sst s10  }
0x35: {  	s10 =	sld [smem:$0x3FAF];
	_ =	sdelay $0x3  }
0x36: {  	p1 =	seq.s32 s10, $0x1;
	s10 =	sld [smem:$0x3FB0];
	_ =	sdelay $0x3  }
0x37: {  	[smem:$0x3FB0] =	sst s10  }
0x38: {  	s10 =	sld [smem:$0x3FB1]  }
0x39: {  	_ = 	snop;
	(pc) =	sbr.ind lr, $3  }
0x3a: {  	_ = 	snop  }
0x3b: {  	_ = 	snop  }
0x3c: {  	p2 =	seq.s32 s10, $0x1;
	s10 =	sld [smem:$0x3FB0]  }
0x3d: {  	_ =	shalt  }
0x3e: {  	_ =	shalt  }
0x3f: {  	_ =	shalt  }
0x40: {  	_ =	shalt  }
0x41: {  	_ =	shalt  }
0x42: {  	_ =	shalt  }
0x43: {  	_ =	shalt  }
0x44: {  	_ =	shalt  }
0x45: {  	_ =	shalt  }
0x46: {  	_ =	shalt  }
0x47: {  	_ =	shalt  }
0x48: {  	_ =	shalt  }
0x49: {  	_ =	shalt  }
0x4a: {  	_ =	shalt  }
0x4b: {  	_ =	shalt  }
0x4c: {  	_ =	shalt  }
0x4d: {  	_ =	shalt  }
0x4e: {  	_ =	shalt  }
0x4f: {  	_ =	shalt  }
0x50: {  	_ =	shalt  }
0x51: {  	_ =	shalt  }
0x52: {  	_ =	shalt  }
0x53: {  	_ =	shalt  }
0x54: {  	_ =	shalt  }
0x55: {  	_ =	shalt  }
0x56: {  	_ =	shalt  }
0x57: {  	_ =	shalt  }
0x58: {  	_ =	shalt  }
0x59: {  	_ =	shalt  }
0x5a: {  	_ =	shalt  }
0x5b: {  	_ =	shalt  }
0x5c: {  	_ =	shalt  }
0x5d: {  	_ =	shalt  }
0x5e: {  	_ =	shalt  }
0x5f: {  	_ =	shalt  }
0x60: {  	_ =	shalt  }
0x61: {  	_ =	shalt  }
0x62: {  	_ =	shalt  }
0x63: {  	_ =	shalt  }
0x64: {  	_ =	shalt  }
0x65: {  	_ =	shalt  }
0x66: {  	_ =	shalt  }
0x67: {  	_ =	shalt  }
0x68: {  	_ =	shalt  }
0x69: {  	_ =	shalt  }
0x6a: {  	_ =	shalt  }
0x6b: {  	_ =	shalt  }
0x6c: {  	_ =	shalt  }
0x6d: {  	_ =	shalt  }
0x6e: {  	_ =	shalt  }
0x6f: {  	_ =	shalt  }
0x70: {  	_ =	shalt  }
0x71: {  	_ =	shalt  }
0x72: {  	_ =	shalt  }
0x73: {  	_ =	shalt  }
0x74: {  	_ =	shalt  }
0x75: {  	_ =	shalt  }
0x76: {  	_ =	shalt  }
0x77: {  	_ =	shalt  }
0x78: {  	_ =	shalt  }
0x79: {  	_ =	shalt  }
0x7a: {  	_ =	shalt  }
0x7b: {  	_ =	shalt  }
0x7c: {  	_ =	shalt  }
0x7d: {  	_ =	shalt  }
0x7e: {  	_ =	shalt  }
0x7f: {  	_ =	shalt  }
0x80: {  	_ =	shalt  }
0x81: {  	_ =	shalt  }
0x82: {  	_ =	shalt  }
0x83: {  	_ =	shalt  }
0x84: {  	_ =	shalt  }
0x85: {  	_ =	shalt  }
0x86: {  	_ =	shalt  }
0x87: {  	_ =	shalt  }
.Lfunc_end0:
.L_simem_size_0:
called_computation_lowered:
.L_overlay_start_0:
0x88: {  	s2 =	sld [smem:$0x3FD9]  }
0x89: {  	s3 =	sld [smem:$0x3FFE];
	_ =	sdelay $0x1  }
0x8a: {  	s1 =	srdreg.scid  }
0x8b: {  	s0 =	sand.u32 $0x1, s1  }
0x8c: {  	s14 =	sshll.u32 s0, $0xA;
	s2 =	sadd.s32 s3, s2  }
0x8d: {  	s2 =	sadd.s32 s2, s14  }
0x8e: {  	[smem:$0x3FBC] =	sst s2  }
0x8f: {  	_ = 	snop  }
0x90: {  	s2 =	sld [smem:$0x3FD0];
	_ =	sdelay $0x2  }
0x91: {  	s4 =	simm.s32 $0xA;
	s5 =	simm.s32 $0x10;
	s15 =	sld [smem:$0x3FC8]  }
0x92: {  	[smem:s5], [sflag:s4] =	dma.local [hbm:s2], $0x1  }
0x93: {  	_ =	swait.eq [sflag:s4], $0x1  }
0x94: {  	[sflag:s4] =	ssyncset.done $0x0  }
0x95: {  	s16 =	sld [smem:$0x10];
	[sflag:s4] =	ssyncadd.s32 $0xFFFFFFFF  }
0x96: {  	s17 =	sld [smem:$0x11];
	(tm) =	ssettm $0x1  }
0x97: {  	s18 =	sld [smem:$0x3FFB];
	_ =	sdelay $0x3  }
0x98: {  	_ =	strace s18  }
0x99: {  	s5 =	sld [smem:$0x3FFC];
	_ =	sdelay $0x3  }
0x9a: {  	_ =	strace s5  }
0x9b: {  	s5 =	sld [smem:$0x3FFD];
	_ =	sdelay $0x3  }
0x9c: {  	_ =	strace s5  }
0x9d: {  	_ =	strace $0x8FFFFFFF  }
0x9e: {  	s19 =	sld [smem:$0x3FDB];
	_ =	sdelay $0x1  }
0x9f: {  	s6 =	simm.s32 $_scs_section_size  }
0xa0: {  	s7 =	simm.s32 $_size__tile_overlayer_lowered;
	s8 =	simm.s32 $_tile_overlayer_lowered  }
0xa1: {  	s22 =	simm.s32 $0x1BFF;
	s21 =	sshll.u32 s8, $0x1;
	s5 =	sadd.s32 s6, s19  }
0xa2: {  	s9 =	simm.s32 $0x0;
	s20 =	sshll.u32 s7, $0x1;
	s7 =	sadd.s32 s21, s5  }
0xa3: {  	[timem:s9], [sflag:s22] =	dma.local [hbm:s7], s20  }
0xa4: {  	_ =	swait.ge [sflag:s22], s20  }
0xa5: {  	s6 =	ssub.s32 $0x0, s20;
	[sflag:s22] =	ssyncset.done $0x0  }
0xa6: {  	[sflag:s22] =	ssyncadd.s32 s6;
	_ =	sdelay $0x1  }
0xa7: {  	s23 =	simm.s32 $0x1B8B  }
0xa8: {  	_ =	swait.ge [sflag:s23], $0x1  }
0xa9: {  	[sflag:s23] =	ssyncset.done $0x0  }
0xaa: {  	s25 =	simm.s32 $0x1B8E;
	s24 =	sld [smem:$0x3FFE];
	[sflag:s23] =	ssyncadd.s32 $0xFFFFFFFF  }
0xab: {  	s26 =	simm.s32 $execute0_lowered;
	[smem:$0x3FD2] =	sst s25  }
0xac: {  	s7 =	sshll.u32 s26, $0x1;
	_ =	strace $0x80000046;
	[dreg:$0x1] =	wrdreg $0xFFFFFFFF  }
0xad: {  	s28 =	simm.s32 $_size_execute0_lowered;
	s5 =	sadd.s32 s5, s7;
	[dreg:$0x0] =	wrdreg $0x0  }
0xae: {  	s7 =	sshll.u32 s28, $0x1;
	[dreg:$0x2] =	wrdreg s5  }
0xaf: {  	[dreg:$0x3] =	wrdreg s7  }
0xb0: {  	[dreg:$0x4] =	wrdreg $0xC0  }
0xb1: {  	_ =	task [dreg:s9], $0x5FFFF  }
0xb2: {  	[dreg:$0x1] =	wrdreg $0xFFFFFFFF  }
0xb3: {  	[dreg:$0x0] =	wrdreg $0x60  }
0xb4: {  	[dreg:$0x2] =	wrdreg s24  }
0xb5: {  	[dreg:$0x3] =	wrdreg s17  }
0xb6: {  	[dreg:$0x4] =	wrdreg s15  }
0xb7: {  	[dreg:$0x5] =	wrdreg s16  }
0xb8: {  	[dreg:$0x6] =	wrdreg $0xB4000  }
0xb9: {  	[dreg:$0x7] =	wrdreg $0x9  }
0xba: {  	_ =	task.clear_ibuf [dreg:s9], $0x8FFFF;
	_ =	strace $0x90000046  }
0xbb: {  	s29 =	simm.s32 $0x9;
	_ =	strace $0x80000048  }
0xbc: {  	_ =	swait.ge [sflag:s29], $0x1  }
0xbd: {  	[sflag:s29] =	ssyncadd.s32 $0xFFFFFFFF  }
0xbe: {  	_ =	strace $0x90000048  }
0xbf: {  	_ =	sfence  }
0xc0: {  	s30 =	sld [smem:$0x0];
	_ =	sdelay $0x2  }
0xc1: {  	s31 =	sshll.u32 s1, $0xD;
	s1 =	sshrl.u32 s1, $0x2  }
0xc2: {  	s3 =	sand.u32 $0x4000, s31;
	s1 =	sadd.s32 s1, s30  }
0xc3: {  	s0 =	sor.u32 s3, s0;
	s1 =	sshll.u32 s1, $0x11  }
0xc4: {  	s0 =	sor.u32 s1, s0  }
0xc5: {  	s0 =	sadd.s32 $0x8F2B, s0  }
0xc6: {  	[sflag:s0] =	ssyncadd.remote.s32 $0x1  }
0xc7: {  	_ =	sfence.sel $0xFFFF  }
0xc8: {  	[dreg:$0x0] =	wrdreg $0xFFFFFFFF;
	(pc) =	sbr.abs _section_cstart, $3  }
0xc9: {  	[dreg:$0x1] =	wrdreg $0xFFFFFFFF  }
0xca: {  	_ =	task.clear_ibuf [dreg:s9], $0x2FFFF;
	_ =	strace $0x9FFFFFFF  }
0xcb: {  	(tm) =	ssettm $0x7FFFFFFF  }
tec
execute0_lowered:
.L_overlay_start_1:
0x0: {  	(tag) =	ssettag $0x1  }
0x1: {  	s0 =	rddreg [dreg:$0x0]  }
0x2: {  	s4 =	rddreg [dreg:$0x1]  }
0x3: {  	s1 =	rddreg [dreg:$0x2]  }
0x4: {  	s2 =	rddreg [dreg:$0x3]  }
0x5: {  	s3 =	rddreg [dreg:$0x4];
	s5 =	simm.s32 $0x0;
	s6 =	srdreg.scid  }
0x6: {  	s10 =	stileid.u32;
	[smem:$0x7FF] =	sst s5;
	s6 =	sand.u32 $0x1, s6  }
0x7: {  	s7 =	smul.u32 $0x4E20, s10;
	s8 =	sadd.s32 $0x1A00, s0;
	s9 =	sadd.s32 $0xB800, s0  }
0x8: {  	s0 =	sadd.s32 $0x33800, s0;
	_ =	strace $0x80000047;
	[dreg:$0x6] =	wrdreg s9  }
0x9: {  	s26 =	ssub.s32 $0x2, s6;
	[dreg:$0x7] =	wrdreg s0;
	s7 =	sshrl.u32 s7, $0x3  }
0xa: {  	p0 =	seq.s32 s6, $0x1;
	s11 =	sshrl.u32 s26, $0x1;
	s12 =	sadd.s32 s8, s7  }
0xb: {  	s13 =	sadd.s32 s4, s7;
	s14 =	sadd.s32 $0xA, s7;
	[dreg:$0x8] =	wrdreg s12  }
0xc: {  	s0 =	ssub.s32 s26, s11;
	[dreg:$0x9] =	wrdreg s13;
	s11 =	sadd.s32 s8, s14  }
0xd: {  	s16 =	sadd.s32 $0x14, s7;
	s6 =	sadd.s32 s4, s14;
	[dreg:$0xa] =	wrdreg s11  }
0xe: {  	s7 =	sadd.s32 $0x1E, s7;
	s17 =	sadd.s32 s8, s16;
	[dreg:$0xb] =	wrdreg s6  }
0xf: {  	s18 =	sadd.s32 s8, s7;
	[dreg:$0xc] =	wrdreg s17  }
0x10: {  	s15 =	smul.u32 $0x50000, s10;
	s19 =	sadd.s32 s4, s7;
	[dreg:$0xe] =	wrdreg s18  }
0x11: {  	s0 =	smax.u32 s0, $0x1;
	[dreg:$0x10] =	wrdreg s19  }
0x12: {  	s9 =	sshrl.u32 s15, $0x2;
	s6 =	sadd.s32 s4, s16;
	[dreg:$0x17] =	wrdreg s0  }
0x13: {  	s11 =	sadd.s32 s9, s3;
	[dreg:$0xd] =	wrdreg s6  }
0x14: {  	s20 =	sadd.s32 $0x1000, s11;
	[dreg:$0xf] =	wrdreg s11  }
0x15: {  	s23 =	sadd.s32 $0x2000, s11;
	[dreg:$0x11] =	wrdreg s20  }
0x16: {  	s28 =	simm.s32 $0x2C00;
	s24 =	sadd.s32 $0x3000, s11;
	[dreg:$0x12] =	wrdreg s23  }
0x17: {  	s29 =	simm.s32 $0x3;
	s25 =	sadd.s32 $0x4000, s11;
	[dreg:$0x13] =	wrdreg s24  }
0x18: {  	s30 =	simm.s32 $0x5400;
	s26 =	sadd.s32 $0x5000, s11;
	[dreg:$0x14] =	wrdreg s25  }
0x19: {  	s21 =	smul.u32 $0x9C4, s10;
	s9 =	sadd.s32 $0x7000, s11;
	[dreg:$0x15] =	wrdreg s26  }
0x1a: {  	s31 =	simm.s32 $0x0;
	s12 =	sadd.s32 $0x8000, s11;
	[dreg:$0x18] =	wrdreg s9  }
0x1b: {  	s22 =	sadd.s32 s21, s4;
	s13 =	sadd.s32 $0x9000, s11;
	[dreg:$0x19] =	wrdreg s12  }
0x1c: {  	s7 =	simm.s32 $0x4;
	s14 =	sadd.s32 $0xA000, s11;
	[dreg:$0x1a] =	wrdreg s13  }
0x1d: {  	s0 =	simm.s32 $0x9;
	s15 =	sadd.s32 $0xB000, s11;
	[dreg:$0x1b] =	wrdreg s14  }
0x1e: {  	s4 =	simm.s32 $0x7C00;
	s16 =	sadd.s32 $0xC000, s11;
	[dreg:$0x1c] =	wrdreg s15  }
0x1f: {  	s17 =	sadd.s32 $0xD000, s11;
	s18 =	sadd.s32 $0xE000, s11;
	[dreg:$0x1d] =	wrdreg s16  }
0x20: {  	s19 =	sadd.s32 $0xF000, s11;
	s6 =	simm.s32 $0x5;
	[dreg:$0x1e] =	wrdreg s17  }
0x21: {  	s23 =	sadd.s32 s21, s8;
	s8 =	sadd.s32 $0x6000, s11;
	[dreg:$0x1f] =	wrdreg s18  }
0x22: {  	[smem:$0x7F8] =	sst s19;
	s20 =	sadd.s32 $0x10000, s11;
	s21 =	sadd.s32 $0x11000, s11  }
0x23: {  	s24 =	sadd.s32 $0x12000, s11;
	s25 =	sadd.s32 $0x13000, s11;
	s26 =	smul.u32 $0x2800, s10  }
0x24: {  	s13 =	simm.s32 $0x200;
	s14 =	simm.s32 $0x80;
	[dreg:$0x16] =	wrdreg s8  }
0x25: {  	s16 =	simm.s32 $0x280;
	s17 =	simm.s32 $0x100;
	[smem:$0x7F9] =	sst s20  }
.Ltmp0:
0x26: {  	s18 =	simm.s32 $0x300;
	[smem:$0x7FA] =	sst s21;
	(pc) =	sbr.rel .LBB2_1-.Ltmp0, $4  }
0x27: {  	s19 =	simm.s32 $0x180;
	s9 =	simm.s32 $0x7;
	[smem:$0x7FB] =	sst s24  }
0x28: {  	s10 =	simm.s32 $0x8;
	[smem:$0x7FC] =	sst s25;
	s20 =	simm.s32 $0x380  }
0x29: {  	s21 =	simm.s32 $0x1;
	s24 =	simm.s32 $0x50;
	s25 =	simm.s32 $0x400  }
0x2a: {  	v0 =	vimm.f32 $0.0e+00;
	s8 =	simm.s32 $0x6;
	[smem:$0x7FD] =	sst s26;
	s26 =	simm.s32 $0x2  }
.LBB2_10:
0x2b: {  	s11 =	rddreg [dreg:$0x7]  }
0x2c: {  	s31 =	sld [smem:$0x7F7]  }
.LBB2_11:
0x2d: {  	_ =	swait.ge [sflag:s10], $0x2800  }
0x2e: {  	[sflag:s10] =	ssyncset.done $0x0  }
0x2f: {  	[sflag:s10] =	ssyncadd.s32 $0xFFFFD800  }
0x30: {  	[spmem:s3] =	stream.indirect.scatter.add.f32 [tilespmem:s4], [sflag:$0x9], $0x80, s20, s24, $0xb8;
	[tilespmem:$0x1F400] =	vst v63  }
0x31: {  	_ =	swait.ge [sflag:s0], $0x2800  }
0x32: {  	[sflag:s0] =	ssyncset.done $0x0  }
0x33: {  	[sflag:s0] =	ssyncadd.s32 $0xFFFFD800  }
0x34: {  	_ =	swait.ge [sflag:s6], $0x2800  }
0x35: {  	[sflag:s6] =	ssyncset.done $0x0  }
0x36: {  	[sflag:s6] =	ssyncadd.s32 $0xFFFFD800  }
0x37: {  	[spmem:s3] =	stream.indirect.scatter.add.f32 [tilespmem:s25], [sflag:$0x9], $0x80, s13, s24, $0xb8;
	[tilespmem:$0x1F400] =	vst v63  }
0x38: {  	_ =	swait.ge [sflag:s0], $0x2800  }
0x39: {  	[sflag:s0] =	ssyncset.done $0x0  }
0x3a: {  	[sflag:s0] =	ssyncadd.s32 $0xFFFFD800  }
0x3b: {  	_ =	swait.ge [sflag:s8], $0x2800  }
0x3c: {  	[sflag:s8] =	ssyncset.done $0x0  }
0x3d: {  	[sflag:s8] =	ssyncadd.s32 $0xFFFFD800  }
0x3e: {  	[spmem:s3] =	stream.indirect.scatter.add.f32 [tilespmem:s28], [sflag:$0x9], $0x80, s16, s24, $0xb8;
	[tilespmem:$0x1F400] =	vst v63  }
0x3f: {  	_ =	swait.ge [sflag:s0], $0x2800  }
0x40: {  	[sflag:s0] =	ssyncset.done $0x0;
	s12 =	sld [smem:$0x7FD]  }
0x41: {  	[sflag:s0] =	ssyncadd.s32 $0xFFFFD800  }
0x42: {  	s15 =	stileid.u32;
	[bflag:$0x0] =	sbarrier.arrive $0xFFFF  }
0x43: {  	s11 =	sadd.s32 s11, s12;
	s12 =	sshll.u32 s15, $0x6;
	s15 =	rddreg [dreg:$0xf]  }
0x44: {  	s12 =	sor.u32 $0x1C09, s12;
	s15 =	sshrl.u32 s15, $0x3  }
0x45: {  	[hbm:s11], [sflag:s12] =	dma.local [spmem:s15], $0x2800  }
0x46: {  	_ =	swait.ge [sflag:s0], $0x2800  }
0x47: {  	s31 =	sadd.s32 $0x1, s31;
	s15 =	rddreg [dreg:$0x17]  }
0x48: {  	p1 =	sne.s32 s31, s15  }
.Ltmp1:
0x49: {  	_ = 	snop;
	(pc) =	sbr.rel @!p1 .LBB2_12-.Ltmp1, $3  }
0x4a: {  	_ =	sdelay $0x1  }
0x4b: {  	[sflag:s0] =	ssyncset.done $0x0  }
0x4c: {  	[sflag:s0] =	ssyncadd.s32 $0xFFFFD800  }
.LBB2_1:
0x4d: {  	[smem:$0x7F7] =	sst s31;
	s11 =	simm.s32 $0x0;
	s12 =	simm.s32 $0x200  }
.LBB2_2:
0x4e: {  	p1 =	sne.s32 s12, $0x3E00;
	[tilespmem:s11+$0xA470] =	vst v0  }
0x4f: {  	[tilespmem:s11+$0xA400] =	vst v0  }
0x50: {  	[tilespmem:s11+$0xA410] =	vst v0  }
.Ltmp2:
0x51: {  	[tilespmem:s11+$0xA420] =	vst v0;
	(pc) =	sbr.rel @p1 .LBB2_2-.Ltmp2, $4  }
0x52: {  	[tilespmem:s11+$0xA430] =	vst v0  }
0x53: {  	[tilespmem:s11+$0xA440] =	vst v0  }
0x54: {  	[tilespmem:s11+$0xA450] =	vst v0  }
0x55: {  	[tilespmem:s11+$0xA460] =	vst v0;
	s11 =	sshra.s32 s12, $0x2;
	s12 =	sadd.s32 $0x200, s12  }
0x56: {  	[tilespmem:s11+$0xA470] =	vst v0  }
0x57: {  	[tilespmem:s11+$0xA400] =	vst v0  }
0x58: {  	[tilespmem:s11+$0xA410] =	vst v0  }
0x59: {  	[tilespmem:s11+$0xA420] =	vst v0  }
0x5a: {  	[tilespmem:s11+$0xA430] =	vst v0  }
0x5b: {  	[tilespmem:s11+$0xA440] =	vst v0  }
0x5c: {  	[tilespmem:s11+$0xA450] =	vst v0  }
0x5d: {  	[tilespmem:s11+$0xA460] =	vst v0;
	s15 =	rddreg [dreg:$0x8]  }
0x5e: {  	[tilespmem:s5], [sflag:$0x1] =	stream.linear.gather [hbm4b:s15+s5], $0x50, $0x38;
	[tilespmem:$0x1F400] =	vst v63  }
0x5f: {  	s31 =	rddreg [dreg:$0x9]  }
0x60: {  	[tilespmem:s13], [sflag:$0x1] =	stream.linear.gather [hbm4b:s31+s5], $0x50, $0x38;
	[tilespmem:$0x1F400] =	vst v63  }
0x61: {  	s12 =	rddreg [dreg:$0xa]  }
0x62: {  	[tilespmem:s14], [sflag:$0x2] =	stream.linear.gather [hbm4b:s12+s5], $0x50, $0x38;
	[tilespmem:$0x1F400] =	vst v63  }
0x63: {  	s15 =	rddreg [dreg:$0xb]  }
0x64: {  	[tilespmem:s16], [sflag:$0x2] =	stream.linear.gather [hbm4b:s15+s5], $0x50, $0x38;
	[tilespmem:$0x1F400] =	vst v63  }
0x65: {  	s31 =	rddreg [dreg:$0xc]  }
0x66: {  	[tilespmem:s17], [sflag:$0x3] =	stream.linear.gather [hbm4b:s31+s5], $0x50, $0x38;
	[tilespmem:$0x1F400] =	vst v63  }
0x67: {  	s12 =	rddreg [dreg:$0xd]  }
0x68: {  	[tilespmem:s18], [sflag:$0x3] =	stream.linear.gather [hbm4b:s12+s5], $0x50, $0x38;
	[tilespmem:$0x1F400] =	vst v63  }
0x69: {  	s15 =	rddreg [dreg:$0xe]  }
0x6a: {  	[tilespmem:s19], [sflag:$0x4] =	stream.linear.gather [hbm4b:s15+s5], $0x50, $0x38;
	[tilespmem:$0x1F400] =	vst v63  }
0x6b: {  	s31 =	rddreg [dreg:$0x10]  }
0x6c: {  	[tilespmem:s20], [sflag:$0x4] =	stream.linear.gather [hbm4b:s31+s5], $0x50, $0x38;
	[tilespmem:$0x1F400] =	vst v63  }
0x6d: {  	_ =	swait.ge [sflag:s21], $0x50  }
.Ltmp3:
0x6e: {  	[sflag:s21] =	ssyncset.done $0x0;
	(pc) =	sbr.rel @!p0 .LBB2_4-.Ltmp3, $4  }
0x6f: {  	[sflag:s21] =	ssyncadd.s32 $0xFFFFFFB0  }
0x70: {  	_ =	swait.ge [sflag:s21], $0x50  }
0x71: {  	[sflag:s21] =	ssyncset.done $0x0  }
0x72: {  	s12 =	simm.s32 $0x0;
	[sflag:s21] =	ssyncadd.s32 $0xFFFFFFB0  }
0x73: {  	[tilespmem:s25], [sflag:$0x5] =	stream.indirect.gather [hbm4b:s2+s24], $0x80, s12, s24, $0xb8;
	[tilespmem:$0x1F400] =	vst v63  }
0x74: {  	_ =	swait.ge [sflag:s26], $0x50  }
0x75: {  	[sflag:s26] =	ssyncset.done $0x0  }
0x76: {  	[sflag:s26] =	ssyncadd.s32 $0xFFFFFFB0  }
0x77: {  	_ =	swait.ge [sflag:s26], $0x50  }
0x78: {  	[sflag:s26] =	ssyncset.done $0x0  }
0x79: {  	[sflag:s26] =	ssyncadd.s32 $0xFFFFFFB0  }
0x7a: {  	[tilespmem:s28], [sflag:$0x6] =	stream.indirect.gather [hbm4b:s2+s24], $0x80, s14, s24, $0xb8;
	[tilespmem:$0x1F400] =	vst v63  }
0x7b: {  	_ =	swait.ge [sflag:s29], $0x50  }
0x7c: {  	[sflag:s29] =	ssyncset.done $0x0  }
0x7d: {  	[sflag:s29] =	ssyncadd.s32 $0xFFFFFFB0  }
0x7e: {  	_ =	swait.ge [sflag:s29], $0x50  }
0x7f: {  	[sflag:s29] =	ssyncset.done $0x0  }
0x80: {  	[sflag:s29] =	ssyncadd.s32 $0xFFFFFFB0  }
0x81: {  	[tilespmem:s30], [sflag:$0x7] =	stream.indirect.gather [hbm4b:s2+s24], $0x80, s17, s24, $0xb8;
	[tilespmem:$0x1F400] =	vst v63  }
0x82: {  	s15 =	simm.s32 $0xA400;
	s11 =	rddreg [dreg:$0xf]  }
0x83: {  	[spmem:s11] =	stream.linear.scatter [tilespmem:s15], [sflag:$0x9], $0x1000, $0x38;
	[tilespmem:$0x1F400] =	vst v63  }
0x84: {  	_ =	swait.ge [sflag:s0], $0x1000  }
0x85: {  	[sflag:s0] =	ssyncset.done $0x0  }
0x86: {  	s31 =	rddreg [dreg:$0x11];
	[sflag:s0] =	ssyncadd.s32 $0xFFFFF000  }
0x87: {  	[spmem:s31] =	stream.linear.scatter [tilespmem:s15], [sflag:$0x9], $0x1000, $0x38;
	[tilespmem:$0x1F400] =	vst v63  }
0x88: {  	_ =	swait.ge [sflag:s0], $0x1000  }
0x89: {  	[sflag:s0] =	ssyncset.done $0x0  }
0x8a: {  	s31 =	rddreg [dreg:$0x12];
	[sflag:s0] =	ssyncadd.s32 $0xFFFFF000  }
0x8b: {  	[spmem:s31] =	stream.linear.scatter [tilespmem:s15], [sflag:$0x9], $0x1000, $0x38;
	[tilespmem:$0x1F400] =	vst v63  }
0x8c: {  	_ =	swait.ge [sflag:s0], $0x1000  }
0x8d: {  	[sflag:s0] =	ssyncset.done $0x0  }
0x8e: {  	s31 =	rddreg [dreg:$0x13];
	[sflag:s0] =	ssyncadd.s32 $0xFFFFF000  }
0x8f: {  	[spmem:s31] =	stream.linear.scatter [tilespmem:s15], [sflag:$0x9], $0x1000, $0x38;
	[tilespmem:$0x1F400] =	vst v63  }
0x90: {  	_ =	swait.ge [sflag:s0], $0x1000  }
0x91: {  	[sflag:s0] =	ssyncset.done $0x0  }
0x92: {  	s31 =	rddreg [dreg:$0x14];
	[sflag:s0] =	ssyncadd.s32 $0xFFFFF000  }
0x93: {  	[spmem:s31] =	stream.linear.scatter [tilespmem:s15], [sflag:$0x9], $0x1000, $0x38;
	[tilespmem:$0x1F400] =	vst v63  }
0x94: {  	_ =	swait.ge [sflag:s0], $0x1000  }
0x95: {  	[sflag:s0] =	ssyncset.done $0x0  }
0x96: {  	s31 =	rddreg [dreg:$0x15];
	[sflag:s0] =	ssyncadd.s32 $0xFFFFF000  }
0x97: {  	[spmem:s31] =	stream.linear.scatter [tilespmem:s15], [sflag:$0x9], $0x1000, $0x38;
	[tilespmem:$0x1F400] =	vst v63  }
0x98: {  	_ =	swait.ge [sflag:s0], $0x1000  }
0x99: {  	[sflag:s0] =	ssyncset.done $0x0  }
0x9a: {  	s31 =	rddreg [dreg:$0x16];
	[sflag:s0] =	ssyncadd.s32 $0xFFFFF000  }
0x9b: {  	[spmem:s31] =	stream.linear.scatter [tilespmem:s15], [sflag:$0x9], $0x1000, $0x38;
	[tilespmem:$0x1F400] =	vst v63  }
0x9c: {  	_ =	swait.ge [sflag:s0], $0x1000  }
0x9d: {  	[sflag:s0] =	ssyncset.done $0x0  }
0x9e: {  	s31 =	rddreg [dreg:$0x18];
	[sflag:s0] =	ssyncadd.s32 $0xFFFFF000  }
0x9f: {  	[spmem:s31] =	stream.linear.scatter [tilespmem:s15], [sflag:$0x9], $0x1000, $0x38;
	[tilespmem:$0x1F400] =	vst v63  }
0xa0: {  	_ =	swait.ge [sflag:s0], $0x1000  }
0xa1: {  	[sflag:s0] =	ssyncset.done $0x0  }
0xa2: {  	s31 =	rddreg [dreg:$0x19];
	[sflag:s0] =	ssyncadd.s32 $0xFFFFF000  }
0xa3: {  	[spmem:s31] =	stream.linear.scatter [tilespmem:s15], [sflag:$0x9], $0x1000, $0x38;
	[tilespmem:$0x1F400] =	vst v63  }
0xa4: {  	_ =	swait.ge [sflag:s0], $0x1000  }
0xa5: {  	[sflag:s0] =	ssyncset.done $0x0  }
0xa6: {  	s31 =	rddreg [dreg:$0x1a];
	[sflag:s0] =	ssyncadd.s32 $0xFFFFF000  }
0xa7: {  	[spmem:s31] =	stream.linear.scatter [tilespmem:s15], [sflag:$0x9], $0x1000, $0x38;
	[tilespmem:$0x1F400] =	vst v63  }
0xa8: {  	_ =	swait.ge [sflag:s0], $0x1000  }
0xa9: {  	[sflag:s0] =	ssyncset.done $0x0  }
0xaa: {  	s31 =	rddreg [dreg:$0x1b];
	[sflag:s0] =	ssyncadd.s32 $0xFFFFF000  }
0xab: {  	[spmem:s31] =	stream.linear.scatter [tilespmem:s15], [sflag:$0x9], $0x1000, $0x38;
	[tilespmem:$0x1F400] =	vst v63  }
0xac: {  	_ =	swait.ge [sflag:s0], $0x1000  }
0xad: {  	[sflag:s0] =	ssyncset.done $0x0  }
0xae: {  	s31 =	rddreg [dreg:$0x1c];
	[sflag:s0] =	ssyncadd.s32 $0xFFFFF000  }
0xaf: {  	[spmem:s31] =	stream.linear.scatter [tilespmem:s15], [sflag:$0x9], $0x1000, $0x38;
	[tilespmem:$0x1F400] =	vst v63  }
0xb0: {  	_ =	swait.ge [sflag:s0], $0x1000  }
0xb1: {  	[sflag:s0] =	ssyncset.done $0x0  }
0xb2: {  	s31 =	rddreg [dreg:$0x1d];
	[sflag:s0] =	ssyncadd.s32 $0xFFFFF000  }
0xb3: {  	[spmem:s31] =	stream.linear.scatter [tilespmem:s15], [sflag:$0x9], $0x1000, $0x38;
	[tilespmem:$0x1F400] =	vst v63  }
0xb4: {  	_ =	swait.ge [sflag:s0], $0x1000  }
0xb5: {  	[sflag:s0] =	ssyncset.done $0x0  }
0xb6: {  	s31 =	rddreg [dreg:$0x1e];
	[sflag:s0] =	ssyncadd.s32 $0xFFFFF000  }
0xb7: {  	[spmem:s31] =	stream.linear.scatter [tilespmem:s15], [sflag:$0x9], $0x1000, $0x38;
	[tilespmem:$0x1F400] =	vst v63  }
0xb8: {  	_ =	swait.ge [sflag:s0], $0x1000  }
0xb9: {  	[sflag:s0] =	ssyncset.done $0x0  }
0xba: {  	s31 =	rddreg [dreg:$0x1f];
	[sflag:s0] =	ssyncadd.s32 $0xFFFFF000  }
0xbb: {  	[spmem:s31] =	stream.linear.scatter [tilespmem:s15], [sflag:$0x9], $0x1000, $0x38;
	[tilespmem:$0x1F400] =	vst v63  }
0xbc: {  	_ =	swait.ge [sflag:s0], $0x1000  }
0xbd: {  	s31 =	sld [smem:$0x7F8]  }
0xbe: {  	[sflag:s0] =	ssyncset.done $0x0  }
0xbf: {  	[sflag:s0] =	ssyncadd.s32 $0xFFFFF000  }
0xc0: {  	[spmem:s31] =	stream.linear.scatter [tilespmem:s15], [sflag:$0x9], $0x1000, $0x38;
	[tilespmem:$0x1F400] =	vst v63  }
0xc1: {  	_ =	swait.ge [sflag:s0], $0x1000  }
0xc2: {  	s31 =	sld [smem:$0x7F9]  }
0xc3: {  	[sflag:s0] =	ssyncset.done $0x0  }
0xc4: {  	[sflag:s0] =	ssyncadd.s32 $0xFFFFF000  }
0xc5: {  	[spmem:s31] =	stream.linear.scatter [tilespmem:s15], [sflag:$0x9], $0x1000, $0x38;
	[tilespmem:$0x1F400] =	vst v63  }
0xc6: {  	_ =	swait.ge [sflag:s0], $0x1000  }
0xc7: {  	s31 =	sld [smem:$0x7FA]  }
0xc8: {  	[sflag:s0] =	ssyncset.done $0x0  }
0xc9: {  	[sflag:s0] =	ssyncadd.s32 $0xFFFFF000  }
0xca: {  	[spmem:s31] =	stream.linear.scatter [tilespmem:s15], [sflag:$0x9], $0x1000, $0x38;
	[tilespmem:$0x1F400] =	vst v63  }
0xcb: {  	_ =	swait.ge [sflag:s0], $0x1000  }
0xcc: {  	s31 =	sld [smem:$0x7FB]  }
0xcd: {  	[sflag:s0] =	ssyncset.done $0x0  }
0xce: {  	[sflag:s0] =	ssyncadd.s32 $0xFFFFF000  }
0xcf: {  	[spmem:s31] =	stream.linear.scatter [tilespmem:s15], [sflag:$0x9], $0x1000, $0x38;
	[tilespmem:$0x1F400] =	vst v63  }
0xd0: {  	_ =	swait.ge [sflag:s0], $0x1000  }
0xd1: {  	s31 =	sld [smem:$0x7FC]  }
0xd2: {  	[sflag:s0] =	ssyncset.done $0x0  }
0xd3: {  	[sflag:s0] =	ssyncadd.s32 $0xFFFFF000  }
0xd4: {  	[spmem:s31] =	stream.linear.scatter [tilespmem:s15], [sflag:$0x9], $0x1000, $0x38;
	[tilespmem:$0x1F400] =	vst v63  }
0xd5: {  	_ =	swait.ge [sflag:s0], $0x1000  }
0xd6: {  	[sflag:s0] =	ssyncset.done $0x0  }
0xd7: {  	[sflag:s0] =	ssyncadd.s32 $0xFFFFF000  }
0xd8: {  	[bflag:$0x0] =	sbarrier.arrive $0xFFFF  }
.LBB2_9:
0xd9: {  	_ =	swait.ge [sflag:s6], $0x2800  }
0xda: {  	[sflag:s6] =	ssyncset.done $0x0  }
0xdb: {  	[sflag:s6] =	ssyncadd.s32 $0xFFFFD800  }
0xdc: {  	[spmem:s3] =	stream.indirect.scatter.add.f32 [tilespmem:s25], [sflag:$0x9], $0x80, s13, s24, $0xb8;
	[tilespmem:$0x1F400] =	vst v63  }
0xdd: {  	_ =	swait.ge [sflag:s0], $0x2800  }
0xde: {  	[sflag:s0] =	ssyncset.done $0x0  }
0xdf: {  	[sflag:s0] =	ssyncadd.s32 $0xFFFFD800  }
0xe0: {  	_ =	swait.ge [sflag:s7], $0x50  }
0xe1: {  	[sflag:s7] =	ssyncset.done $0x0  }
0xe2: {  	[sflag:s7] =	ssyncadd.s32 $0xFFFFFFB0  }
0xe3: {  	_ =	swait.ge [sflag:s7], $0x50  }
0xe4: {  	[sflag:s7] =	ssyncset.done $0x0  }
0xe5: {  	s15 =	sadd.s32 s12, s23;
	[sflag:s7] =	ssyncadd.s32 $0xFFFFFFB0  }
0xe6: {  	[tilespmem:s4], [sflag:$0x8] =	stream.indirect.gather [hbm4b:s2+s24], $0x80, s19, s24, $0xb8;
	[tilespmem:$0x1F400] =	vst v63  }
0xe7: {  	s11 =	sadd.s32 $0x28, s15  }
0xe8: {  	[tilespmem:s5], [sflag:$0x1] =	stream.linear.gather [hbm4b:s11+s5], $0x50, $0x38;
	[tilespmem:$0x1F400] =	vst v63  }
0xe9: {  	s11 =	sadd.s32 s12, s22  }
0xea: {  	s31 =	sadd.s32 $0x28, s11  }
0xeb: {  	[tilespmem:s13], [sflag:$0x1] =	stream.linear.gather [hbm4b:s31+s5], $0x50, $0x38;
	[tilespmem:$0x1F400] =	vst v63  }
0xec: {  	_ =	swait.ge [sflag:s8], $0x2800  }
0xed: {  	[sflag:s8] =	ssyncset.done $0x0  }
0xee: {  	[sflag:s8] =	ssyncadd.s32 $0xFFFFD800  }
0xef: {  	[spmem:s3] =	stream.indirect.scatter.add.f32 [tilespmem:s28], [sflag:$0x9], $0x80, s16, s24, $0xb8;
	[tilespmem:$0x1F400] =	vst v63  }
0xf0: {  	_ =	swait.ge [sflag:s0], $0x2800  }
0xf1: {  	[sflag:s0] =	ssyncset.done $0x0  }
0xf2: {  	[sflag:s0] =	ssyncadd.s32 $0xFFFFD800  }
0xf3: {  	_ =	swait.ge [sflag:s21], $0x50  }
0xf4: {  	[sflag:s21] =	ssyncset.done $0x0  }
0xf5: {  	[sflag:s21] =	ssyncadd.s32 $0xFFFFFFB0  }
0xf6: {  	_ =	swait.ge [sflag:s21], $0x50  }
0xf7: {  	[sflag:s21] =	ssyncset.done $0x0  }
0xf8: {  	[sflag:s21] =	ssyncadd.s32 $0xFFFFFFB0  }
0xf9: {  	[tilespmem:s25], [sflag:$0x5] =	stream.indirect.gather [hbm4b:s2+s24], $0x80, s5, s24, $0xb8;
	[tilespmem:$0x1F400] =	vst v63  }
0xfa: {  	s31 =	sadd.s32 $0x32, s15  }
0xfb: {  	[tilespmem:s14], [sflag:$0x2] =	stream.linear.gather [hbm4b:s31+s5], $0x50, $0x38;
	[tilespmem:$0x1F400] =	vst v63  }
0xfc: {  	s31 =	sadd.s32 $0x32, s11  }
0xfd: {  	[tilespmem:s16], [sflag:$0x2] =	stream.linear.gather [hbm4b:s31+s5], $0x50, $0x38;
	[tilespmem:$0x1F400] =	vst v63  }
0xfe: {  	_ =	swait.ge [sflag:s9], $0x2800  }
0xff: {  	[sflag:s9] =	ssyncset.done $0x0  }
0x100: {  	[sflag:s9] =	ssyncadd.s32 $0xFFFFD800  }
0x101: {  	[spmem:s3] =	stream.indirect.scatter.add.f32 [tilespmem:s30], [sflag:$0x9], $0x80, s18, s24, $0xb8;
	[tilespmem:$0x1F400] =	vst v63  }
0x102: {  	_ =	swait.ge [sflag:s0], $0x2800  }
0x103: {  	[sflag:s0] =	ssyncset.done $0x0  }
0x104: {  	[sflag:s0] =	ssyncadd.s32 $0xFFFFD800  }
0x105: {  	_ =	swait.ge [sflag:s26], $0x50  }
0x106: {  	p1 =	seq.s32 s12, $0x988;
	[sflag:s26] =	ssyncset.done $0x0  }
.Ltmp4:
0x107: {  	[sflag:s26] =	ssyncadd.s32 $0xFFFFFFB0;
	(pc) =	sbr.rel @p1 .LBB2_10-.Ltmp4, $4  }
0x108: {  	_ =	swait.ge [sflag:s26], $0x50  }
0x109: {  	[sflag:s26] =	ssyncset.done $0x0  }
0x10a: {  	[sflag:s26] =	ssyncadd.s32 $0xFFFFFFB0  }
0x10b: {  	[tilespmem:s28], [sflag:$0x6] =	stream.indirect.gather [hbm4b:s2+s24], $0x80, s14, s24, $0xb8;
	[tilespmem:$0x1F400] =	vst v63  }
0x10c: {  	s31 =	sadd.s32 $0x3C, s15  }
0x10d: {  	[tilespmem:s17], [sflag:$0x3] =	stream.linear.gather [hbm4b:s31+s5], $0x50, $0x38;
	[tilespmem:$0x1F400] =	vst v63  }
0x10e: {  	s31 =	sadd.s32 $0x3C, s11  }
0x10f: {  	[tilespmem:s18], [sflag:$0x3] =	stream.linear.gather [hbm4b:s31+s5], $0x50, $0x38;
	[tilespmem:$0x1F400] =	vst v63  }
0x110: {  	_ =	swait.ge [sflag:s10], $0x2800  }
0x111: {  	[sflag:s10] =	ssyncset.done $0x0  }
0x112: {  	[sflag:s10] =	ssyncadd.s32 $0xFFFFD800  }
0x113: {  	[spmem:s3] =	stream.indirect.scatter.add.f32 [tilespmem:s4], [sflag:$0x9], $0x80, s20, s24, $0xb8;
	[tilespmem:$0x1F400] =	vst v63  }
0x114: {  	_ =	swait.ge [sflag:s0], $0x2800  }
0x115: {  	[sflag:s0] =	ssyncset.done $0x0  }
0x116: {  	[sflag:s0] =	ssyncadd.s32 $0xFFFFD800  }
0x117: {  	_ =	swait.ge [sflag:s29], $0x50  }
0x118: {  	[sflag:s29] =	ssyncset.done $0x0  }
0x119: {  	[sflag:s29] =	ssyncadd.s32 $0xFFFFFFB0  }
0x11a: {  	_ =	swait.ge [sflag:s29], $0x50  }
0x11b: {  	[sflag:s29] =	ssyncset.done $0x0  }
0x11c: {  	[sflag:s29] =	ssyncadd.s32 $0xFFFFFFB0  }
0x11d: {  	[tilespmem:s30], [sflag:$0x7] =	stream.indirect.gather [hbm4b:s2+s24], $0x80, s17, s24, $0xb8;
	[tilespmem:$0x1F400] =	vst v63  }
.Ltmp5:
0x11e: {  	_ = 	snop;
	(pc) =	sbr.rel .LBB2_9-.Ltmp5, $4  }
0x11f: {  	s31 =	sadd.s32 $0x46, s15  }
0x120: {  	[tilespmem:s19], [sflag:$0x4] =	stream.linear.gather [hbm4b:s31+s5], $0x50, $0x38;
	[tilespmem:$0x1F400] =	vst v63  }
0x121: {  	s12 =	sadd.s32 $0x28, s12;
	s31 =	sadd.s32 $0x46, s11  }
0x122: {  	[tilespmem:s20], [sflag:$0x4] =	stream.linear.gather [hbm4b:s31+s5], $0x50, $0x38;
	[tilespmem:$0x1F400] =	vst v63  }
.LBB2_4:
0x123: {  	[tilespmem:s25], [sflag:$0x5] =	stream.indirect.gather [hbm4b:s1+s24], $0x80, s12, s24, $0xb8;
	[tilespmem:$0x1F400] =	vst v63  }
0x124: {  	_ =	swait.ge [sflag:s26], $0x50  }
0x125: {  	[sflag:s26] =	ssyncset.done $0x0  }
0x126: {  	[sflag:s26] =	ssyncadd.s32 $0xFFFFFFB0  }
0x127: {  	_ =	swait.ge [sflag:s26], $0x50  }
0x128: {  	[sflag:s26] =	ssyncset.done $0x0  }
0x129: {  	[sflag:s26] =	ssyncadd.s32 $0xFFFFFFB0  }
0x12a: {  	[tilespmem:s28], [sflag:$0x6] =	stream.indirect.gather [hbm4b:s1+s24], $0x80, s14, s24, $0xb8;
	[tilespmem:$0x1F400] =	vst v63  }
0x12b: {  	_ =	swait.ge [sflag:s29], $0x50  }
0x12c: {  	[sflag:s29] =	ssyncset.done $0x0  }
0x12d: {  	[sflag:s29] =	ssyncadd.s32 $0xFFFFFFB0  }
0x12e: {  	_ =	swait.ge [sflag:s29], $0x50  }
0x12f: {  	[sflag:s29] =	ssyncset.done $0x0  }
0x130: {  	[sflag:s29] =	ssyncadd.s32 $0xFFFFFFB0  }
0x131: {  	[tilespmem:s30], [sflag:$0x7] =	stream.indirect.gather [hbm4b:s1+s24], $0x80, s17, s24, $0xb8;
	[tilespmem:$0x1F400] =	vst v63  }
0x132: {  	s15 =	simm.s32 $0xA400;
	s11 =	rddreg [dreg:$0xf]  }
0x133: {  	[spmem:s11] =	stream.linear.scatter [tilespmem:s15], [sflag:$0x9], $0x1000, $0x38;
	[tilespmem:$0x1F400] =	vst v63  }
0x134: {  	_ =	swait.ge [sflag:s0], $0x1000  }
0x135: {  	[sflag:s0] =	ssyncset.done $0x0  }
0x136: {  	s31 =	rddreg [dreg:$0x11];
	[sflag:s0] =	ssyncadd.s32 $0xFFFFF000  }
0x137: {  	[spmem:s31] =	stream.linear.scatter [tilespmem:s15], [sflag:$0x9], $0x1000, $0x38;
	[tilespmem:$0x1F400] =	vst v63  }
0x138: {  	_ =	swait.ge [sflag:s0], $0x1000  }
0x139: {  	[sflag:s0] =	ssyncset.done $0x0  }
0x13a: {  	s31 =	rddreg [dreg:$0x12];
	[sflag:s0] =	ssyncadd.s32 $0xFFFFF000  }
0x13b: {  	[spmem:s31] =	stream.linear.scatter [tilespmem:s15], [sflag:$0x9], $0x1000, $0x38;
	[tilespmem:$0x1F400] =	vst v63  }
0x13c: {  	_ =	swait.ge [sflag:s0], $0x1000  }
0x13d: {  	[sflag:s0] =	ssyncset.done $0x0  }
0x13e: {  	s31 =	rddreg [dreg:$0x13];
	[sflag:s0] =	ssyncadd.s32 $0xFFFFF000  }
0x13f: {  	[spmem:s31] =	stream.linear.scatter [tilespmem:s15], [sflag:$0x9], $0x1000, $0x38;
	[tilespmem:$0x1F400] =	vst v63  }
0x140: {  	_ =	swait.ge [sflag:s0], $0x1000  }
0x141: {  	[sflag:s0] =	ssyncset.done $0x0  }
0x142: {  	s31 =	rddreg [dreg:$0x14];
	[sflag:s0] =	ssyncadd.s32 $0xFFFFF000  }
0x143: {  	[spmem:s31] =	stream.linear.scatter [tilespmem:s15], [sflag:$0x9], $0x1000, $0x38;
	[tilespmem:$0x1F400] =	vst v63  }
0x144: {  	_ =	swait.ge [sflag:s0], $0x1000  }
0x145: {  	[sflag:s0] =	ssyncset.done $0x0  }
0x146: {  	s31 =	rddreg [dreg:$0x15];
	[sflag:s0] =	ssyncadd.s32 $0xFFFFF000  }
0x147: {  	[spmem:s31] =	stream.linear.scatter [tilespmem:s15], [sflag:$0x9], $0x1000, $0x38;
	[tilespmem:$0x1F400] =	vst v63  }
0x148: {  	_ =	swait.ge [sflag:s0], $0x1000  }
0x149: {  	[sflag:s0] =	ssyncset.done $0x0  }
0x14a: {  	s31 =	rddreg [dreg:$0x16];
	[sflag:s0] =	ssyncadd.s32 $0xFFFFF000  }
0x14b: {  	[spmem:s31] =	stream.linear.scatter [tilespmem:s15], [sflag:$0x9], $0x1000, $0x38;
	[tilespmem:$0x1F400] =	vst v63  }
0x14c: {  	_ =	swait.ge [sflag:s0], $0x1000  }
0x14d: {  	[sflag:s0] =	ssyncset.done $0x0  }
0x14e: {  	s31 =	rddreg [dreg:$0x18];
	[sflag:s0] =	ssyncadd.s32 $0xFFFFF000  }
0x14f: {  	[spmem:s31] =	stream.linear.scatter [tilespmem:s15], [sflag:$0x9], $0x1000, $0x38;
	[tilespmem:$0x1F400] =	vst v63  }
0x150: {  	_ =	swait.ge [sflag:s0], $0x1000  }
0x151: {  	[sflag:s0] =	ssyncset.done $0x0  }
0x152: {  	s31 =	rddreg [dreg:$0x19];
	[sflag:s0] =	ssyncadd.s32 $0xFFFFF000  }
0x153: {  	[spmem:s31] =	stream.linear.scatter [tilespmem:s15], [sflag:$0x9], $0x1000, $0x38;
	[tilespmem:$0x1F400] =	vst v63  }
0x154: {  	_ =	swait.ge [sflag:s0], $0x1000  }
0x155: {  	[sflag:s0] =	ssyncset.done $0x0  }
0x156: {  	s31 =	rddreg [dreg:$0x1a];
	[sflag:s0] =	ssyncadd.s32 $0xFFFFF000  }
0x157: {  	[spmem:s31] =	stream.linear.scatter [tilespmem:s15], [sflag:$0x9], $0x1000, $0x38;
	[tilespmem:$0x1F400] =	vst v63  }
0x158: {  	_ =	swait.ge [sflag:s0], $0x1000  }
0x159: {  	[sflag:s0] =	ssyncset.done $0x0  }
0x15a: {  	s31 =	rddreg [dreg:$0x1b];
	[sflag:s0] =	ssyncadd.s32 $0xFFFFF000  }
0x15b: {  	[spmem:s31] =	stream.linear.scatter [tilespmem:s15], [sflag:$0x9], $0x1000, $0x38;
	[tilespmem:$0x1F400] =	vst v63  }
0x15c: {  	_ =	swait.ge [sflag:s0], $0x1000  }
0x15d: {  	[sflag:s0] =	ssyncset.done $0x0  }
0x15e: {  	s31 =	rddreg [dreg:$0x1c];
	[sflag:s0] =	ssyncadd.s32 $0xFFFFF000  }
0x15f: {  	[spmem:s31] =	stream.linear.scatter [tilespmem:s15], [sflag:$0x9], $0x1000, $0x38;
	[tilespmem:$0x1F400] =	vst v63  }
0x160: {  	_ =	swait.ge [sflag:s0], $0x1000  }
0x161: {  	[sflag:s0] =	ssyncset.done $0x0  }
0x162: {  	s31 =	rddreg [dreg:$0x1d];
	[sflag:s0] =	ssyncadd.s32 $0xFFFFF000  }
0x163: {  	[spmem:s31] =	stream.linear.scatter [tilespmem:s15], [sflag:$0x9], $0x1000, $0x38;
	[tilespmem:$0x1F400] =	vst v63  }
0x164: {  	_ =	swait.ge [sflag:s0], $0x1000  }
0x165: {  	[sflag:s0] =	ssyncset.done $0x0  }
0x166: {  	s31 =	rddreg [dreg:$0x1e];
	[sflag:s0] =	ssyncadd.s32 $0xFFFFF000  }
0x167: {  	[spmem:s31] =	stream.linear.scatter [tilespmem:s15], [sflag:$0x9], $0x1000, $0x38;
	[tilespmem:$0x1F400] =	vst v63  }
0x168: {  	_ =	swait.ge [sflag:s0], $0x1000  }
0x169: {  	[sflag:s0] =	ssyncset.done $0x0  }
0x16a: {  	s31 =	rddreg [dreg:$0x1f];
	[sflag:s0] =	ssyncadd.s32 $0xFFFFF000  }
0x16b: {  	[spmem:s31] =	stream.linear.scatter [tilespmem:s15], [sflag:$0x9], $0x1000, $0x38;
	[tilespmem:$0x1F400] =	vst v63  }
0x16c: {  	_ =	swait.ge [sflag:s0], $0x1000  }
0x16d: {  	s31 =	sld [smem:$0x7F8]  }
0x16e: {  	[sflag:s0] =	ssyncset.done $0x0  }
0x16f: {  	[sflag:s0] =	ssyncadd.s32 $0xFFFFF000  }
0x170: {  	[spmem:s31] =	stream.linear.scatter [tilespmem:s15], [sflag:$0x9], $0x1000, $0x38;
	[tilespmem:$0x1F400] =	vst v63  }
0x171: {  	_ =	swait.ge [sflag:s0], $0x1000  }
0x172: {  	s31 =	sld [smem:$0x7F9]  }
0x173: {  	[sflag:s0] =	ssyncset.done $0x0  }
0x174: {  	[sflag:s0] =	ssyncadd.s32 $0xFFFFF000  }
0x175: {  	[spmem:s31] =	stream.linear.scatter [tilespmem:s15], [sflag:$0x9], $0x1000, $0x38;
	[tilespmem:$0x1F400] =	vst v63  }
0x176: {  	_ =	swait.ge [sflag:s0], $0x1000  }
0x177: {  	s31 =	sld [smem:$0x7FA]  }
0x178: {  	[sflag:s0] =	ssyncset.done $0x0  }
0x179: {  	[sflag:s0] =	ssyncadd.s32 $0xFFFFF000  }
0x17a: {  	[spmem:s31] =	stream.linear.scatter [tilespmem:s15], [sflag:$0x9], $0x1000, $0x38;
	[tilespmem:$0x1F400] =	vst v63  }
0x17b: {  	_ =	swait.ge [sflag:s0], $0x1000  }
0x17c: {  	s31 =	sld [smem:$0x7FB]  }
0x17d: {  	[sflag:s0] =	ssyncset.done $0x0  }
0x17e: {  	[sflag:s0] =	ssyncadd.s32 $0xFFFFF000  }
0x17f: {  	[spmem:s31] =	stream.linear.scatter [tilespmem:s15], [sflag:$0x9], $0x1000, $0x38;
	[tilespmem:$0x1F400] =	vst v63  }
0x180: {  	_ =	swait.ge [sflag:s0], $0x1000  }
0x181: {  	s31 =	sld [smem:$0x7FC]  }
0x182: {  	[sflag:s0] =	ssyncset.done $0x0  }
0x183: {  	[sflag:s0] =	ssyncadd.s32 $0xFFFFF000  }
0x184: {  	[spmem:s31] =	stream.linear.scatter [tilespmem:s15], [sflag:$0x9], $0x1000, $0x38;
	[tilespmem:$0x1F400] =	vst v63  }
0x185: {  	_ =	swait.ge [sflag:s0], $0x1000  }
0x186: {  	[sflag:s0] =	ssyncset.done $0x0  }
0x187: {  	[sflag:s0] =	ssyncadd.s32 $0xFFFFF000  }
0x188: {  	[bflag:$0x0] =	sbarrier.arrive $0xFFFF  }
.LBB2_5:
0x189: {  	_ =	swait.ge [sflag:s6], $0x2800  }
0x18a: {  	[sflag:s6] =	ssyncset.done $0x0  }
0x18b: {  	[sflag:s6] =	ssyncadd.s32 $0xFFFFD800  }
0x18c: {  	[spmem:s3] =	stream.indirect.scatter.add.f32 [tilespmem:s25], [sflag:$0x9], $0x80, s13, s24, $0xb8;
	[tilespmem:$0x1F400] =	vst v63  }
0x18d: {  	_ =	swait.ge [sflag:s0], $0x2800  }
0x18e: {  	[sflag:s0] =	ssyncset.done $0x0  }
0x18f: {  	[sflag:s0] =	ssyncadd.s32 $0xFFFFD800  }
0x190: {  	_ =	swait.ge [sflag:s7], $0x50  }
0x191: {  	[sflag:s7] =	ssyncset.done $0x0  }
0x192: {  	[sflag:s7] =	ssyncadd.s32 $0xFFFFFFB0  }
0x193: {  	_ =	swait.ge [sflag:s7], $0x50  }
0x194: {  	[sflag:s7] =	ssyncset.done $0x0  }
0x195: {  	s15 =	sadd.s32 s12, s23;
	[sflag:s7] =	ssyncadd.s32 $0xFFFFFFB0  }
0x196: {  	[tilespmem:s4], [sflag:$0x8] =	stream.indirect.gather [hbm4b:s1+s24], $0x80, s19, s24, $0xb8;
	[tilespmem:$0x1F400] =	vst v63  }
0x197: {  	s11 =	sadd.s32 $0x28, s15  }
0x198: {  	[tilespmem:s5], [sflag:$0x1] =	stream.linear.gather [hbm4b:s11+s5], $0x50, $0x38;
	[tilespmem:$0x1F400] =	vst v63  }
0x199: {  	s11 =	sadd.s32 s12, s22  }
0x19a: {  	s31 =	sadd.s32 $0x28, s11  }
0x19b: {  	[tilespmem:s13], [sflag:$0x1] =	stream.linear.gather [hbm4b:s31+s5], $0x50, $0x38;
	[tilespmem:$0x1F400] =	vst v63  }
0x19c: {  	_ =	swait.ge [sflag:s8], $0x2800  }
0x19d: {  	[sflag:s8] =	ssyncset.done $0x0  }
0x19e: {  	[sflag:s8] =	ssyncadd.s32 $0xFFFFD800  }
0x19f: {  	[spmem:s3] =	stream.indirect.scatter.add.f32 [tilespmem:s28], [sflag:$0x9], $0x80, s16, s24, $0xb8;
	[tilespmem:$0x1F400] =	vst v63  }
0x1a0: {  	_ =	swait.ge [sflag:s0], $0x2800  }
0x1a1: {  	[sflag:s0] =	ssyncset.done $0x0  }
0x1a2: {  	[sflag:s0] =	ssyncadd.s32 $0xFFFFD800  }
0x1a3: {  	_ =	swait.ge [sflag:s21], $0x50  }
0x1a4: {  	[sflag:s21] =	ssyncset.done $0x0  }
0x1a5: {  	[sflag:s21] =	ssyncadd.s32 $0xFFFFFFB0  }
0x1a6: {  	_ =	swait.ge [sflag:s21], $0x50  }
0x1a7: {  	[sflag:s21] =	ssyncset.done $0x0  }
0x1a8: {  	[sflag:s21] =	ssyncadd.s32 $0xFFFFFFB0  }
0x1a9: {  	[tilespmem:s25], [sflag:$0x5] =	stream.indirect.gather [hbm4b:s1+s24], $0x80, s5, s24, $0xb8;
	[tilespmem:$0x1F400] =	vst v63  }
0x1aa: {  	s31 =	sadd.s32 $0x32, s15  }
0x1ab: {  	[tilespmem:s14], [sflag:$0x2] =	stream.linear.gather [hbm4b:s31+s5], $0x50, $0x38;
	[tilespmem:$0x1F400] =	vst v63  }
0x1ac: {  	s31 =	sadd.s32 $0x32, s11  }
0x1ad: {  	[tilespmem:s16], [sflag:$0x2] =	stream.linear.gather [hbm4b:s31+s5], $0x50, $0x38;
	[tilespmem:$0x1F400] =	vst v63  }
0x1ae: {  	_ =	swait.ge [sflag:s9], $0x2800  }
0x1af: {  	[sflag:s9] =	ssyncset.done $0x0  }
0x1b0: {  	[sflag:s9] =	ssyncadd.s32 $0xFFFFD800  }
0x1b1: {  	[spmem:s3] =	stream.indirect.scatter.add.f32 [tilespmem:s30], [sflag:$0x9], $0x80, s18, s24, $0xb8;
	[tilespmem:$0x1F400] =	vst v63  }
0x1b2: {  	_ =	swait.ge [sflag:s0], $0x2800  }
0x1b3: {  	[sflag:s0] =	ssyncset.done $0x0  }
0x1b4: {  	[sflag:s0] =	ssyncadd.s32 $0xFFFFD800  }
0x1b5: {  	_ =	swait.ge [sflag:s26], $0x50  }
0x1b6: {  	p1 =	seq.s32 s12, $0x988;
	[sflag:s26] =	ssyncset.done $0x0  }
.Ltmp6:
0x1b7: {  	[sflag:s26] =	ssyncadd.s32 $0xFFFFFFB0;
	(pc) =	sbr.rel @p1 .LBB2_6-.Ltmp6, $4  }
0x1b8: {  	_ =	swait.ge [sflag:s26], $0x50  }
0x1b9: {  	[sflag:s26] =	ssyncset.done $0x0  }
0x1ba: {  	[sflag:s26] =	ssyncadd.s32 $0xFFFFFFB0  }
0x1bb: {  	[tilespmem:s28], [sflag:$0x6] =	stream.indirect.gather [hbm4b:s1+s24], $0x80, s14, s24, $0xb8;
	[tilespmem:$0x1F400] =	vst v63  }
0x1bc: {  	s31 =	sadd.s32 $0x3C, s15  }
0x1bd: {  	[tilespmem:s17], [sflag:$0x3] =	stream.linear.gather [hbm4b:s31+s5], $0x50, $0x38;
	[tilespmem:$0x1F400] =	vst v63  }
0x1be: {  	s31 =	sadd.s32 $0x3C, s11  }
0x1bf: {  	[tilespmem:s18], [sflag:$0x3] =	stream.linear.gather [hbm4b:s31+s5], $0x50, $0x38;
	[tilespmem:$0x1F400] =	vst v63  }
0x1c0: {  	_ =	swait.ge [sflag:s10], $0x2800  }
0x1c1: {  	[sflag:s10] =	ssyncset.done $0x0  }
0x1c2: {  	[sflag:s10] =	ssyncadd.s32 $0xFFFFD800  }
0x1c3: {  	[spmem:s3] =	stream.indirect.scatter.add.f32 [tilespmem:s4], [sflag:$0x9], $0x80, s20, s24, $0xb8;
	[tilespmem:$0x1F400] =	vst v63  }
0x1c4: {  	_ =	swait.ge [sflag:s0], $0x2800  }
0x1c5: {  	[sflag:s0] =	ssyncset.done $0x0  }
0x1c6: {  	[sflag:s0] =	ssyncadd.s32 $0xFFFFD800  }
0x1c7: {  	_ =	swait.ge [sflag:s29], $0x50  }
0x1c8: {  	[sflag:s29] =	ssyncset.done $0x0  }
0x1c9: {  	[sflag:s29] =	ssyncadd.s32 $0xFFFFFFB0  }
0x1ca: {  	_ =	swait.ge [sflag:s29], $0x50  }
0x1cb: {  	[sflag:s29] =	ssyncset.done $0x0  }
0x1cc: {  	[sflag:s29] =	ssyncadd.s32 $0xFFFFFFB0  }
0x1cd: {  	[tilespmem:s30], [sflag:$0x7] =	stream.indirect.gather [hbm4b:s1+s24], $0x80, s17, s24, $0xb8;
	[tilespmem:$0x1F400] =	vst v63  }
.Ltmp7:
0x1ce: {  	_ = 	snop;
	(pc) =	sbr.rel .LBB2_5-.Ltmp7, $4  }
0x1cf: {  	s31 =	sadd.s32 $0x46, s15  }
0x1d0: {  	[tilespmem:s19], [sflag:$0x4] =	stream.linear.gather [hbm4b:s31+s5], $0x50, $0x38;
	[tilespmem:$0x1F400] =	vst v63  }
0x1d1: {  	s12 =	sadd.s32 $0x28, s12;
	s31 =	sadd.s32 $0x46, s11  }
0x1d2: {  	[tilespmem:s20], [sflag:$0x4] =	stream.linear.gather [hbm4b:s31+s5], $0x50, $0x38;
	[tilespmem:$0x1F400] =	vst v63  }
.LBB2_6:
.Ltmp8:
0x1d3: {  	(pc) =	sbr.rel .LBB2_11-.Ltmp8, $3  }
0x1d4: {  	_ =	sdelay $0x1  }
0x1d5: {  	s11 =	rddreg [dreg:$0x6]  }
0x1d6: {  	s31 =	sld [smem:$0x7F7]  }
.LBB2_12:
0x1d7: {  	_ =	sfence.sel $0x180000  }
0x1d8: {  	[bflag:$0x0] =	sbarrier.arrive $0xFFFF  }
0x1d9: {  	_ =	strace $0x90000047  }
0x1da: {  	s0 =	stileid.u32;
	[bflag:$0x2] =	sbarrier.arrive $0xFFFF  }
0x1db: {  	p0 =	sne.s32 s0, $0x0;
	s0 =	rddreg [dreg:$0x5]  }
0x1dc: {  	s0 =	sadd.s32 @!p0 $0x100000, s0  }
0x1dd: {  	[sflag:s0] =	ssyncadd.tile.s32 @!p0 $0x1;
	_ =	shalt  }
.Lfunc_end2:
_tile_overlayer_lowered:
.L_overlay_start_2:
0x1de: {  	(tag) =	ssettag $0x2  }
0x1df: {  	s0 =	rddreg [dreg:$0x0];
	s2 =	stileid.u32  }
0x1e0: {  	s1 =	rddreg [dreg:$0x1];
	p0 =	sne.s32 s2, $0x0  }
0x1e1: {  	s3 =	rddreg [dreg:$0x2];
	[bflag:$0x3] =	sbarrier.arrive $0xFFFF;
	s2 =	simm.s32 @!p0 $0x1C09  }
0x1e2: {  	[timem:s3], [sflag:s2] =	dma.local @!p0 [hbm:s0], s1  }
0x1e3: {  	s0 =	simm.s32 @!p0 $0x9  }
0x1e4: {  	_ =	swait.ge @!p0 [sflag:s0], s1  }
0x1e5: {  	s1 =	ssub.s32 @!p0 $0x0, s1;
	[sflag:s0] =	ssyncset.done @!p0 $0x0  }
0x1e6: {  	[sflag:s0] =	ssyncadd.s32 @!p0 s1  }
0x1e7: {  	[bflag:$0x3] =	sbarrier.arrive $0xFFFF  }
0x1e8: {  	_ =	shalt  }

</sc_bundles>
